<compile_context>
chip_gen: v7x
topology: tpu7x:2x2x1
jax: 0.10.2.dev20260603
libtpu: 0.0.44.dev20260713+nightly
codegen_flags: <defaults>
</compile_context>

<pallas_src>
import functools

import jax
import jax.numpy as jnp
from jax import lax
from jax.experimental import pallas as pl
from jax.experimental.pallas import tpu as pltpu
from jax.experimental.pallas import tpu_sc as plsc

MAX_SEQ = 8192
BATCH = 4096
HIST = 200
HIDDEN = 128

CHUNK = 32
NC, NS = 2, 16
NW = NC * NS
N_ROWS = BATCH * HIST
ROWS_PER_W = N_ROWS // NW
NCHUNK = ROWS_PER_W // CHUNK
NBUF = 8
PRIME = 4
OUT_DEPTH = 4

_MESH = plsc.VectorSubcoreMesh(
    core_axis_name="c", subcore_axis_name="s", num_cores=NC, num_subcores=NS)


@functools.partial(
    pl.kernel,
    out_type=jax.ShapeDtypeStruct((N_ROWS, HIDDEN), jnp.float32),
    mesh=_MESH,
    scratch_types=[
        pltpu.VMEM((NCHUNK * CHUNK // 128, 128), jnp.int32),
        pltpu.VMEM((NBUF, CHUNK, HIDDEN), jnp.float32),
        pltpu.VMEM_SHARED((MAX_SEQ, HIDDEN), jnp.float32),
        pltpu.SemaphoreType.DMA,
        pltpu.SemaphoreType.DMA,
    ],
)
def _embed_sc(x_hbm, table_hbm, out_hbm, idx_v, rows_v, tab_s, gsem, osem):
    sid = lax.axis_index("s")
    wid = sid * NC + lax.axis_index("c")
    base_row = wid * (NCHUNK * CHUNK // 128)
    base_out = wid * ROWS_PER_W

    rows_per_sub = MAX_SEQ // NS
    tcopy = pltpu.async_copy(
        table_hbm.at[pl.ds(sid * rows_per_sub, rows_per_sub)],
        tab_s.at[pl.ds(sid * rows_per_sub, rows_per_sub)], gsem)
    icopy = pltpu.async_copy(x_hbm.at[pl.ds(base_row, NCHUNK * CHUNK // 128)], idx_v, osem)
    tcopy.wait()
    icopy.wait()
    plsc.subcore_barrier()

    def idx_slice(i):
        per_row = 128 // CHUNK
        return idx_v.at[i // per_row, pl.ds((i % per_row) * CHUNK, CHUNK)]

    def start_gather(i, b):
        pltpu.async_copy(tab_s.at[idx_slice(i)], rows_v.at[b], gsem)

    def wait_gather(i, b):
        pltpu.make_async_copy(tab_s.at[idx_slice(i)], rows_v.at[b], gsem).wait()

    def start_out(i, b):
        pltpu.async_copy(
            rows_v.at[b], out_hbm.at[pl.ds(base_out + i * CHUNK, CHUNK)], osem)

    def wait_out():
        pltpu.make_async_copy(
            rows_v.at[0], out_hbm.at[pl.ds(base_out, CHUNK)], osem).wait()

    for b in range(PRIME):
        start_gather(b, b)

    def full_step(i, b):
        wait_gather(i, b)
        start_out(i, b)
        wait_out()
        start_gather(i + PRIME, (b + PRIME) % NBUF)

    for i in range(NBUF):
        wait_gather(i, i % NBUF)
        start_out(i, i % NBUF)
        if i >= OUT_DEPTH:
            wait_out()
        start_gather(i + PRIME, (i + PRIME) % NBUF)

    def group(g, carry):
        for b in range(NBUF):
            full_step(g * NBUF + b, b)
        return carry

    lax.fori_loop(1, NCHUNK // NBUF - 1, group, 0)

    for i in range(NCHUNK - NBUF, NCHUNK):
        wait_gather(i, i % NBUF)
        start_out(i, i % NBUF)
        wait_out()
        if i + PRIME < NCHUNK:
            start_gather(i + PRIME, (i + PRIME) % NBUF)
    for _ in range(OUT_DEPTH):
        wait_out()


def kernel(x, table):
    x2d = x.reshape(N_ROWS // 128, 128)
    out = _embed_sc(x2d, table)
    return out.reshape(BATCH, HIST, HIDDEN)

# --- scband reference (transcript-rebuilt; emitter-appended) ---
"""Pipeline reference for scband-position-embedding-42812234006884 (READ-ONLY COPY).

The authoritative reference and input builder live on the scoring server;
editing this copy changes nothing except your own understanding.
"""

import jax, jax.numpy as jnp
import numpy as np

MAX_SEQ_LEN = 8192
HIDDEN = 128
BATCH = 4096
HIST = 200

def setup_inputs(seed: int = 0) -> dict:
    key = jax.random.key(seed)
    k_idx, k_tab = jax.random.split(key)
    x = jax.random.randint(k_idx, (BATCH, HIST), 0, MAX_SEQ_LEN, dtype=jnp.int64 if jax.config.jax_enable_x64 else jnp.int32)
    table = jax.random.normal(k_tab, (MAX_SEQ_LEN, HIDDEN), dtype=jnp.float32) * 0.02
    return {"x": x, "table": table}

def reference(x, table):
    # nn.Embedding forward: gather rows of the position embedding table
    return jnp.take(table, x, axis=0)

if __name__ == "__main__":
    import jax
    _d = setup_inputs()
    print(jax.jit(kernel)(*tuple(_d.values())))

</pallas_src>

<mosaic_0001>
#map = affine_map<(d0, d1) -> (0, 0)>
module attributes {stable_mosaic.version = 14 : i64} {
  func.func @_embed_sc(%arg0: i32, %arg1: i32, %arg2: memref<6400x128xi32, #tpu.memory_space<hbm>>, %arg3: memref<8192x128xf32, #tpu.memory_space<hbm>>, %arg4: memref<819200x128xf32, #tpu.memory_space<hbm>>, %arg5: memref<200x128xi32, #tpu.memory_space<vmem>>, %arg6: memref<8x32x128xf32, #tpu.memory_space<vmem>>, %arg7: memref<8192x128xf32, #tpu.memory_space<vmem_shared>>, %arg8: memref<!tpu.dma_semaphore, #tpu.memory_space<semaphore_mem>>, %arg9: memref<!tpu.dma_semaphore, #tpu.memory_space<semaphore_mem>>) attributes {dimension_semantics = [#tpu.dimension_semantics<core_parallel>, #tpu.dimension_semantics<subcore_parallel>], iteration_bounds = array<i64: 2, 16>, scalar_prefetch = 0 : i64, scratch_operands = 5 : i64, tpu.core_type = #tpu.core_type<sc_vector_subcore>, window_params = [{transform_indices = #map}, {transform_indices = #map}, {transform_indices = #map}]} {
    %mul3A = arith.constant 2 : i32
    %mul3A_0 = arith.muli %arg1, %mul3A : i32
    %add3A = arith.addi %mul3A_0, %arg0 : i32
    %mul3A_1 = arith.constant 200 : i32
    %mul3A_2 = arith.muli %add3A, %mul3A_1 : i32
    %mul3A_3 = arith.constant 25600 : i32
    %mul3A_4 = arith.muli %add3A, %mul3A_3 : i32
    %mul3A_5 = arith.constant 512 : i32
    %mul3A_6 = arith.muli %arg1, %mul3A_5 : i32
    %mul3A_7 = arith.constant 512 : i32
    %mul3A_8 = arith.muli %arg1, %mul3A_7 : i32
    %dma_start3A = arith.constant 0 : i32
    %dma_start3A_9 = tpu.memref_slice %arg7[%mul3A_8, %dma_start3A] : memref<8192x128xf32, #tpu.memory_space<vmem_shared>> -> memref<512x128xf32, #tpu.memory_space<vmem_shared>>
    %dma_start3A_10 = arith.constant 0 : i32
    %dma_start3A_11 = tpu.memref_slice %arg3[%mul3A_6, %dma_start3A_10] : memref<8192x128xf32, #tpu.memory_space<hbm>> -> memref<512x128xf32, #tpu.memory_space<hbm>>
    tpu.enqueue_dma source(%dma_start3A_11 : memref<512x128xf32, #tpu.memory_space<hbm>>) target(%dma_start3A_9 : memref<512x128xf32, #tpu.memory_space<vmem_shared>>) target_semaphore(%arg8 : memref<!tpu.dma_semaphore, #tpu.memory_space<semaphore_mem>>)
    %dma_start3A_12 = arith.constant 0 : i32
    %dma_start3A_13 = tpu.memref_slice %arg2[%mul3A_2, %dma_start3A_12] : memref<6400x128xi32, #tpu.memory_space<hbm>> -> memref<200x128xi32, #tpu.memory_space<hbm>>
    %dma_start3A_14 = arith.constant 0 : i32
    %dma_start3A_15 = tpu.memref_slice %arg2[%mul3A_2, %dma_start3A_14] : memref<6400x128xi32, #tpu.memory_space<hbm>> -> memref<200x128xi32, #tpu.memory_space<hbm>>
    tpu.enqueue_dma source(%dma_start3A_15 : memref<200x128xi32, #tpu.memory_space<hbm>>) target(%arg5 : memref<200x128xi32, #tpu.memory_space<vmem>>) target_semaphore(%arg9 : memref<!tpu.dma_semaphore, #tpu.memory_space<semaphore_mem>>)
    %dma_wait3A = arith.constant 0 : i32
    %dma_wait3A_16 = tpu.memref_slice %arg7[%mul3A_8, %dma_wait3A] : memref<8192x128xf32, #tpu.memory_space<vmem_shared>> -> memref<512x128xf32, #tpu.memory_space<vmem_shared>>
    %dma_wait3A_17 = arith.constant 0 : i32
    %dma_wait3A_18 = tpu.memref_slice %arg3[%mul3A_6, %dma_wait3A_17] : memref<8192x128xf32, #tpu.memory_space<hbm>> -> memref<512x128xf32, #tpu.memory_space<hbm>>
    tpu.wait_dma2 semaphore(%arg8 : memref<!tpu.dma_semaphore, #tpu.memory_space<semaphore_mem>>) src(%dma_wait3A_18 : memref<512x128xf32, #tpu.memory_space<hbm>>) dst(%dma_wait3A_16 : memref<512x128xf32, #tpu.memory_space<vmem_shared>>)
    %dma_wait3A_19 = arith.constant 0 : i32
    %dma_wait3A_20 = tpu.memref_slice %arg2[%mul3A_2, %dma_wait3A_19] : memref<6400x128xi32, #tpu.memory_space<hbm>> -> memref<200x128xi32, #tpu.memory_space<hbm>>
    %dma_wait3A_21 = arith.constant 0 : i32
    %dma_wait3A_22 = tpu.memref_slice %arg2[%mul3A_2, %dma_wait3A_21] : memref<6400x128xi32, #tpu.memory_space<hbm>> -> memref<200x128xi32, #tpu.memory_space<hbm>>
    tpu.wait_dma2 semaphore(%arg9 : memref<!tpu.dma_semaphore, #tpu.memory_space<semaphore_mem>>) src(%dma_wait3A_22 : memref<200x128xi32, #tpu.memory_space<hbm>>) dst(%arg5 : memref<200x128xi32, #tpu.memory_space<vmem>>)
    %barrier3A = arith.constant 0 : index
    tpu.barrier barrier_id(%barrier3A)
    %dma_start3A_23 = arith.constant 0 : i32
    %dma_start3A_24 = arith.constant 0 : i32
    %dma_start3A_25 = arith.constant 0 : i32
    %dma_start3A_26 = arith.constant 0 : i32
    %dma_start3A_27 = tpu.memref_slice %arg6[%dma_start3A_24, %dma_start3A_25, %dma_start3A_26] : memref<8x32x128xf32, #tpu.memory_space<vmem>> -> memref<1x32x128xf32, #tpu.memory_space<vmem>>
    %dma_start3A_28 = tpu.memref_squeeze %dma_start3A_27 : memref<1x32x128xf32, #tpu.memory_space<vmem>> -> memref<32x128xf32, #tpu.memory_space<vmem>>
    %dma_start3A_29 = arith.constant 0 : i32
    %dma_start3A_30 = tpu.memref_slice %arg5[%dma_start3A_23, %dma_start3A_29] : memref<200x128xi32, #tpu.memory_space<vmem>> -> memref<1x32xi32, #tpu.memory_space<vmem>>
    %dma_start3A_31 = tpu.memref_squeeze %dma_start3A_30 : memref<1x32xi32, #tpu.memory_space<vmem>> -> memref<32xi32, #tpu.memory_space<vmem>>
    %dma_start3A_32 = arith.constant 0 : i32
    %dma_start3A_33 = arith.constant 0 : i32
    %dma_start3A_34 = tpu.memref_slice %arg7[%dma_start3A_32, %dma_start3A_33] : memref<8192x128xf32, #tpu.memory_space<vmem_shared>> -> memref<8192x128xf32, #tpu.memory_space<vmem_shared>>
    tpu.enqueue_indirect_dma source(%dma_start3A_34 : memref<8192x128xf32, #tpu.memory_space<vmem_shared>>) target(%dma_start3A_28 : memref<32x128xf32, #tpu.memory_space<vmem>>) offsets(%dma_start3A_31 : memref<32xi32, #tpu.memory_space<vmem>>) semaphore(%arg8 : memref<!tpu.dma_semaphore, #tpu.memory_space<semaphore_mem>>)
    %dma_start3A_35 = arith.constant 0 : i32
    %dma_start3A_36 = arith.constant 1 : i32
    %dma_start3A_37 = arith.constant 0 : i32
    %dma_start3A_38 = arith.constant 0 : i32
    %dma_start3A_39 = tpu.memref_slice %arg6[%dma_start3A_36, %dma_start3A_37, %dma_start3A_38] : memref<8x32x128xf32, #tpu.memory_space<vmem>> -> memref<1x32x128xf32, #tpu.memory_space<vmem>>
    %dma_start3A_40 = tpu.memref_squeeze %dma_start3A_39 : memref<1x32x128xf32, #tpu.memory_space<vmem>> -> memref<32x128xf32, #tpu.memory_space<vmem>>
    %dma_start3A_41 = arith.constant 32 : i32
    %dma_start3A_42 = tpu.memref_slice %arg5[%dma_start3A_35, %dma_start3A_41] : memref<200x128xi32, #tpu.memory_space<vmem>> -> memref<1x32xi32, #tpu.memory_space<vmem>>
    %dma_start3A_43 = tpu.memref_squeeze %dma_start3A_42 : memref<1x32xi32, #tpu.memory_space<vmem>> -> memref<32xi32, #tpu.memory_space<vmem>>
    %dma_start3A_44 = arith.constant 0 : i32
    %dma_start3A_45 = arith.constant 0 : i32
    %dma_start3A_46 = tpu.memref_slice %arg7[%dma_start3A_44, %dma_start3A_45] : memref<8192x128xf32, #tpu.memory_space<vmem_shared>> -> memref<8192x128xf32, #tpu.memory_space<vmem_shared>>
    tpu.enqueue_indirect_dma source(%dma_start3A_46 : memref<8192x128xf32, #tpu.memory_space<vmem_shared>>) target(%dma_start3A_40 : memref<32x128xf32, #tpu.memory_space<vmem>>) offsets(%dma_start3A_43 : memref<32xi32, #tpu.memory_space<vmem>>) semaphore(%arg8 : memref<!tpu.dma_semaphore, #tpu.memory_space<semaphore_mem>>)
    %dma_start3A_47 = arith.constant 0 : i32
    %dma_start3A_48 = arith.constant 2 : i32
    %dma_start3A_49 = arith.constant 0 : i32
    %dma_start3A_50 = arith.constant 0 : i32
    %dma_start3A_51 = tpu.memref_slice %arg6[%dma_start3A_48, %dma_start3A_49, %dma_start3A_50] : memref<8x32x128xf32, #tpu.memory_space<vmem>> -> memref<1x32x128xf32, #tpu.memory_space<vmem>>
    %dma_start3A_52 = tpu.memref_squeeze %dma_start3A_51 : memref<1x32x128xf32, #tpu.memory_space<vmem>> -> memref<32x128xf32, #tpu.memory_space<vmem>>
    %dma_start3A_53 = arith.constant 64 : i32
    %dma_start3A_54 = tpu.memref_slice %arg5[%dma_start3A_47, %dma_start3A_53] : memref<200x128xi32, #tpu.memory_space<vmem>> -> memref<1x32xi32, #tpu.memory_space<vmem>>
    %dma_start3A_55 = tpu.memref_squeeze %dma_start3A_54 : memref<1x32xi32, #tpu.memory_space<vmem>> -> memref<32xi32, #tpu.memory_space<vmem>>
    %dma_start3A_56 = arith.constant 0 : i32
    %dma_start3A_57 = arith.constant 0 : i32
    %dma_start3A_58 = tpu.memref_slice %arg7[%dma_start3A_56, %dma_start3A_57] : memref<8192x128xf32, #tpu.memory_space<vmem_shared>> -> memref<8192x128xf32, #tpu.memory_space<vmem_shared>>
    tpu.enqueue_indirect_dma source(%dma_start3A_58 : memref<8192x128xf32, #tpu.memory_space<vmem_shared>>) target(%dma_start3A_52 : memref<32x128xf32, #tpu.memory_space<vmem>>) offsets(%dma_start3A_55 : memref<32xi32, #tpu.memory_space<vmem>>) semaphore(%arg8 : memref<!tpu.dma_semaphore, #tpu.memory_space<semaphore_mem>>)
    %dma_start3A_59 = arith.constant 0 : i32
    %dma_start3A_60 = arith.constant 3 : i32
    %dma_start3A_61 = arith.constant 0 : i32
    %dma_start3A_62 = arith.constant 0 : i32
    %dma_start3A_63 = tpu.memref_slice %arg6[%dma_start3A_60, %dma_start3A_61, %dma_start3A_62] : memref<8x32x128xf32, #tpu.memory_space<vmem>> -> memref<1x32x128xf32, #tpu.memory_space<vmem>>
    %dma_start3A_64 = tpu.memref_squeeze %dma_start3A_63 : memref<1x32x128xf32, #tpu.memory_space<vmem>> -> memref<32x128xf32, #tpu.memory_space<vmem>>
    %dma_start3A_65 = arith.constant 96 : i32
    %dma_start3A_66 = tpu.memref_slice %arg5[%dma_start3A_59, %dma_start3A_65] : memref<200x128xi32, #tpu.memory_space<vmem>> -> memref<1x32xi32, #tpu.memory_space<vmem>>
    %dma_start3A_67 = tpu.memref_squeeze %dma_start3A_66 : memref<1x32xi32, #tpu.memory_space<vmem>> -> memref<32xi32, #tpu.memory_space<vmem>>
    %dma_start3A_68 = arith.constant 0 : i32
    %dma_start3A_69 = arith.constant 0 : i32
    %dma_start3A_70 = tpu.memref_slice %arg7[%dma_start3A_68, %dma_start3A_69] : memref<8192x128xf32, #tpu.memory_space<vmem_shared>> -> memref<8192x128xf32, #tpu.memory_space<vmem_shared>>
    tpu.enqueue_indirect_dma source(%dma_start3A_70 : memref<8192x128xf32, #tpu.memory_space<vmem_shared>>) target(%dma_start3A_64 : memref<32x128xf32, #tpu.memory_space<vmem>>) offsets(%dma_start3A_67 : memref<32xi32, #tpu.memory_space<vmem>>) semaphore(%arg8 : memref<!tpu.dma_semaphore, #tpu.memory_space<semaphore_mem>>)
    %dma_wait3A_71 = arith.constant 0 : i32
    %dma_wait3A_72 = arith.constant 0 : i32
    %dma_wait3A_73 = arith.constant 0 : i32
    %dma_wait3A_74 = arith.constant 0 : i32
    %dma_wait3A_75 = tpu.memref_slice %arg6[%dma_wait3A_72, %dma_wait3A_73, %dma_wait3A_74] : memref<8x32x128xf32, #tpu.memory_space<vmem>> -> memref<1x32x128xf32, #tpu.memory_space<vmem>>
    %dma_wait3A_76 = tpu.memref_squeeze %dma_wait3A_75 : memref<1x32x128xf32, #tpu.memory_space<vmem>> -> memref<32x128xf32, #tpu.memory_space<vmem>>
    %dma_wait3A_77 = arith.constant 0 : i32
    %dma_wait3A_78 = tpu.memref_slice %arg5[%dma_wait3A_71, %dma_wait3A_77] : memref<200x128xi32, #tpu.memory_space<vmem>> -> memref<1x32xi32, #tpu.memory_space<vmem>>
    %dma_wait3A_79 = tpu.memref_squeeze %dma_wait3A_78 : memref<1x32xi32, #tpu.memory_space<vmem>> -> memref<32xi32, #tpu.memory_space<vmem>>
    %dma_wait3A_80 = arith.constant 0 : i32
    %dma_wait3A_81 = arith.constant 0 : i32
    %dma_wait3A_82 = tpu.memref_slice %arg7[%dma_wait3A_80, %dma_wait3A_81] : memref<8192x128xf32, #tpu.memory_space<vmem_shared>> -> memref<8192x128xf32, #tpu.memory_space<vmem_shared>>
    tpu.wait_indirect_dma semaphore(%arg8 : memref<!tpu.dma_semaphore, #tpu.memory_space<semaphore_mem>>) src(%dma_wait3A_82 : memref<8192x128xf32, #tpu.memory_space<vmem_shared>>) dst(%dma_wait3A_76 : memref<32x128xf32, #tpu.memory_space<vmem>>)
    %add3A_83 = arith.constant 0 : i32
    %add3A_84 = arith.addi %mul3A_4, %add3A_83 : i32
    %dma_start3A_85 = arith.constant 0 : i32
    %dma_start3A_86 = arith.constant 0 : i32
    %dma_start3A_87 = arith.constant 0 : i32
    %dma_start3A_88 = tpu.memref_slice %arg6[%dma_start3A_85, %dma_start3A_86, %dma_start3A_87] : memref<8x32x128xf32, #tpu.memory_space<vmem>> -> memref<1x32x128xf32, #tpu.memory_space<vmem>>
    %dma_start3A_89 = tpu.memref_squeeze %dma_start3A_88 : memref<1x32x128xf32, #tpu.memory_space<vmem>> -> memref<32x128xf32, #tpu.memory_space<vmem>>
    %dma_start3A_90 = arith.constant 0 : i32
    %dma_start3A_91 = tpu.memref_slice %arg4[%add3A_84, %dma_start3A_90] : memref<819200x128xf32, #tpu.memory_space<hbm>> -> memref<32x128xf32, #tpu.memory_space<hbm>>
    %dma_start3A_92 = arith.constant 0 : i32
    %dma_start3A_93 = tpu.memref_slice %arg4[%add3A_84, %dma_start3A_92] : memref<819200x128xf32, #tpu.memory_space<hbm>> -> memref<32x128xf32, #tpu.memory_space<hbm>>
    %dma_start3A_94 = arith.constant 0 : i32
    %dma_start3A_95 = arith.constant 0 : i32
    %dma_start3A_96 = tpu.memref_slice %arg6[%dma_start3A_85, %dma_start3A_94, %dma_start3A_95] : memref<8x32x128xf32, #tpu.memory_space<vmem>> -> memref<1x32x128xf32, #tpu.memory_space<vmem>>
    %dma_start3A_97 = tpu.memref_squeeze %dma_start3A_96 : memref<1x32x128xf32, #tpu.memory_space<vmem>> -> memref<32x128xf32, #tpu.memory_space<vmem>>
    tpu.enqueue_dma source(%dma_start3A_97 : memref<32x128xf32, #tpu.memory_space<vmem>>) target(%dma_start3A_93 : memref<32x128xf32, #tpu.memory_space<hbm>>) target_semaphore(%arg9 : memref<!tpu.dma_semaphore, #tpu.memory_space<semaphore_mem>>)
    %dma_start3A_98 = arith.constant 1 : i32
    %dma_start3A_99 = arith.constant 4 : i32
    %dma_start3A_100 = arith.constant 0 : i32
    %dma_start3A_101 = arith.constant 0 : i32
    %dma_start3A_102 = tpu.memref_slice %arg6[%dma_start3A_99, %dma_start3A_100, %dma_start3A_101] : memref<8x32x128xf32, #tpu.memory_space<vmem>> -> memref<1x32x128xf32, #tpu.memory_space<vmem>>
    %dma_start3A_103 = tpu.memref_squeeze %dma_start3A_102 : memref<1x32x128xf32, #tpu.memory_space<vmem>> -> memref<32x128xf32, #tpu.memory_space<vmem>>
    %dma_start3A_104 = arith.constant 0 : i32
    %dma_start3A_105 = tpu.memref_slice %arg5[%dma_start3A_98, %dma_start3A_104] : memref<200x128xi32, #tpu.memory_space<vmem>> -> memref<1x32xi32, #tpu.memory_space<vmem>>
    %dma_start3A_106 = tpu.memref_squeeze %dma_start3A_105 : memref<1x32xi32, #tpu.memory_space<vmem>> -> memref<32xi32, #tpu.memory_space<vmem>>
    %dma_start3A_107 = arith.constant 0 : i32
    %dma_start3A_108 = arith.constant 0 : i32
    %dma_start3A_109 = tpu.memref_slice %arg7[%dma_start3A_107, %dma_start3A_108] : memref<8192x128xf32, #tpu.memory_space<vmem_shared>> -> memref<8192x128xf32, #tpu.memory_space<vmem_shared>>
    tpu.enqueue_indirect_dma source(%dma_start3A_109 : memref<8192x128xf32, #tpu.memory_space<vmem_shared>>) target(%dma_start3A_103 : memref<32x128xf32, #tpu.memory_space<vmem>>) offsets(%dma_start3A_106 : memref<32xi32, #tpu.memory_space<vmem>>) semaphore(%arg8 : memref<!tpu.dma_semaphore, #tpu.memory_space<semaphore_mem>>)
    %dma_wait3A_110 = arith.constant 0 : i32
    %dma_wait3A_111 = arith.constant 1 : i32
    %dma_wait3A_112 = arith.constant 0 : i32
    %dma_wait3A_113 = arith.constant 0 : i32
    %dma_wait3A_114 = tpu.memref_slice %arg6[%dma_wait3A_111, %dma_wait3A_112, %dma_wait3A_113] : memref<8x32x128xf32, #tpu.memory_space<vmem>> -> memref<1x32x128xf32, #tpu.memory_space<vmem>>
    %dma_wait3A_115 = tpu.memref_squeeze %dma_wait3A_114 : memref<1x32x128xf32, #tpu.memory_space<vmem>> -> memref<32x128xf32, #tpu.memory_space<vmem>>
    %dma_wait3A_116 = arith.constant 32 : i32
    %dma_wait3A_117 = tpu.memref_slice %arg5[%dma_wait3A_110, %dma_wait3A_116] : memref<200x128xi32, #tpu.memory_space<vmem>> -> memref<1x32xi32, #tpu.memory_space<vmem>>
    %dma_wait3A_118 = tpu.memref_squeeze %dma_wait3A_117 : memref<1x32xi32, #tpu.memory_space<vmem>> -> memref<32xi32, #tpu.memory_space<vmem>>
    %dma_wait3A_119 = arith.constant 0 : i32
    %dma_wait3A_120 = arith.constant 0 : i32
    %dma_wait3A_121 = tpu.memref_slice %arg7[%dma_wait3A_119, %dma_wait3A_120] : memref<8192x128xf32, #tpu.memory_space<vmem_shared>> -> memref<8192x128xf32, #tpu.memory_space<vmem_shared>>
    tpu.wait_indirect_dma semaphore(%arg8 : memref<!tpu.dma_semaphore, #tpu.memory_space<semaphore_mem>>) src(%dma_wait3A_121 : memref<8192x128xf32, #tpu.memory_space<vmem_shared>>) dst(%dma_wait3A_115 : memref<32x128xf32, #tpu.memory_space<vmem>>)
    %add3A_122 = arith.constant 32 : i32
    %add3A_123 = arith.addi %mul3A_4, %add3A_122 : i32
    %dma_start3A_124 = arith.constant 1 : i32
    %dma_start3A_125 = arith.constant 0 : i32
    %dma_start3A_126 = arith.constant 0 : i32
    %dma_start3A_127 = tpu.memref_slice %arg6[%dma_start3A_124, %dma_start3A_125, %dma_start3A_126] : memref<8x32x128xf32, #tpu.memory_space<vmem>> -> memref<1x32x128xf32, #tpu.memory_space<vmem>>
    %dma_start3A_128 = tpu.memref_squeeze %dma_start3A_127 : memref<1x32x128xf32, #tpu.memory_space<vmem>> -> memref<32x128xf32, #tpu.memory_space<vmem>>
    %dma_start3A_129 = arith.constant 0 : i32
    %dma_start3A_130 = tpu.memref_slice %arg4[%add3A_123, %dma_start3A_129] : memref<819200x128xf32, #tpu.memory_space<hbm>> -> memref<32x128xf32, #tpu.memory_space<hbm>>
    %dma_start3A_131 = arith.constant 0 : i32
    %dma_start3A_132 = tpu.memref_slice %arg4[%add3A_123, %dma_start3A_131] : memref<819200x128xf32, #tpu.memory_space<hbm>> -> memref<32x128xf32, #tpu.memory_space<hbm>>
    %dma_start3A_133 = arith.constant 0 : i32
    %dma_start3A_134 = arith.constant 0 : i32
    %dma_start3A_135 = tpu.memref_slice %arg6[%dma_start3A_124, %dma_start3A_133, %dma_start3A_134] : memref<8x32x128xf32, #tpu.memory_space<vmem>> -> memref<1x32x128xf32, #tpu.memory_space<vmem>>
    %dma_start3A_136 = tpu.memref_squeeze %dma_start3A_135 : memref<1x32x128xf32, #tpu.memory_space<vmem>> -> memref<32x128xf32, #tpu.memory_space<vmem>>
    tpu.enqueue_dma source(%dma_start3A_136 : memref<32x128xf32, #tpu.memory_space<vmem>>) target(%dma_start3A_132 : memref<32x128xf32, #tpu.memory_space<hbm>>) target_semaphore(%arg9 : memref<!tpu.dma_semaphore, #tpu.memory_space<semaphore_mem>>)
    %dma_start3A_137 = arith.constant 1 : i32
    %dma_start3A_138 = arith.constant 5 : i32
    %dma_start3A_139 = arith.constant 0 : i32
    %dma_start3A_140 = arith.constant 0 : i32
    %dma_start3A_141 = tpu.memref_slice %arg6[%dma_start3A_138, %dma_start3A_139, %dma_start3A_140] : memref<8x32x128xf32, #tpu.memory_space<vmem>> -> memref<1x32x128xf32, #tpu.memory_space<vmem>>
    %dma_start3A_142 = tpu.memref_squeeze %dma_start3A_141 : memref<1x32x128xf32, #tpu.memory_space<vmem>> -> memref<32x128xf32, #tpu.memory_space<vmem>>
    %dma_start3A_143 = arith.constant 32 : i32
    %dma_start3A_144 = tpu.memref_slice %arg5[%dma_start3A_137, %dma_start3A_143] : memref<200x128xi32, #tpu.memory_space<vmem>> -> memref<1x32xi32, #tpu.memory_space<vmem>>
    %dma_start3A_145 = tpu.memref_squeeze %dma_start3A_144 : memref<1x32xi32, #tpu.memory_space<vmem>> -> memref<32xi32, #tpu.memory_space<vmem>>
    %dma_start3A_146 = arith.constant 0 : i32
    %dma_start3A_147 = arith.constant 0 : i32
    %dma_start3A_148 = tpu.memref_slice %arg7[%dma_start3A_146, %dma_start3A_147] : memref<8192x128xf32, #tpu.memory_space<vmem_shared>> -> memref<8192x128xf32, #tpu.memory_space<vmem_shared>>
    tpu.enqueue_indirect_dma source(%dma_start3A_148 : memref<8192x128xf32, #tpu.memory_space<vmem_shared>>) target(%dma_start3A_142 : memref<32x128xf32, #tpu.memory_space<vmem>>) offsets(%dma_start3A_145 : memref<32xi32, #tpu.memory_space<vmem>>) semaphore(%arg8 : memref<!tpu.dma_semaphore, #tpu.memory_space<semaphore_mem>>)
    %dma_wait3A_149 = arith.constant 0 : i32
    %dma_wait3A_150 = arith.constant 2 : i32
    %dma_wait3A_151 = arith.constant 0 : i32
    %dma_wait3A_152 = arith.constant 0 : i32
    %dma_wait3A_153 = tpu.memref_slice %arg6[%dma_wait3A_150, %dma_wait3A_151, %dma_wait3A_152] : memref<8x32x128xf32, #tpu.memory_space<vmem>> -> memref<1x32x128xf32, #tpu.memory_space<vmem>>
    %dma_wait3A_154 = tpu.memref_squeeze %dma_wait3A_153 : memref<1x32x128xf32, #tpu.memory_space<vmem>> -> memref<32x128xf32, #tpu.memory_space<vmem>>
    %dma_wait3A_155 = arith.constant 64 : i32
    %dma_wait3A_156 = tpu.memref_slice %arg5[%dma_wait3A_149, %dma_wait3A_155] : memref<200x128xi32, #tpu.memory_space<vmem>> -> memref<1x32xi32, #tpu.memory_space<vmem>>
    %dma_wait3A_157 = tpu.memref_squeeze %dma_wait3A_156 : memref<1x32xi32, #tpu.memory_space<vmem>> -> memref<32xi32, #tpu.memory_space<vmem>>
    %dma_wait3A_158 = arith.constant 0 : i32
    %dma_wait3A_159 = arith.constant 0 : i32
    %dma_wait3A_160 = tpu.memref_slice %arg7[%dma_wait3A_158, %dma_wait3A_159] : memref<8192x128xf32, #tpu.memory_space<vmem_shared>> -> memref<8192x128xf32, #tpu.memory_space<vmem_shared>>
    tpu.wait_indirect_dma semaphore(%arg8 : memref<!tpu.dma_semaphore, #tpu.memory_space<semaphore_mem>>) src(%dma_wait3A_160 : memref<8192x128xf32, #tpu.memory_space<vmem_shared>>) dst(%dma_wait3A_154 : memref<32x128xf32, #tpu.memory_space<vmem>>)
    %add3A_161 = arith.constant 64 : i32
    %add3A_162 = arith.addi %mul3A_4, %add3A_161 : i32
    %dma_start3A_163 = arith.constant 2 : i32
    %dma_start3A_164 = arith.constant 0 : i32
    %dma_start3A_165 = arith.constant 0 : i32
    %dma_start3A_166 = tpu.memref_slice %arg6[%dma_start3A_163, %dma_start3A_164, %dma_start3A_165] : memref<8x32x128xf32, #tpu.memory_space<vmem>> -> memref<1x32x128xf32, #tpu.memory_space<vmem>>
    %dma_start3A_167 = tpu.memref_squeeze %dma_start3A_166 : memref<1x32x128xf32, #tpu.memory_space<vmem>> -> memref<32x128xf32, #tpu.memory_space<vmem>>
    %dma_start3A_168 = arith.constant 0 : i32
    %dma_start3A_169 = tpu.memref_slice %arg4[%add3A_162, %dma_start3A_168] : memref<819200x128xf32, #tpu.memory_space<hbm>> -> memref<32x128xf32, #tpu.memory_space<hbm>>
    %dma_start3A_170 = arith.constant 0 : i32
    %dma_start3A_171 = tpu.memref_slice %arg4[%add3A_162, %dma_start3A_170] : memref<819200x128xf32, #tpu.memory_space<hbm>> -> memref<32x128xf32, #tpu.memory_space<hbm>>
    %dma_start3A_172 = arith.constant 0 : i32
    %dma_start3A_173 = arith.constant 0 : i32
    %dma_start3A_174 = tpu.memref_slice %arg6[%dma_start3A_163, %dma_start3A_172, %dma_start3A_173] : memref<8x32x128xf32, #tpu.memory_space<vmem>> -> memref<1x32x128xf32, #tpu.memory_space<vmem>>
    %dma_start3A_175 = tpu.memref_squeeze %dma_start3A_174 : memref<1x32x128xf32, #tpu.memory_space<vmem>> -> memref<32x128xf32, #tpu.memory_space<vmem>>
    tpu.enqueue_dma source(%dma_start3A_175 : memref<32x128xf32, #tpu.memory_space<vmem>>) target(%dma_start3A_171 : memref<32x128xf32, #tpu.memory_space<hbm>>) target_semaphore(%arg9 : memref<!tpu.dma_semaphore, #tpu.memory_space<semaphore_mem>>)
    %dma_start3A_176 = arith.constant 1 : i32
    %dma_start3A_177 = arith.constant 6 : i32
    %dma_start3A_178 = arith.constant 0 : i32
    %dma_start3A_179 = arith.constant 0 : i32
    %dma_start3A_180 = tpu.memref_slice %arg6[%dma_start3A_177, %dma_start3A_178, %dma_start3A_179] : memref<8x32x128xf32, #tpu.memory_space<vmem>> -> memref<1x32x128xf32, #tpu.memory_space<vmem>>
    %dma_start3A_181 = tpu.memref_squeeze %dma_start3A_180 : memref<1x32x128xf32, #tpu.memory_space<vmem>> -> memref<32x128xf32, #tpu.memory_space<vmem>>
    %dma_start3A_182 = arith.constant 64 : i32
    %dma_start3A_183 = tpu.memref_slice %arg5[%dma_start3A_176, %dma_start3A_182] : memref<200x128xi32, #tpu.memory_space<vmem>> -> memref<1x32xi32, #tpu.memory_space<vmem>>
    %dma_start3A_184 = tpu.memref_squeeze %dma_start3A_183 : memref<1x32xi32, #tpu.memory_space<vmem>> -> memref<32xi32, #tpu.memory_space<vmem>>
    %dma_start3A_185 = arith.constant 0 : i32
    %dma_start3A_186 = arith.constant 0 : i32
    %dma_start3A_187 = tpu.memref_slice %arg7[%dma_start3A_185, %dma_start3A_186] : memref<8192x128xf32, #tpu.memory_space<vmem_shared>> -> memref<8192x128xf32, #tpu.memory_space<vmem_shared>>
    tpu.enqueue_indirect_dma source(%dma_start3A_187 : memref<8192x128xf32, #tpu.memory_space<vmem_shared>>) target(%dma_start3A_181 : memref<32x128xf32, #tpu.memory_space<vmem>>) offsets(%dma_start3A_184 : memref<32xi32, #tpu.memory_space<vmem>>) semaphore(%arg8 : memref<!tpu.dma_semaphore, #tpu.memory_space<semaphore_mem>>)
    %dma_wait3A_188 = arith.constant 0 : i32
    %dma_wait3A_189 = arith.constant 3 : i32
    %dma_wait3A_190 = arith.constant 0 : i32
    %dma_wait3A_191 = arith.constant 0 : i32
    %dma_wait3A_192 = tpu.memref_slice %arg6[%dma_wait3A_189, %dma_wait3A_190, %dma_wait3A_191] : memref<8x32x128xf32, #tpu.memory_space<vmem>> -> memref<1x32x128xf32, #tpu.memory_space<vmem>>
    %dma_wait3A_193 = tpu.memref_squeeze %dma_wait3A_192 : memref<1x32x128xf32, #tpu.memory_space<vmem>> -> memref<32x128xf32, #tpu.memory_space<vmem>>
    %dma_wait3A_194 = arith.constant 96 : i32
    %dma_wait3A_195 = tpu.memref_slice %arg5[%dma_wait3A_188, %dma_wait3A_194] : memref<200x128xi32, #tpu.memory_space<vmem>> -> memref<1x32xi32, #tpu.memory_space<vmem>>
    %dma_wait3A_196 = tpu.memref_squeeze %dma_wait3A_195 : memref<1x32xi32, #tpu.memory_space<vmem>> -> memref<32xi32, #tpu.memory_space<vmem>>
    %dma_wait3A_197 = arith.constant 0 : i32
    %dma_wait3A_198 = arith.constant 0 : i32
    %dma_wait3A_199 = tpu.memref_slice %arg7[%dma_wait3A_197, %dma_wait3A_198] : memref<8192x128xf32, #tpu.memory_space<vmem_shared>> -> memref<8192x128xf32, #tpu.memory_space<vmem_shared>>
    tpu.wait_indirect_dma semaphore(%arg8 : memref<!tpu.dma_semaphore, #tpu.memory_space<semaphore_mem>>) src(%dma_wait3A_199 : memref<8192x128xf32, #tpu.memory_space<vmem_shared>>) dst(%dma_wait3A_193 : memref<32x128xf32, #tpu.memory_space<vmem>>)
    %add3A_200 = arith.constant 96 : i32
    %add3A_201 = arith.addi %mul3A_4, %add3A_200 : i32
    %dma_start3A_202 = arith.constant 3 : i32
    %dma_start3A_203 = arith.constant 0 : i32
    %dma_start3A_204 = arith.constant 0 : i32
    %dma_start3A_205 = tpu.memref_slice %arg6[%dma_start3A_202, %dma_start3A_203, %dma_start3A_204] : memref<8x32x128xf32, #tpu.memory_space<vmem>> -> memref<1x32x128xf32, #tpu.memory_space<vmem>>
    %dma_start3A_206 = tpu.memref_squeeze %dma_start3A_205 : memref<1x32x128xf32, #tpu.memory_space<vmem>> -> memref<32x128xf32, #tpu.memory_space<vmem>>
    %dma_start3A_207 = arith.constant 0 : i32
    %dma_start3A_208 = tpu.memref_slice %arg4[%add3A_201, %dma_start3A_207] : memref<819200x128xf32, #tpu.memory_space<hbm>> -> memref<32x128xf32, #tpu.memory_space<hbm>>
    %dma_start3A_209 = arith.constant 0 : i32
    %dma_start3A_210 = tpu.memref_slice %arg4[%add3A_201, %dma_start3A_209] : memref<819200x128xf32, #tpu.memory_space<hbm>> -> memref<32x128xf32, #tpu.memory_space<hbm>>
    %dma_start3A_211 = arith.constant 0 : i32
    %dma_start3A_212 = arith.constant 0 : i32
    %dma_start3A_213 = tpu.memref_slice %arg6[%dma_start3A_202, %dma_start3A_211, %dma_start3A_212] : memref<8x32x128xf32, #tpu.memory_space<vmem>> -> memref<1x32x128xf32, #tpu.memory_space<vmem>>
    %dma_start3A_214 = tpu.memref_squeeze %dma_start3A_213 : memref<1x32x128xf32, #tpu.memory_space<vmem>> -> memref<32x128xf32, #tpu.memory_space<vmem>>
    tpu.enqueue_dma source(%dma_start3A_214 : memref<32x128xf32, #tpu.memory_space<vmem>>) target(%dma_start3A_210 : memref<32x128xf32, #tpu.memory_space<hbm>>) target_semaphore(%arg9 : memref<!tpu.dma_semaphore, #tpu.memory_space<semaphore_mem>>)
    %dma_start3A_215 = arith.constant 1 : i32
    %dma_start3A_216 = arith.constant 7 : i32
    %dma_start3A_217 = arith.constant 0 : i32
    %dma_start3A_218 = arith.constant 0 : i32
    %dma_start3A_219 = tpu.memref_slice %arg6[%dma_start3A_216, %dma_start3A_217, %dma_start3A_218] : memref<8x32x128xf32, #tpu.memory_space<vmem>> -> memref<1x32x128xf32, #tpu.memory_space<vmem>>
    %dma_start3A_220 = tpu.memref_squeeze %dma_start3A_219 : memref<1x32x128xf32, #tpu.memory_space<vmem>> -> memref<32x128xf32, #tpu.memory_space<vmem>>
    %dma_start3A_221 = arith.constant 96 : i32
    %dma_start3A_222 = tpu.memref_slice %arg5[%dma_start3A_215, %dma_start3A_221] : memref<200x128xi32, #tpu.memory_space<vmem>> -> memref<1x32xi32, #tpu.memory_space<vmem>>
    %dma_start3A_223 = tpu.memref_squeeze %dma_start3A_222 : memref<1x32xi32, #tpu.memory_space<vmem>> -> memref<32xi32, #tpu.memory_space<vmem>>
    %dma_start3A_224 = arith.constant 0 : i32
    %dma_start3A_225 = arith.constant 0 : i32
    %dma_start3A_226 = tpu.memref_slice %arg7[%dma_start3A_224, %dma_start3A_225] : memref<8192x128xf32, #tpu.memory_space<vmem_shared>> -> memref<8192x128xf32, #tpu.memory_space<vmem_shared>>
    tpu.enqueue_indirect_dma source(%dma_start3A_226 : memref<8192x128xf32, #tpu.memory_space<vmem_shared>>) target(%dma_start3A_220 : memref<32x128xf32, #tpu.memory_space<vmem>>) offsets(%dma_start3A_223 : memref<32xi32, #tpu.memory_space<vmem>>) semaphore(%arg8 : memref<!tpu.dma_semaphore, #tpu.memory_space<semaphore_mem>>)
    %dma_wait3A_227 = arith.constant 1 : i32
    %dma_wait3A_228 = arith.constant 4 : i32
    %dma_wait3A_229 = arith.constant 0 : i32
    %dma_wait3A_230 = arith.constant 0 : i32
    %dma_wait3A_231 = tpu.memref_slice %arg6[%dma_wait3A_228, %dma_wait3A_229, %dma_wait3A_230] : memref<8x32x128xf32, #tpu.memory_space<vmem>> -> memref<1x32x128xf32, #tpu.memory_space<vmem>>
    %dma_wait3A_232 = tpu.memref_squeeze %dma_wait3A_231 : memref<1x32x128xf32, #tpu.memory_space<vmem>> -> memref<32x128xf32, #tpu.memory_space<vmem>>
    %dma_wait3A_233 = arith.constant 0 : i32
    %dma_wait3A_234 = tpu.memref_slice %arg5[%dma_wait3A_227, %dma_wait3A_233] : memref<200x128xi32, #tpu.memory_space<vmem>> -> memref<1x32xi32, #tpu.memory_space<vmem>>
    %dma_wait3A_235 = tpu.memref_squeeze %dma_wait3A_234 : memref<1x32xi32, #tpu.memory_space<vmem>> -> memref<32xi32, #tpu.memory_space<vmem>>
    %dma_wait3A_236 = arith.constant 0 : i32
    %dma_wait3A_237 = arith.constant 0 : i32
    %dma_wait3A_238 = tpu.memref_slice %arg7[%dma_wait3A_236, %dma_wait3A_237] : memref<8192x128xf32, #tpu.memory_space<vmem_shared>> -> memref<8192x128xf32, #tpu.memory_space<vmem_shared>>
    tpu.wait_indirect_dma semaphore(%arg8 : memref<!tpu.dma_semaphore, #tpu.memory_space<semaphore_mem>>) src(%dma_wait3A_238 : memref<8192x128xf32, #tpu.memory_space<vmem_shared>>) dst(%dma_wait3A_232 : memref<32x128xf32, #tpu.memory_space<vmem>>)
    %add3A_239 = arith.constant 128 : i32
    %add3A_240 = arith.addi %mul3A_4, %add3A_239 : i32
    %dma_start3A_241 = arith.constant 4 : i32
    %dma_start3A_242 = arith.constant 0 : i32
    %dma_start3A_243 = arith.constant 0 : i32
    %dma_start3A_244 = tpu.memref_slice %arg6[%dma_start3A_241, %dma_start3A_242, %dma_start3A_243] : memref<8x32x128xf32, #tpu.memory_space<vmem>> -> memref<1x32x128xf32, #tpu.memory_space<vmem>>
    %dma_start3A_245 = tpu.memref_squeeze %dma_start3A_244 : memref<1x32x128xf32, #tpu.memory_space<vmem>> -> memref<32x128xf32, #tpu.memory_space<vmem>>
    %dma_start3A_246 = arith.constant 0 : i32
    %dma_start3A_247 = tpu.memref_slice %arg4[%add3A_240, %dma_start3A_246] : memref<819200x128xf32, #tpu.memory_space<hbm>> -> memref<32x128xf32, #tpu.memory_space<hbm>>
    %dma_start3A_248 = arith.constant 0 : i32
    %dma_start3A_249 = tpu.memref_slice %arg4[%add3A_240, %dma_start3A_248] : memref<819200x128xf32, #tpu.memory_space<hbm>> -> memref<32x128xf32, #tpu.memory_space<hbm>>
    %dma_start3A_250 = arith.constant 0 : i32
    %dma_start3A_251 = arith.constant 0 : i32
    %dma_start3A_252 = tpu.memref_slice %arg6[%dma_start3A_241, %dma_start3A_250, %dma_start3A_251] : memref<8x32x128xf32, #tpu.memory_space<vmem>> -> memref<1x32x128xf32, #tpu.memory_space<vmem>>
    %dma_start3A_253 = tpu.memref_squeeze %dma_start3A_252 : memref<1x32x128xf32, #tpu.memory_space<vmem>> -> memref<32x128xf32, #tpu.memory_space<vmem>>
    tpu.enqueue_dma source(%dma_start3A_253 : memref<32x128xf32, #tpu.memory_space<vmem>>) target(%dma_start3A_249 : memref<32x128xf32, #tpu.memory_space<hbm>>) target_semaphore(%arg9 : memref<!tpu.dma_semaphore, #tpu.memory_space<semaphore_mem>>)
    %dma_wait3A_254 = arith.constant 0 : i32
    %dma_wait3A_255 = arith.constant 0 : i32
    %dma_wait3A_256 = arith.constant 0 : i32
    %dma_wait3A_257 = tpu.memref_slice %arg6[%dma_wait3A_254, %dma_wait3A_255, %dma_wait3A_256] : memref<8x32x128xf32, #tpu.memory_space<vmem>> -> memref<1x32x128xf32, #tpu.memory_space<vmem>>
    %dma_wait3A_258 = tpu.memref_squeeze %dma_wait3A_257 : memref<1x32x128xf32, #tpu.memory_space<vmem>> -> memref<32x128xf32, #tpu.memory_space<vmem>>
    %dma_wait3A_259 = arith.constant 0 : i32
    %dma_wait3A_260 = tpu.memref_slice %arg4[%mul3A_4, %dma_wait3A_259] : memref<819200x128xf32, #tpu.memory_space<hbm>> -> memref<32x128xf32, #tpu.memory_space<hbm>>
    %dma_wait3A_261 = arith.constant 0 : i32
    %dma_wait3A_262 = tpu.memref_slice %arg4[%mul3A_4, %dma_wait3A_261] : memref<819200x128xf32, #tpu.memory_space<hbm>> -> memref<32x128xf32, #tpu.memory_space<hbm>>
    %dma_wait3A_263 = arith.constant 0 : i32
    %dma_wait3A_264 = arith.constant 0 : i32
    %dma_wait3A_265 = tpu.memref_slice %arg6[%dma_wait3A_254, %dma_wait3A_263, %dma_wait3A_264] : memref<8x32x128xf32, #tpu.memory_space<vmem>> -> memref<1x32x128xf32, #tpu.memory_space<vmem>>
    %dma_wait3A_266 = tpu.memref_squeeze %dma_wait3A_265 : memref<1x32x128xf32, #tpu.memory_space<vmem>> -> memref<32x128xf32, #tpu.memory_space<vmem>>
    tpu.wait_dma2 semaphore(%arg9 : memref<!tpu.dma_semaphore, #tpu.memory_space<semaphore_mem>>) src(%dma_wait3A_266 : memref<32x128xf32, #tpu.memory_space<vmem>>) dst(%dma_wait3A_262 : memref<32x128xf32, #tpu.memory_space<hbm>>)
    %dma_start3A_267 = arith.constant 2 : i32
    %dma_start3A_268 = arith.constant 0 : i32
    %dma_start3A_269 = arith.constant 0 : i32
    %dma_start3A_270 = arith.constant 0 : i32
    %dma_start3A_271 = tpu.memref_slice %arg6[%dma_start3A_268, %dma_start3A_269, %dma_start3A_270] : memref<8x32x128xf32, #tpu.memory_space<vmem>> -> memref<1x32x128xf32, #tpu.memory_space<vmem>>
    %dma_start3A_272 = tpu.memref_squeeze %dma_start3A_271 : memref<1x32x128xf32, #tpu.memory_space<vmem>> -> memref<32x128xf32, #tpu.memory_space<vmem>>
    %dma_start3A_273 = arith.constant 0 : i32
    %dma_start3A_274 = tpu.memref_slice %arg5[%dma_start3A_267, %dma_start3A_273] : memref<200x128xi32, #tpu.memory_space<vmem>> -> memref<1x32xi32, #tpu.memory_space<vmem>>
    %dma_start3A_275 = tpu.memref_squeeze %dma_start3A_274 : memref<1x32xi32, #tpu.memory_space<vmem>> -> memref<32xi32, #tpu.memory_space<vmem>>
    %dma_start3A_276 = arith.constant 0 : i32
    %dma_start3A_277 = arith.constant 0 : i32
    %dma_start3A_278 = tpu.memref_slice %arg7[%dma_start3A_276, %dma_start3A_277] : memref<8192x128xf32, #tpu.memory_space<vmem_shared>> -> memref<8192x128xf32, #tpu.memory_space<vmem_shared>>
    tpu.enqueue_indirect_dma source(%dma_start3A_278 : memref<8192x128xf32, #tpu.memory_space<vmem_shared>>) target(%dma_start3A_272 : memref<32x128xf32, #tpu.memory_space<vmem>>) offsets(%dma_start3A_275 : memref<32xi32, #tpu.memory_space<vmem>>) semaphore(%arg8 : memref<!tpu.dma_semaphore, #tpu.memory_space<semaphore_mem>>)
    %dma_wait3A_279 = arith.constant 1 : i32
    %dma_wait3A_280 = arith.constant 5 : i32
    %dma_wait3A_281 = arith.constant 0 : i32
    %dma_wait3A_282 = arith.constant 0 : i32
    %dma_wait3A_283 = tpu.memref_slice %arg6[%dma_wait3A_280, %dma_wait3A_281, %dma_wait3A_282] : memref<8x32x128xf32, #tpu.memory_space<vmem>> -> memref<1x32x128xf32, #tpu.memory_space<vmem>>
    %dma_wait3A_284 = tpu.memref_squeeze %dma_wait3A_283 : memref<1x32x128xf32, #tpu.memory_space<vmem>> -> memref<32x128xf32, #tpu.memory_space<vmem>>
    %dma_wait3A_285 = arith.constant 32 : i32
    %dma_wait3A_286 = tpu.memref_slice %arg5[%dma_wait3A_279, %dma_wait3A_285] : memref<200x128xi32, #tpu.memory_space<vmem>> -> memref<1x32xi32, #tpu.memory_space<vmem>>
    %dma_wait3A_287 = tpu.memref_squeeze %dma_wait3A_286 : memref<1x32xi32, #tpu.memory_space<vmem>> -> memref<32xi32, #tpu.memory_space<vmem>>
    %dma_wait3A_288 = arith.constant 0 : i32
    %dma_wait3A_289 = arith.constant 0 : i32
    %dma_wait3A_290 = tpu.memref_slice %arg7[%dma_wait3A_288, %dma_wait3A_289] : memref<8192x128xf32, #tpu.memory_space<vmem_shared>> -> memref<8192x128xf32, #tpu.memory_space<vmem_shared>>
    tpu.wait_indirect_dma semaphore(%arg8 : memref<!tpu.dma_semaphore, #tpu.memory_space<semaphore_mem>>) src(%dma_wait3A_290 : memref<8192x128xf32, #tpu.memory_space<vmem_shared>>) dst(%dma_wait3A_284 : memref<32x128xf32, #tpu.memory_space<vmem>>)
    %add3A_291 = arith.constant 160 : i32
    %add3A_292 = arith.addi %mul3A_4, %add3A_291 : i32
    %dma_start3A_293 = arith.constant 5 : i32
    %dma_start3A_294 = arith.constant 0 : i32
    %dma_start3A_295 = arith.constant 0 : i32
    %dma_start3A_296 = tpu.memref_slice %arg6[%dma_start3A_293, %dma_start3A_294, %dma_start3A_295] : memref<8x32x128xf32, #tpu.memory_space<vmem>> -> memref<1x32x128xf32, #tpu.memory_space<vmem>>
    %dma_start3A_297 = tpu.memref_squeeze %dma_start3A_296 : memref<1x32x128xf32, #tpu.memory_space<vmem>> -> memref<32x128xf32, #tpu.memory_space<vmem>>
    %dma_start3A_298 = arith.constant 0 : i32
    %dma_start3A_299 = tpu.memref_slice %arg4[%add3A_292, %dma_start3A_298] : memref<819200x128xf32, #tpu.memory_space<hbm>> -> memref<32x128xf32, #tpu.memory_space<hbm>>
    %dma_start3A_300 = arith.constant 0 : i32
    %dma_start3A_301 = tpu.memref_slice %arg4[%add3A_292, %dma_start3A_300] : memref<819200x128xf32, #tpu.memory_space<hbm>> -> memref<32x128xf32, #tpu.memory_space<hbm>>
    %dma_start3A_302 = arith.constant 0 : i32
    %dma_start3A_303 = arith.constant 0 : i32
    %dma_start3A_304 = tpu.memref_slice %arg6[%dma_start3A_293, %dma_start3A_302, %dma_start3A_303] : memref<8x32x128xf32, #tpu.memory_space<vmem>> -> memref<1x32x128xf32, #tpu.memory_space<vmem>>
    %dma_start3A_305 = tpu.memref_squeeze %dma_start3A_304 : memref<1x32x128xf32, #tpu.memory_space<vmem>> -> memref<32x128xf32, #tpu.memory_space<vmem>>
    tpu.enqueue_dma source(%dma_start3A_305 : memref<32x128xf32, #tpu.memory_space<vmem>>) target(%dma_start3A_301 : memref<32x128xf32, #tpu.memory_space<hbm>>) target_semaphore(%arg9 : memref<!tpu.dma_semaphore, #tpu.memory_space<semaphore_mem>>)
    %dma_wait3A_306 = arith.constant 0 : i32
    %dma_wait3A_307 = arith.constant 0 : i32
    %dma_wait3A_308 = arith.constant 0 : i32
    %dma_wait3A_309 = tpu.memref_slice %arg6[%dma_wait3A_306, %dma_wait3A_307, %dma_wait3A_308] : memref<8x32x128xf32, #tpu.memory_space<vmem>> -> memref<1x32x128xf32, #tpu.memory_space<vmem>>
    %dma_wait3A_310 = tpu.memref_squeeze %dma_wait3A_309 : memref<1x32x128xf32, #tpu.memory_space<vmem>> -> memref<32x128xf32, #tpu.memory_space<vmem>>
    %dma_wait3A_311 = arith.constant 0 : i32
    %dma_wait3A_312 = tpu.memref_slice %arg4[%mul3A_4, %dma_wait3A_311] : memref<819200x128xf32, #tpu.memory_space<hbm>> -> memref<32x128xf32, #tpu.memory_space<hbm>>
    %dma_wait3A_313 = arith.constant 0 : i32
    %dma_wait3A_314 = tpu.memref_slice %arg4[%mul3A_4, %dma_wait3A_313] : memref<819200x128xf32, #tpu.memory_space<hbm>> -> memref<32x128xf32, #tpu.memory_space<hbm>>
    %dma_wait3A_315 = arith.constant 0 : i32
    %dma_wait3A_316 = arith.constant 0 : i32
    %dma_wait3A_317 = tpu.memref_slice %arg6[%dma_wait3A_306, %dma_wait3A_315, %dma_wait3A_316] : memref<8x32x128xf32, #tpu.memory_space<vmem>> -> memref<1x32x128xf32, #tpu.memory_space<vmem>>
    %dma_wait3A_318 = tpu.memref_squeeze %dma_wait3A_317 : memref<1x32x128xf32, #tpu.memory_space<vmem>> -> memref<32x128xf32, #tpu.memory_space<vmem>>
    tpu.wait_dma2 semaphore(%arg9 : memref<!tpu.dma_semaphore, #tpu.memory_space<semaphore_mem>>) src(%dma_wait3A_318 : memref<32x128xf32, #tpu.memory_space<vmem>>) dst(%dma_wait3A_314 : memref<32x128xf32, #tpu.memory_space<hbm>>)
    %dma_start3A_319 = arith.constant 2 : i32
    %dma_start3A_320 = arith.constant 1 : i32
    %dma_start3A_321 = arith.constant 0 : i32
    %dma_start3A_322 = arith.constant 0 : i32
    %dma_start3A_323 = tpu.memref_slice %arg6[%dma_start3A_320, %dma_start3A_321, %dma_start3A_322] : memref<8x32x128xf32, #tpu.memory_space<vmem>> -> memref<1x32x128xf32, #tpu.memory_space<vmem>>
    %dma_start3A_324 = tpu.memref_squeeze %dma_start3A_323 : memref<1x32x128xf32, #tpu.memory_space<vmem>> -> memref<32x128xf32, #tpu.memory_space<vmem>>
    %dma_start3A_325 = arith.constant 32 : i32
    %dma_start3A_326 = tpu.memref_slice %arg5[%dma_start3A_319, %dma_start3A_325] : memref<200x128xi32, #tpu.memory_space<vmem>> -> memref<1x32xi32, #tpu.memory_space<vmem>>
    %dma_start3A_327 = tpu.memref_squeeze %dma_start3A_326 : memref<1x32xi32, #tpu.memory_space<vmem>> -> memref<32xi32, #tpu.memory_space<vmem>>
    %dma_start3A_328 = arith.constant 0 : i32
    %dma_start3A_329 = arith.constant 0 : i32
    %dma_start3A_330 = tpu.memref_slice %arg7[%dma_start3A_328, %dma_start3A_329] : memref<8192x128xf32, #tpu.memory_space<vmem_shared>> -> memref<8192x128xf32, #tpu.memory_space<vmem_shared>>
    tpu.enqueue_indirect_dma source(%dma_start3A_330 : memref<8192x128xf32, #tpu.memory_space<vmem_shared>>) target(%dma_start3A_324 : memref<32x128xf32, #tpu.memory_space<vmem>>) offsets(%dma_start3A_327 : memref<32xi32, #tpu.memory_space<vmem>>) semaphore(%arg8 : memref<!tpu.dma_semaphore, #tpu.memory_space<semaphore_mem>>)
    %dma_wait3A_331 = arith.constant 1 : i32
    %dma_wait3A_332 = arith.constant 6 : i32
    %dma_wait3A_333 = arith.constant 0 : i32
    %dma_wait3A_334 = arith.constant 0 : i32
    %dma_wait3A_335 = tpu.memref_slice %arg6[%dma_wait3A_332, %dma_wait3A_333, %dma_wait3A_334] : memref<8x32x128xf32, #tpu.memory_space<vmem>> -> memref<1x32x128xf32, #tpu.memory_space<vmem>>
    %dma_wait3A_336 = tpu.memref_squeeze %dma_wait3A_335 : memref<1x32x128xf32, #tpu.memory_space<vmem>> -> memref<32x128xf32, #tpu.memory_space<vmem>>
    %dma_wait3A_337 = arith.constant 64 : i32
    %dma_wait3A_338 = tpu.memref_slice %arg5[%dma_wait3A_331, %dma_wait3A_337] : memref<200x128xi32, #tpu.memory_space<vmem>> -> memref<1x32xi32, #tpu.memory_space<vmem>>
    %dma_wait3A_339 = tpu.memref_squeeze %dma_wait3A_338 : memref<1x32xi32, #tpu.memory_space<vmem>> -> memref<32xi32, #tpu.memory_space<vmem>>
    %dma_wait3A_340 = arith.constant 0 : i32
    %dma_wait3A_341 = arith.constant 0 : i32
    %dma_wait3A_342 = tpu.memref_slice %arg7[%dma_wait3A_340, %dma_wait3A_341] : memref<8192x128xf32, #tpu.memory_space<vmem_shared>> -> memref<8192x128xf32, #tpu.memory_space<vmem_shared>>
    tpu.wait_indirect_dma semaphore(%arg8 : memref<!tpu.dma_semaphore, #tpu.memory_space<semaphore_mem>>) src(%dma_wait3A_342 : memref<8192x128xf32, #tpu.memory_space<vmem_shared>>) dst(%dma_wait3A_336 : memref<32x128xf32, #tpu.memory_space<vmem>>)
    %add3A_343 = arith.constant 192 : i32
    %add3A_344 = arith.addi %mul3A_4, %add3A_343 : i32
    %dma_start3A_345 = arith.constant 6 : i32
    %dma_start3A_346 = arith.constant 0 : i32
    %dma_start3A_347 = arith.constant 0 : i32
    %dma_start3A_348 = tpu.memref_slice %arg6[%dma_start3A_345, %dma_start3A_346, %dma_start3A_347] : memref<8x32x128xf32, #tpu.memory_space<vmem>> -> memref<1x32x128xf32, #tpu.memory_space<vmem>>
    %dma_start3A_349 = tpu.memref_squeeze %dma_start3A_348 : memref<1x32x128xf32, #tpu.memory_space<vmem>> -> memref<32x128xf32, #tpu.memory_space<vmem>>
    %dma_start3A_350 = arith.constant 0 : i32
    %dma_start3A_351 = tpu.memref_slice %arg4[%add3A_344, %dma_start3A_350] : memref<819200x128xf32, #tpu.memory_space<hbm>> -> memref<32x128xf32, #tpu.memory_space<hbm>>
    %dma_start3A_352 = arith.constant 0 : i32
    %dma_start3A_353 = tpu.memref_slice %arg4[%add3A_344, %dma_start3A_352] : memref<819200x128xf32, #tpu.memory_space<hbm>> -> memref<32x128xf32, #tpu.memory_space<hbm>>
    %dma_start3A_354 = arith.constant 0 : i32
    %dma_start3A_355 = arith.constant 0 : i32
    %dma_start3A_356 = tpu.memref_slice %arg6[%dma_start3A_345, %dma_start3A_354, %dma_start3A_355] : memref<8x32x128xf32, #tpu.memory_space<vmem>> -> memref<1x32x128xf32, #tpu.memory_space<vmem>>
    %dma_start3A_357 = tpu.memref_squeeze %dma_start3A_356 : memref<1x32x128xf32, #tpu.memory_space<vmem>> -> memref<32x128xf32, #tpu.memory_space<vmem>>
    tpu.enqueue_dma source(%dma_start3A_357 : memref<32x128xf32, #tpu.memory_space<vmem>>) target(%dma_start3A_353 : memref<32x128xf32, #tpu.memory_space<hbm>>) target_semaphore(%arg9 : memref<!tpu.dma_semaphore, #tpu.memory_space<semaphore_mem>>)
    %dma_wait3A_358 = arith.constant 0 : i32
    %dma_wait3A_359 = arith.constant 0 : i32
    %dma_wait3A_360 = arith.constant 0 : i32
    %dma_wait3A_361 = tpu.memref_slice %arg6[%dma_wait3A_358, %dma_wait3A_359, %dma_wait3A_360] : memref<8x32x128xf32, #tpu.memory_space<vmem>> -> memref<1x32x128xf32, #tpu.memory_space<vmem>>
    %dma_wait3A_362 = tpu.memref_squeeze %dma_wait3A_361 : memref<1x32x128xf32, #tpu.memory_space<vmem>> -> memref<32x128xf32, #tpu.memory_space<vmem>>
    %dma_wait3A_363 = arith.constant 0 : i32
    %dma_wait3A_364 = tpu.memref_slice %arg4[%mul3A_4, %dma_wait3A_363] : memref<819200x128xf32, #tpu.memory_space<hbm>> -> memref<32x128xf32, #tpu.memory_space<hbm>>
    %dma_wait3A_365 = arith.constant 0 : i32
    %dma_wait3A_366 = tpu.memref_slice %arg4[%mul3A_4, %dma_wait3A_365] : memref<819200x128xf32, #tpu.memory_space<hbm>> -> memref<32x128xf32, #tpu.memory_space<hbm>>
    %dma_wait3A_367 = arith.constant 0 : i32
    %dma_wait3A_368 = arith.constant 0 : i32
    %dma_wait3A_369 = tpu.memref_slice %arg6[%dma_wait3A_358, %dma_wait3A_367, %dma_wait3A_368] : memref<8x32x128xf32, #tpu.memory_space<vmem>> -> memref<1x32x128xf32, #tpu.memory_space<vmem>>
    %dma_wait3A_370 = tpu.memref_squeeze %dma_wait3A_369 : memref<1x32x128xf32, #tpu.memory_space<vmem>> -> memref<32x128xf32, #tpu.memory_space<vmem>>
    tpu.wait_dma2 semaphore(%arg9 : memref<!tpu.dma_semaphore, #tpu.memory_space<semaphore_mem>>) src(%dma_wait3A_370 : memref<32x128xf32, #tpu.memory_space<vmem>>) dst(%dma_wait3A_366 : memref<32x128xf32, #tpu.memory_space<hbm>>)
    %dma_start3A_371 = arith.constant 2 : i32
    %dma_start3A_372 = arith.constant 2 : i32
    %dma_start3A_373 = arith.constant 0 : i32
    %dma_start3A_374 = arith.constant 0 : i32
    %dma_start3A_375 = tpu.memref_slice %arg6[%dma_start3A_372, %dma_start3A_373, %dma_start3A_374] : memref<8x32x128xf32, #tpu.memory_space<vmem>> -> memref<1x32x128xf32, #tpu.memory_space<vmem>>
    %dma_start3A_376 = tpu.memref_squeeze %dma_start3A_375 : memref<1x32x128xf32, #tpu.memory_space<vmem>> -> memref<32x128xf32, #tpu.memory_space<vmem>>
    %dma_start3A_377 = arith.constant 64 : i32
    %dma_start3A_378 = tpu.memref_slice %arg5[%dma_start3A_371, %dma_start3A_377] : memref<200x128xi32, #tpu.memory_space<vmem>> -> memref<1x32xi32, #tpu.memory_space<vmem>>
    %dma_start3A_379 = tpu.memref_squeeze %dma_start3A_378 : memref<1x32xi32, #tpu.memory_space<vmem>> -> memref<32xi32, #tpu.memory_space<vmem>>
    %dma_start3A_380 = arith.constant 0 : i32
    %dma_start3A_381 = arith.constant 0 : i32
    %dma_start3A_382 = tpu.memref_slice %arg7[%dma_start3A_380, %dma_start3A_381] : memref<8192x128xf32, #tpu.memory_space<vmem_shared>> -> memref<8192x128xf32, #tpu.memory_space<vmem_shared>>
    tpu.enqueue_indirect_dma source(%dma_start3A_382 : memref<8192x128xf32, #tpu.memory_space<vmem_shared>>) target(%dma_start3A_376 : memref<32x128xf32, #tpu.memory_space<vmem>>) offsets(%dma_start3A_379 : memref<32xi32, #tpu.memory_space<vmem>>) semaphore(%arg8 : memref<!tpu.dma_semaphore, #tpu.memory_space<semaphore_mem>>)
    %dma_wait3A_383 = arith.constant 1 : i32
    %dma_wait3A_384 = arith.constant 7 : i32
    %dma_wait3A_385 = arith.constant 0 : i32
    %dma_wait3A_386 = arith.constant 0 : i32
    %dma_wait3A_387 = tpu.memref_slice %arg6[%dma_wait3A_384, %dma_wait3A_385, %dma_wait3A_386] : memref<8x32x128xf32, #tpu.memory_space<vmem>> -> memref<1x32x128xf32, #tpu.memory_space<vmem>>
    %dma_wait3A_388 = tpu.memref_squeeze %dma_wait3A_387 : memref<1x32x128xf32, #tpu.memory_space<vmem>> -> memref<32x128xf32, #tpu.memory_space<vmem>>
    %dma_wait3A_389 = arith.constant 96 : i32
    %dma_wait3A_390 = tpu.memref_slice %arg5[%dma_wait3A_383, %dma_wait3A_389] : memref<200x128xi32, #tpu.memory_space<vmem>> -> memref<1x32xi32, #tpu.memory_space<vmem>>
    %dma_wait3A_391 = tpu.memref_squeeze %dma_wait3A_390 : memref<1x32xi32, #tpu.memory_space<vmem>> -> memref<32xi32, #tpu.memory_space<vmem>>
    %dma_wait3A_392 = arith.constant 0 : i32
    %dma_wait3A_393 = arith.constant 0 : i32
    %dma_wait3A_394 = tpu.memref_slice %arg7[%dma_wait3A_392, %dma_wait3A_393] : memref<8192x128xf32, #tpu.memory_space<vmem_shared>> -> memref<8192x128xf32, #tpu.memory_space<vmem_shared>>
    tpu.wait_indirect_dma semaphore(%arg8 : memref<!tpu.dma_semaphore, #tpu.memory_space<semaphore_mem>>) src(%dma_wait3A_394 : memref<8192x128xf32, #tpu.memory_space<vmem_shared>>) dst(%dma_wait3A_388 : memref<32x128xf32, #tpu.memory_space<vmem>>)
    %add3A_395 = arith.constant 224 : i32
    %add3A_396 = arith.addi %mul3A_4, %add3A_395 : i32
    %dma_start3A_397 = arith.constant 7 : i32
    %dma_start3A_398 = arith.constant 0 : i32
    %dma_start3A_399 = arith.constant 0 : i32
    %dma_start3A_400 = tpu.memref_slice %arg6[%dma_start3A_397, %dma_start3A_398, %dma_start3A_399] : memref<8x32x128xf32, #tpu.memory_space<vmem>> -> memref<1x32x128xf32, #tpu.memory_space<vmem>>
    %dma_start3A_401 = tpu.memref_squeeze %dma_start3A_400 : memref<1x32x128xf32, #tpu.memory_space<vmem>> -> memref<32x128xf32, #tpu.memory_space<vmem>>
    %dma_start3A_402 = arith.constant 0 : i32
    %dma_start3A_403 = tpu.memref_slice %arg4[%add3A_396, %dma_start3A_402] : memref<819200x128xf32, #tpu.memory_space<hbm>> -> memref<32x128xf32, #tpu.memory_space<hbm>>
    %dma_start3A_404 = arith.constant 0 : i32
    %dma_start3A_405 = tpu.memref_slice %arg4[%add3A_396, %dma_start3A_404] : memref<819200x128xf32, #tpu.memory_space<hbm>> -> memref<32x128xf32, #tpu.memory_space<hbm>>
    %dma_start3A_406 = arith.constant 0 : i32
    %dma_start3A_407 = arith.constant 0 : i32
    %dma_start3A_408 = tpu.memref_slice %arg6[%dma_start3A_397, %dma_start3A_406, %dma_start3A_407] : memref<8x32x128xf32, #tpu.memory_space<vmem>> -> memref<1x32x128xf32, #tpu.memory_space<vmem>>
    %dma_start3A_409 = tpu.memref_squeeze %dma_start3A_408 : memref<1x32x128xf32, #tpu.memory_space<vmem>> -> memref<32x128xf32, #tpu.memory_space<vmem>>
    tpu.enqueue_dma source(%dma_start3A_409 : memref<32x128xf32, #tpu.memory_space<vmem>>) target(%dma_start3A_405 : memref<32x128xf32, #tpu.memory_space<hbm>>) target_semaphore(%arg9 : memref<!tpu.dma_semaphore, #tpu.memory_space<semaphore_mem>>)
    %dma_wait3A_410 = arith.constant 0 : i32
    %dma_wait3A_411 = arith.constant 0 : i32
    %dma_wait3A_412 = arith.constant 0 : i32
    %dma_wait3A_413 = tpu.memref_slice %arg6[%dma_wait3A_410, %dma_wait3A_411, %dma_wait3A_412] : memref<8x32x128xf32, #tpu.memory_space<vmem>> -> memref<1x32x128xf32, #tpu.memory_space<vmem>>
    %dma_wait3A_414 = tpu.memref_squeeze %dma_wait3A_413 : memref<1x32x128xf32, #tpu.memory_space<vmem>> -> memref<32x128xf32, #tpu.memory_space<vmem>>
    %dma_wait3A_415 = arith.constant 0 : i32
    %dma_wait3A_416 = tpu.memref_slice %arg4[%mul3A_4, %dma_wait3A_415] : memref<819200x128xf32, #tpu.memory_space<hbm>> -> memref<32x128xf32, #tpu.memory_space<hbm>>
    %dma_wait3A_417 = arith.constant 0 : i32
    %dma_wait3A_418 = tpu.memref_slice %arg4[%mul3A_4, %dma_wait3A_417] : memref<819200x128xf32, #tpu.memory_space<hbm>> -> memref<32x128xf32, #tpu.memory_space<hbm>>
    %dma_wait3A_419 = arith.constant 0 : i32
    %dma_wait3A_420 = arith.constant 0 : i32
    %dma_wait3A_421 = tpu.memref_slice %arg6[%dma_wait3A_410, %dma_wait3A_419, %dma_wait3A_420] : memref<8x32x128xf32, #tpu.memory_space<vmem>> -> memref<1x32x128xf32, #tpu.memory_space<vmem>>
    %dma_wait3A_422 = tpu.memref_squeeze %dma_wait3A_421 : memref<1x32x128xf32, #tpu.memory_space<vmem>> -> memref<32x128xf32, #tpu.memory_space<vmem>>
    tpu.wait_dma2 semaphore(%arg9 : memref<!tpu.dma_semaphore, #tpu.memory_space<semaphore_mem>>) src(%dma_wait3A_422 : memref<32x128xf32, #tpu.memory_space<vmem>>) dst(%dma_wait3A_418 : memref<32x128xf32, #tpu.memory_space<hbm>>)
    %dma_start3A_423 = arith.constant 2 : i32
    %dma_start3A_424 = arith.constant 3 : i32
    %dma_start3A_425 = arith.constant 0 : i32
    %dma_start3A_426 = arith.constant 0 : i32
    %dma_start3A_427 = tpu.memref_slice %arg6[%dma_start3A_424, %dma_start3A_425, %dma_start3A_426] : memref<8x32x128xf32, #tpu.memory_space<vmem>> -> memref<1x32x128xf32, #tpu.memory_space<vmem>>
    %dma_start3A_428 = tpu.memref_squeeze %dma_start3A_427 : memref<1x32x128xf32, #tpu.memory_space<vmem>> -> memref<32x128xf32, #tpu.memory_space<vmem>>
    %dma_start3A_429 = arith.constant 96 : i32
    %dma_start3A_430 = tpu.memref_slice %arg5[%dma_start3A_423, %dma_start3A_429] : memref<200x128xi32, #tpu.memory_space<vmem>> -> memref<1x32xi32, #tpu.memory_space<vmem>>
    %dma_start3A_431 = tpu.memref_squeeze %dma_start3A_430 : memref<1x32xi32, #tpu.memory_space<vmem>> -> memref<32xi32, #tpu.memory_space<vmem>>
    %dma_start3A_432 = arith.constant 0 : i32
    %dma_start3A_433 = arith.constant 0 : i32
    %dma_start3A_434 = tpu.memref_slice %arg7[%dma_start3A_432, %dma_start3A_433] : memref<8192x128xf32, #tpu.memory_space<vmem_shared>> -> memref<8192x128xf32, #tpu.memory_space<vmem_shared>>
    tpu.enqueue_indirect_dma source(%dma_start3A_434 : memref<8192x128xf32, #tpu.memory_space<vmem_shared>>) target(%dma_start3A_428 : memref<32x128xf32, #tpu.memory_space<vmem>>) offsets(%dma_start3A_431 : memref<32xi32, #tpu.memory_space<vmem>>) semaphore(%arg8 : memref<!tpu.dma_semaphore, #tpu.memory_space<semaphore_mem>>)
    %scan3A = arith.constant 0 : i32
    %scan3A_435 = arith.constant 1 : i32
    %scan3A_436 = arith.constant 98 : i32
    %scan3A_437 = arith.addi %scan3A_435, %scan3A_436 : i32
    %scan3A_438 = arith.constant 1 : i32
    scf.for %scan3A_860 = %scan3A_435 to %scan3A_437 step %scan3A_438  : i32 {
      %mul3A_861 = arith.constant 8 : i32
      %mul3A_862 = arith.muli %scan3A_860, %mul3A_861 : i32
      %add3A_863 = arith.constant 0 : i32
      %add3A_864 = arith.addi %mul3A_862, %add3A_863 : i32
      %jit3A = arith.constant 4 : i32
      %div3A = arith.divsi %add3A_864, %jit3A : i32
      %sign3A = arith.constant 0 : i32
      %sign3A_865 = arith.cmpi sgt, %add3A_864, %sign3A : i32
      %sign3A_866 = arith.extui %sign3A_865 : i1 to i32
      %sign3A_867 = arith.constant 0 : i32
      %sign3A_868 = arith.cmpi slt, %add3A_864, %sign3A_867 : i32
      %sign3A_869 = arith.extui %sign3A_868 : i1 to i32
      %sign3A_870 = arith.subi %sign3A_866, %sign3A_869 : i32
      %sign3A_871 = arith.constant 0 : i32
      %sign3A_872 = arith.cmpi sgt, %jit3A, %sign3A_871 : i32
      %sign3A_873 = arith.extui %sign3A_872 : i1 to i32
      %sign3A_874 = arith.constant 0 : i32
      %sign3A_875 = arith.cmpi slt, %jit3A, %sign3A_874 : i32
      %sign3A_876 = arith.extui %sign3A_875 : i1 to i32
      %sign3A_877 = arith.subi %sign3A_873, %sign3A_876 : i32
      %ne3A = arith.cmpi ne, %sign3A_870, %sign3A_877 : i32
      %rem3A = arith.remsi %add3A_864, %jit3A : i32
      %ne3A_878 = arith.constant 0 : i32
      %ne3A_879 = arith.cmpi ne, %rem3A, %ne3A_878 : i32
      %and3A = arith.andi %ne3A, %ne3A_879 : i1
      %sub3A = arith.constant 1 : i32
      %sub3A_880 = arith.subi %div3A, %sub3A : i32
      %select_n3A = arith.select %and3A, %sub3A_880, %div3A : i32
      %jit3A_881 = arith.constant 4 : i32
      %eq3A = arith.constant 0 : i32
      %eq3A_882 = arith.cmpi eq, %jit3A_881, %eq3A : i32
      %jit3A_883 = arith.constant 1 : i32
      %select_n3A_884 = arith.select %eq3A_882, %jit3A_883, %jit3A_881 : i32
      %rem3A_885 = arith.remsi %add3A_864, %select_n3A_884 : i32
      %ne3A_886 = arith.constant 0 : i32
      %ne3A_887 = arith.cmpi ne, %rem3A_885, %ne3A_886 : i32
      %lt3A = arith.constant 0 : i32
      %lt3A_888 = arith.cmpi slt, %rem3A_885, %lt3A : i32
      %lt3A_889 = arith.constant 0 : i32
      %lt3A_890 = arith.cmpi slt, %select_n3A_884, %lt3A_889 : i32
      %ne3A_891 = arith.xori %lt3A_888, %lt3A_890 : i1
      %and3A_892 = arith.andi %ne3A_891, %ne3A_887 : i1
      %add3A_893 = arith.addi %rem3A_885, %select_n3A_884 : i32
      %select_n3A_894 = arith.select %and3A_892, %add3A_893, %rem3A_885 : i32
      %mul3A_895 = arith.constant 32 : i32
      %mul3A_896 = arith.muli %select_n3A_894, %mul3A_895 : i32
      %dma_wait3A_897 = arith.constant 0 : i32
      %dma_wait3A_898 = arith.constant 0 : i32
      %dma_wait3A_899 = arith.constant 0 : i32
      %dma_wait3A_900 = tpu.memref_slice %arg6[%dma_wait3A_897, %dma_wait3A_898, %dma_wait3A_899] : memref<8x32x128xf32, #tpu.memory_space<vmem>> -> memref<1x32x128xf32, #tpu.memory_space<vmem>>
      %dma_wait3A_901 = tpu.memref_squeeze %dma_wait3A_900 : memref<1x32x128xf32, #tpu.memory_space<vmem>> -> memref<32x128xf32, #tpu.memory_space<vmem>>
      %dma_wait3A_902 = tpu.memref_slice %arg5[%select_n3A, %mul3A_896] : memref<200x128xi32, #tpu.memory_space<vmem>> -> memref<1x32xi32, #tpu.memory_space<vmem>>
      %dma_wait3A_903 = tpu.memref_squeeze %dma_wait3A_902 : memref<1x32xi32, #tpu.memory_space<vmem>> -> memref<32xi32, #tpu.memory_space<vmem>>
      %dma_wait3A_904 = arith.constant 0 : i32
      %dma_wait3A_905 = arith.constant 0 : i32
      %dma_wait3A_906 = tpu.memref_slice %arg7[%dma_wait3A_904, %dma_wait3A_905] : memref<8192x128xf32, #tpu.memory_space<vmem_shared>> -> memref<8192x128xf32, #tpu.memory_space<vmem_shared>>
      tpu.wait_indirect_dma semaphore(%arg8 : memref<!tpu.dma_semaphore, #tpu.memory_space<semaphore_mem>>) src(%dma_wait3A_906 : memref<8192x128xf32, #tpu.memory_space<vmem_shared>>) dst(%dma_wait3A_901 : memref<32x128xf32, #tpu.memory_space<vmem>>)
      %mul3A_907 = arith.constant 32 : i32
      %mul3A_908 = arith.muli %add3A_864, %mul3A_907 : i32
      %add3A_909 = arith.addi %mul3A_4, %mul3A_908 : i32
      %dma_start3A_910 = arith.constant 0 : i32
      %dma_start3A_911 = arith.constant 0 : i32
      %dma_start3A_912 = arith.constant 0 : i32
      %dma_start3A_913 = tpu.memref_slice %arg6[%dma_start3A_910, %dma_start3A_911, %dma_start3A_912] : memref<8x32x128xf32, #tpu.memory_space<vmem>> -> memref<1x32x128xf32, #tpu.memory_space<vmem>>
      %dma_start3A_914 = tpu.memref_squeeze %dma_start3A_913 : memref<1x32x128xf32, #tpu.memory_space<vmem>> -> memref<32x128xf32, #tpu.memory_space<vmem>>
      %dma_start3A_915 = arith.constant 0 : i32
      %dma_start3A_916 = tpu.memref_slice %arg4[%add3A_909, %dma_start3A_915] : memref<819200x128xf32, #tpu.memory_space<hbm>> -> memref<32x128xf32, #tpu.memory_space<hbm>>
      %dma_start3A_917 = arith.constant 0 : i32
      %dma_start3A_918 = tpu.memref_slice %arg4[%add3A_909, %dma_start3A_917] : memref<819200x128xf32, #tpu.memory_space<hbm>> -> memref<32x128xf32, #tpu.memory_space<hbm>>
      %dma_start3A_919 = arith.constant 0 : i32
      %dma_start3A_920 = arith.constant 0 : i32
      %dma_start3A_921 = tpu.memref_slice %arg6[%dma_start3A_910, %dma_start3A_919, %dma_start3A_920] : memref<8x32x128xf32, #tpu.memory_space<vmem>> -> memref<1x32x128xf32, #tpu.memory_space<vmem>>
      %dma_start3A_922 = tpu.memref_squeeze %dma_start3A_921 : memref<1x32x128xf32, #tpu.memory_space<vmem>> -> memref<32x128xf32, #tpu.memory_space<vmem>>
      tpu.enqueue_dma source(%dma_start3A_922 : memref<32x128xf32, #tpu.memory_space<vmem>>) target(%dma_start3A_918 : memref<32x128xf32, #tpu.memory_space<hbm>>) target_semaphore(%arg9 : memref<!tpu.dma_semaphore, #tpu.memory_space<semaphore_mem>>)
      %dma_wait3A_923 = arith.constant 0 : i32
      %dma_wait3A_924 = arith.constant 0 : i32
      %dma_wait3A_925 = arith.constant 0 : i32
      %dma_wait3A_926 = tpu.memref_slice %arg6[%dma_wait3A_923, %dma_wait3A_924, %dma_wait3A_925] : memref<8x32x128xf32, #tpu.memory_space<vmem>> -> memref<1x32x128xf32, #tpu.memory_space<vmem>>
      %dma_wait3A_927 = tpu.memref_squeeze %dma_wait3A_926 : memref<1x32x128xf32, #tpu.memory_space<vmem>> -> memref<32x128xf32, #tpu.memory_space<vmem>>
      %dma_wait3A_928 = arith.constant 0 : i32
      %dma_wait3A_929 = tpu.memref_slice %arg4[%mul3A_4, %dma_wait3A_928] : memref<819200x128xf32, #tpu.memory_space<hbm>> -> memref<32x128xf32, #tpu.memory_space<hbm>>
      %dma_wait3A_930 = arith.constant 0 : i32
      %dma_wait3A_931 = tpu.memref_slice %arg4[%mul3A_4, %dma_wait3A_930] : memref<819200x128xf32, #tpu.memory_space<hbm>> -> memref<32x128xf32, #tpu.memory_space<hbm>>
      %dma_wait3A_932 = arith.constant 0 : i32
      %dma_wait3A_933 = arith.constant 0 : i32
      %dma_wait3A_934 = tpu.memref_slice %arg6[%dma_wait3A_923, %dma_wait3A_932, %dma_wait3A_933] : memref<8x32x128xf32, #tpu.memory_space<vmem>> -> memref<1x32x128xf32, #tpu.memory_space<vmem>>
      %dma_wait3A_935 = tpu.memref_squeeze %dma_wait3A_934 : memref<1x32x128xf32, #tpu.memory_space<vmem>> -> memref<32x128xf32, #tpu.memory_space<vmem>>
      tpu.wait_dma2 semaphore(%arg9 : memref<!tpu.dma_semaphore, #tpu.memory_space<semaphore_mem>>) src(%dma_wait3A_935 : memref<32x128xf32, #tpu.memory_space<vmem>>) dst(%dma_wait3A_931 : memref<32x128xf32, #tpu.memory_space<hbm>>)
      %add3A_936 = arith.constant 4 : i32
      %add3A_937 = arith.addi %add3A_864, %add3A_936 : i32
      %jit3A_938 = arith.constant 4 : i32
      %div3A_939 = arith.divsi %add3A_937, %jit3A_938 : i32
      %sign3A_940 = arith.constant 0 : i32
      %sign3A_941 = arith.cmpi sgt, %add3A_937, %sign3A_940 : i32
      %sign3A_942 = arith.extui %sign3A_941 : i1 to i32
      %sign3A_943 = arith.constant 0 : i32
      %sign3A_944 = arith.cmpi slt, %add3A_937, %sign3A_943 : i32
      %sign3A_945 = arith.extui %sign3A_944 : i1 to i32
      %sign3A_946 = arith.subi %sign3A_942, %sign3A_945 : i32
      %sign3A_947 = arith.constant 0 : i32
      %sign3A_948 = arith.cmpi sgt, %jit3A_938, %sign3A_947 : i32
      %sign3A_949 = arith.extui %sign3A_948 : i1 to i32
      %sign3A_950 = arith.constant 0 : i32
      %sign3A_951 = arith.cmpi slt, %jit3A_938, %sign3A_950 : i32
      %sign3A_952 = arith.extui %sign3A_951 : i1 to i32
      %sign3A_953 = arith.subi %sign3A_949, %sign3A_952 : i32
      %ne3A_954 = arith.cmpi ne, %sign3A_946, %sign3A_953 : i32
      %rem3A_955 = arith.remsi %add3A_937, %jit3A_938 : i32
      %ne3A_956 = arith.constant 0 : i32
      %ne3A_957 = arith.cmpi ne, %rem3A_955, %ne3A_956 : i32
      %and3A_958 = arith.andi %ne3A_954, %ne3A_957 : i1
      %sub3A_959 = arith.constant 1 : i32
      %sub3A_960 = arith.subi %div3A_939, %sub3A_959 : i32
      %select_n3A_961 = arith.select %and3A_958, %sub3A_960, %div3A_939 : i32
      %jit3A_962 = arith.constant 4 : i32
      %eq3A_963 = arith.constant 0 : i32
      %eq3A_964 = arith.cmpi eq, %jit3A_962, %eq3A_963 : i32
      %jit3A_965 = arith.constant 1 : i32
      %select_n3A_966 = arith.select %eq3A_964, %jit3A_965, %jit3A_962 : i32
      %rem3A_967 = arith.remsi %add3A_937, %select_n3A_966 : i32
      %ne3A_968 = arith.constant 0 : i32
      %ne3A_969 = arith.cmpi ne, %rem3A_967, %ne3A_968 : i32
      %lt3A_970 = arith.constant 0 : i32
      %lt3A_971 = arith.cmpi slt, %rem3A_967, %lt3A_970 : i32
      %lt3A_972 = arith.constant 0 : i32
      %lt3A_973 = arith.cmpi slt, %select_n3A_966, %lt3A_972 : i32
      %ne3A_974 = arith.xori %lt3A_971, %lt3A_973 : i1
      %and3A_975 = arith.andi %ne3A_974, %ne3A_969 : i1
      %add3A_976 = arith.addi %rem3A_967, %select_n3A_966 : i32
      %select_n3A_977 = arith.select %and3A_975, %add3A_976, %rem3A_967 : i32
      %mul3A_978 = arith.constant 32 : i32
      %mul3A_979 = arith.muli %select_n3A_977, %mul3A_978 : i32
      %dma_start3A_980 = arith.constant 4 : i32
      %dma_start3A_981 = arith.constant 0 : i32
      %dma_start3A_982 = arith.constant 0 : i32
      %dma_start3A_983 = tpu.memref_slice %arg6[%dma_start3A_980, %dma_start3A_981, %dma_start3A_982] : memref<8x32x128xf32, #tpu.memory_space<vmem>> -> memref<1x32x128xf32, #tpu.memory_space<vmem>>
      %dma_start3A_984 = tpu.memref_squeeze %dma_start3A_983 : memref<1x32x128xf32, #tpu.memory_space<vmem>> -> memref<32x128xf32, #tpu.memory_space<vmem>>
      %dma_start3A_985 = tpu.memref_slice %arg5[%select_n3A_961, %mul3A_979] : memref<200x128xi32, #tpu.memory_space<vmem>> -> memref<1x32xi32, #tpu.memory_space<vmem>>
      %dma_start3A_986 = tpu.memref_squeeze %dma_start3A_985 : memref<1x32xi32, #tpu.memory_space<vmem>> -> memref<32xi32, #tpu.memory_space<vmem>>
      %dma_start3A_987 = arith.constant 0 : i32
      %dma_start3A_988 = arith.constant 0 : i32
      %dma_start3A_989 = tpu.memref_slice %arg7[%dma_start3A_987, %dma_start3A_988] : memref<8192x128xf32, #tpu.memory_space<vmem_shared>> -> memref<8192x128xf32, #tpu.memory_space<vmem_shared>>
      tpu.enqueue_indirect_dma source(%dma_start3A_989 : memref<8192x128xf32, #tpu.memory_space<vmem_shared>>) target(%dma_start3A_984 : memref<32x128xf32, #tpu.memory_space<vmem>>) offsets(%dma_start3A_986 : memref<32xi32, #tpu.memory_space<vmem>>) semaphore(%arg8 : memref<!tpu.dma_semaphore, #tpu.memory_space<semaphore_mem>>)
      %mul3A_990 = arith.constant 8 : i32
      %mul3A_991 = arith.muli %scan3A_860, %mul3A_990 : i32
      %add3A_992 = arith.constant 1 : i32
      %add3A_993 = arith.addi %mul3A_991, %add3A_992 : i32
      %jit3A_994 = arith.constant 4 : i32
      %div3A_995 = arith.divsi %add3A_993, %jit3A_994 : i32
      %sign3A_996 = arith.constant 0 : i32
      %sign3A_997 = arith.cmpi sgt, %add3A_993, %sign3A_996 : i32
      %sign3A_998 = arith.extui %sign3A_997 : i1 to i32
      %sign3A_999 = arith.constant 0 : i32
      %sign3A_1000 = arith.cmpi slt, %add3A_993, %sign3A_999 : i32
      %sign3A_1001 = arith.extui %sign3A_1000 : i1 to i32
      %sign3A_1002 = arith.subi %sign3A_998, %sign3A_1001 : i32
      %sign3A_1003 = arith.constant 0 : i32
      %sign3A_1004 = arith.cmpi sgt, %jit3A_994, %sign3A_1003 : i32
      %sign3A_1005 = arith.extui %sign3A_1004 : i1 to i32
      %sign3A_1006 = arith.constant 0 : i32
      %sign3A_1007 = arith.cmpi slt, %jit3A_994, %sign3A_1006 : i32
      %sign3A_1008 = arith.extui %sign3A_1007 : i1 to i32
      %sign3A_1009 = arith.subi %sign3A_1005, %sign3A_1008 : i32
      %ne3A_1010 = arith.cmpi ne, %sign3A_1002, %sign3A_1009 : i32
      %rem3A_1011 = arith.remsi %add3A_993, %jit3A_994 : i32
      %ne3A_1012 = arith.constant 0 : i32
      %ne3A_1013 = arith.cmpi ne, %rem3A_1011, %ne3A_1012 : i32
      %and3A_1014 = arith.andi %ne3A_1010, %ne3A_1013 : i1
      %sub3A_1015 = arith.constant 1 : i32
      %sub3A_1016 = arith.subi %div3A_995, %sub3A_1015 : i32
      %select_n3A_1017 = arith.select %and3A_1014, %sub3A_1016, %div3A_995 : i32
      %jit3A_1018 = arith.constant 4 : i32
      %eq3A_1019 = arith.constant 0 : i32
      %eq3A_1020 = arith.cmpi eq, %jit3A_1018, %eq3A_1019 : i32
      %jit3A_1021 = arith.constant 1 : i32
      %select_n3A_1022 = arith.select %eq3A_1020, %jit3A_1021, %jit3A_1018 : i32
      %rem3A_1023 = arith.remsi %add3A_993, %select_n3A_1022 : i32
      %ne3A_1024 = arith.constant 0 : i32
      %ne3A_1025 = arith.cmpi ne, %rem3A_1023, %ne3A_1024 : i32
      %lt3A_1026 = arith.constant 0 : i32
      %lt3A_1027 = arith.cmpi slt, %rem3A_1023, %lt3A_1026 : i32
      %lt3A_1028 = arith.constant 0 : i32
      %lt3A_1029 = arith.cmpi slt, %select_n3A_1022, %lt3A_1028 : i32
      %ne3A_1030 = arith.xori %lt3A_1027, %lt3A_1029 : i1
      %and3A_1031 = arith.andi %ne3A_1030, %ne3A_1025 : i1
      %add3A_1032 = arith.addi %rem3A_1023, %select_n3A_1022 : i32
      %select_n3A_1033 = arith.select %and3A_1031, %add3A_1032, %rem3A_1023 : i32
      %mul3A_1034 = arith.constant 32 : i32
      %mul3A_1035 = arith.muli %select_n3A_1033, %mul3A_1034 : i32
      %dma_wait3A_1036 = arith.constant 1 : i32
      %dma_wait3A_1037 = arith.constant 0 : i32
      %dma_wait3A_1038 = arith.constant 0 : i32
      %dma_wait3A_1039 = tpu.memref_slice %arg6[%dma_wait3A_1036, %dma_wait3A_1037, %dma_wait3A_1038] : memref<8x32x128xf32, #tpu.memory_space<vmem>> -> memref<1x32x128xf32, #tpu.memory_space<vmem>>
      %dma_wait3A_1040 = tpu.memref_squeeze %dma_wait3A_1039 : memref<1x32x128xf32, #tpu.memory_space<vmem>> -> memref<32x128xf32, #tpu.memory_space<vmem>>
      %dma_wait3A_1041 = tpu.memref_slice %arg5[%select_n3A_1017, %mul3A_1035] : memref<200x128xi32, #tpu.memory_space<vmem>> -> memref<1x32xi32, #tpu.memory_space<vmem>>
      %dma_wait3A_1042 = tpu.memref_squeeze %dma_wait3A_1041 : memref<1x32xi32, #tpu.memory_space<vmem>> -> memref<32xi32, #tpu.memory_space<vmem>>
      %dma_wait3A_1043 = arith.constant 0 : i32
      %dma_wait3A_1044 = arith.constant 0 : i32
      %dma_wait3A_1045 = tpu.memref_slice %arg7[%dma_wait3A_1043, %dma_wait3A_1044] : memref<8192x128xf32, #tpu.memory_space<vmem_shared>> -> memref<8192x128xf32, #tpu.memory_space<vmem_shared>>
      tpu.wait_indirect_dma semaphore(%arg8 : memref<!tpu.dma_semaphore, #tpu.memory_space<semaphore_mem>>) src(%dma_wait3A_1045 : memref<8192x128xf32, #tpu.memory_space<vmem_shared>>) dst(%dma_wait3A_1040 : memref<32x128xf32, #tpu.memory_space<vmem>>)
      %mul3A_1046 = arith.constant 32 : i32
      %mul3A_1047 = arith.muli %add3A_993, %mul3A_1046 : i32
      %add3A_1048 = arith.addi %mul3A_4, %mul3A_1047 : i32
      %dma_start3A_1049 = arith.constant 1 : i32
      %dma_start3A_1050 = arith.constant 0 : i32
      %dma_start3A_1051 = arith.constant 0 : i32
      %dma_start3A_1052 = tpu.memref_slice %arg6[%dma_start3A_1049, %dma_start3A_1050, %dma_start3A_1051] : memref<8x32x128xf32, #tpu.memory_space<vmem>> -> memref<1x32x128xf32, #tpu.memory_space<vmem>>
      %dma_start3A_1053 = tpu.memref_squeeze %dma_start3A_1052 : memref<1x32x128xf32, #tpu.memory_space<vmem>> -> memref<32x128xf32, #tpu.memory_space<vmem>>
      %dma_start3A_1054 = arith.constant 0 : i32
      %dma_start3A_1055 = tpu.memref_slice %arg4[%add3A_1048, %dma_start3A_1054] : memref<819200x128xf32, #tpu.memory_space<hbm>> -> memref<32x128xf32, #tpu.memory_space<hbm>>
      %dma_start3A_1056 = arith.constant 0 : i32
      %dma_start3A_1057 = tpu.memref_slice %arg4[%add3A_1048, %dma_start3A_1056] : memref<819200x128xf32, #tpu.memory_space<hbm>> -> memref<32x128xf32, #tpu.memory_space<hbm>>
      %dma_start3A_1058 = arith.constant 0 : i32
      %dma_start3A_1059 = arith.constant 0 : i32
      %dma_start3A_1060 = tpu.memref_slice %arg6[%dma_start3A_1049, %dma_start3A_1058, %dma_start3A_1059] : memref<8x32x128xf32, #tpu.memory_space<vmem>> -> memref<1x32x128xf32, #tpu.memory_space<vmem>>
      %dma_start3A_1061 = tpu.memref_squeeze %dma_start3A_1060 : memref<1x32x128xf32, #tpu.memory_space<vmem>> -> memref<32x128xf32, #tpu.memory_space<vmem>>
      tpu.enqueue_dma source(%dma_start3A_1061 : memref<32x128xf32, #tpu.memory_space<vmem>>) target(%dma_start3A_1057 : memref<32x128xf32, #tpu.memory_space<hbm>>) target_semaphore(%arg9 : memref<!tpu.dma_semaphore, #tpu.memory_space<semaphore_mem>>)
      %dma_wait3A_1062 = arith.constant 0 : i32
      %dma_wait3A_1063 = arith.constant 0 : i32
      %dma_wait3A_1064 = arith.constant 0 : i32
      %dma_wait3A_1065 = tpu.memref_slice %arg6[%dma_wait3A_1062, %dma_wait3A_1063, %dma_wait3A_1064] : memref<8x32x128xf32, #tpu.memory_space<vmem>> -> memref<1x32x128xf32, #tpu.memory_space<vmem>>
      %dma_wait3A_1066 = tpu.memref_squeeze %dma_wait3A_1065 : memref<1x32x128xf32, #tpu.memory_space<vmem>> -> memref<32x128xf32, #tpu.memory_space<vmem>>
      %dma_wait3A_1067 = arith.constant 0 : i32
      %dma_wait3A_1068 = tpu.memref_slice %arg4[%mul3A_4, %dma_wait3A_1067] : memref<819200x128xf32, #tpu.memory_space<hbm>> -> memref<32x128xf32, #tpu.memory_space<hbm>>
      %dma_wait3A_1069 = arith.constant 0 : i32
      %dma_wait3A_1070 = tpu.memref_slice %arg4[%mul3A_4, %dma_wait3A_1069] : memref<819200x128xf32, #tpu.memory_space<hbm>> -> memref<32x128xf32, #tpu.memory_space<hbm>>
      %dma_wait3A_1071 = arith.constant 0 : i32
      %dma_wait3A_1072 = arith.constant 0 : i32
      %dma_wait3A_1073 = tpu.memref_slice %arg6[%dma_wait3A_1062, %dma_wait3A_1071, %dma_wait3A_1072] : memref<8x32x128xf32, #tpu.memory_space<vmem>> -> memref<1x32x128xf32, #tpu.memory_space<vmem>>
      %dma_wait3A_1074 = tpu.memref_squeeze %dma_wait3A_1073 : memref<1x32x128xf32, #tpu.memory_space<vmem>> -> memref<32x128xf32, #tpu.memory_space<vmem>>
      tpu.wait_dma2 semaphore(%arg9 : memref<!tpu.dma_semaphore, #tpu.memory_space<semaphore_mem>>) src(%dma_wait3A_1074 : memref<32x128xf32, #tpu.memory_space<vmem>>) dst(%dma_wait3A_1070 : memref<32x128xf32, #tpu.memory_space<hbm>>)
      %add3A_1075 = arith.constant 4 : i32
      %add3A_1076 = arith.addi %add3A_993, %add3A_1075 : i32
      %jit3A_1077 = arith.constant 4 : i32
      %div3A_1078 = arith.divsi %add3A_1076, %jit3A_1077 : i32
      %sign3A_1079 = arith.constant 0 : i32
      %sign3A_1080 = arith.cmpi sgt, %add3A_1076, %sign3A_1079 : i32
      %sign3A_1081 = arith.extui %sign3A_1080 : i1 to i32
      %sign3A_1082 = arith.constant 0 : i32
      %sign3A_1083 = arith.cmpi slt, %add3A_1076, %sign3A_1082 : i32
      %sign3A_1084 = arith.extui %sign3A_1083 : i1 to i32
      %sign3A_1085 = arith.subi %sign3A_1081, %sign3A_1084 : i32
      %sign3A_1086 = arith.constant 0 : i32
      %sign3A_1087 = arith.cmpi sgt, %jit3A_1077, %sign3A_1086 : i32
      %sign3A_1088 = arith.extui %sign3A_1087 : i1 to i32
      %sign3A_1089 = arith.constant 0 : i32
      %sign3A_1090 = arith.cmpi slt, %jit3A_1077, %sign3A_1089 : i32
      %sign3A_1091 = arith.extui %sign3A_1090 : i1 to i32
      %sign3A_1092 = arith.subi %sign3A_1088, %sign3A_1091 : i32
      %ne3A_1093 = arith.cmpi ne, %sign3A_1085, %sign3A_1092 : i32
      %rem3A_1094 = arith.remsi %add3A_1076, %jit3A_1077 : i32
      %ne3A_1095 = arith.constant 0 : i32
      %ne3A_1096 = arith.cmpi ne, %rem3A_1094, %ne3A_1095 : i32
      %and3A_1097 = arith.andi %ne3A_1093, %ne3A_1096 : i1
      %sub3A_1098 = arith.constant 1 : i32
      %sub3A_1099 = arith.subi %div3A_1078, %sub3A_1098 : i32
      %select_n3A_1100 = arith.select %and3A_1097, %sub3A_1099, %div3A_1078 : i32
      %jit3A_1101 = arith.constant 4 : i32
      %eq3A_1102 = arith.constant 0 : i32
      %eq3A_1103 = arith.cmpi eq, %jit3A_1101, %eq3A_1102 : i32
      %jit3A_1104 = arith.constant 1 : i32
      %select_n3A_1105 = arith.select %eq3A_1103, %jit3A_1104, %jit3A_1101 : i32
      %rem3A_1106 = arith.remsi %add3A_1076, %select_n3A_1105 : i32
      %ne3A_1107 = arith.constant 0 : i32
      %ne3A_1108 = arith.cmpi ne, %rem3A_1106, %ne3A_1107 : i32
      %lt3A_1109 = arith.constant 0 : i32
      %lt3A_1110 = arith.cmpi slt, %rem3A_1106, %lt3A_1109 : i32
      %lt3A_1111 = arith.constant 0 : i32
      %lt3A_1112 = arith.cmpi slt, %select_n3A_1105, %lt3A_1111 : i32
      %ne3A_1113 = arith.xori %lt3A_1110, %lt3A_1112 : i1
      %and3A_1114 = arith.andi %ne3A_1113, %ne3A_1108 : i1
      %add3A_1115 = arith.addi %rem3A_1106, %select_n3A_1105 : i32
      %select_n3A_1116 = arith.select %and3A_1114, %add3A_1115, %rem3A_1106 : i32
      %mul3A_1117 = arith.constant 32 : i32
      %mul3A_1118 = arith.muli %select_n3A_1116, %mul3A_1117 : i32
      %dma_start3A_1119 = arith.constant 5 : i32
      %dma_start3A_1120 = arith.constant 0 : i32
      %dma_start3A_1121 = arith.constant 0 : i32
      %dma_start3A_1122 = tpu.memref_slice %arg6[%dma_start3A_1119, %dma_start3A_1120, %dma_start3A_1121] : memref<8x32x128xf32, #tpu.memory_space<vmem>> -> memref<1x32x128xf32, #tpu.memory_space<vmem>>
      %dma_start3A_1123 = tpu.memref_squeeze %dma_start3A_1122 : memref<1x32x128xf32, #tpu.memory_space<vmem>> -> memref<32x128xf32, #tpu.memory_space<vmem>>
      %dma_start3A_1124 = tpu.memref_slice %arg5[%select_n3A_1100, %mul3A_1118] : memref<200x128xi32, #tpu.memory_space<vmem>> -> memref<1x32xi32, #tpu.memory_space<vmem>>
      %dma_start3A_1125 = tpu.memref_squeeze %dma_start3A_1124 : memref<1x32xi32, #tpu.memory_space<vmem>> -> memref<32xi32, #tpu.memory_space<vmem>>
      %dma_start3A_1126 = arith.constant 0 : i32
      %dma_start3A_1127 = arith.constant 0 : i32
      %dma_start3A_1128 = tpu.memref_slice %arg7[%dma_start3A_1126, %dma_start3A_1127] : memref<8192x128xf32, #tpu.memory_space<vmem_shared>> -> memref<8192x128xf32, #tpu.memory_space<vmem_shared>>
      tpu.enqueue_indirect_dma source(%dma_start3A_1128 : memref<8192x128xf32, #tpu.memory_space<vmem_shared>>) target(%dma_start3A_1123 : memref<32x128xf32, #tpu.memory_space<vmem>>) offsets(%dma_start3A_1125 : memref<32xi32, #tpu.memory_space<vmem>>) semaphore(%arg8 : memref<!tpu.dma_semaphore, #tpu.memory_space<semaphore_mem>>)
      %mul3A_1129 = arith.constant 8 : i32
      %mul3A_1130 = arith.muli %scan3A_860, %mul3A_1129 : i32
      %add3A_1131 = arith.constant 2 : i32
      %add3A_1132 = arith.addi %mul3A_1130, %add3A_1131 : i32
      %jit3A_1133 = arith.constant 4 : i32
      %div3A_1134 = arith.divsi %add3A_1132, %jit3A_1133 : i32
      %sign3A_1135 = arith.constant 0 : i32
      %sign3A_1136 = arith.cmpi sgt, %add3A_1132, %sign3A_1135 : i32
      %sign3A_1137 = arith.extui %sign3A_1136 : i1 to i32
      %sign3A_1138 = arith.constant 0 : i32
      %sign3A_1139 = arith.cmpi slt, %add3A_1132, %sign3A_1138 : i32
      %sign3A_1140 = arith.extui %sign3A_1139 : i1 to i32
      %sign3A_1141 = arith.subi %sign3A_1137, %sign3A_1140 : i32
      %sign3A_1142 = arith.constant 0 : i32
      %sign3A_1143 = arith.cmpi sgt, %jit3A_1133, %sign3A_1142 : i32
      %sign3A_1144 = arith.extui %sign3A_1143 : i1 to i32
      %sign3A_1145 = arith.constant 0 : i32
      %sign3A_1146 = arith.cmpi slt, %jit3A_1133, %sign3A_1145 : i32
      %sign3A_1147 = arith.extui %sign3A_1146 : i1 to i32
      %sign3A_1148 = arith.subi %sign3A_1144, %sign3A_1147 : i32
      %ne3A_1149 = arith.cmpi ne, %sign3A_1141, %sign3A_1148 : i32
      %rem3A_1150 = arith.remsi %add3A_1132, %jit3A_1133 : i32
      %ne3A_1151 = arith.constant 0 : i32
      %ne3A_1152 = arith.cmpi ne, %rem3A_1150, %ne3A_1151 : i32
      %and3A_1153 = arith.andi %ne3A_1149, %ne3A_1152 : i1
      %sub3A_1154 = arith.constant 1 : i32
      %sub3A_1155 = arith.subi %div3A_1134, %sub3A_1154 : i32
      %select_n3A_1156 = arith.select %and3A_1153, %sub3A_1155, %div3A_1134 : i32
      %jit3A_1157 = arith.constant 4 : i32
      %eq3A_1158 = arith.constant 0 : i32
      %eq3A_1159 = arith.cmpi eq, %jit3A_1157, %eq3A_1158 : i32
      %jit3A_1160 = arith.constant 1 : i32
      %select_n3A_1161 = arith.select %eq3A_1159, %jit3A_1160, %jit3A_1157 : i32
      %rem3A_1162 = arith.remsi %add3A_1132, %select_n3A_1161 : i32
      %ne3A_1163 = arith.constant 0 : i32
      %ne3A_1164 = arith.cmpi ne, %rem3A_1162, %ne3A_1163 : i32
      %lt3A_1165 = arith.constant 0 : i32
      %lt3A_1166 = arith.cmpi slt, %rem3A_1162, %lt3A_1165 : i32
      %lt3A_1167 = arith.constant 0 : i32
      %lt3A_1168 = arith.cmpi slt, %select_n3A_1161, %lt3A_1167 : i32
      %ne3A_1169 = arith.xori %lt3A_1166, %lt3A_1168 : i1
      %and3A_1170 = arith.andi %ne3A_1169, %ne3A_1164 : i1
      %add3A_1171 = arith.addi %rem3A_1162, %select_n3A_1161 : i32
      %select_n3A_1172 = arith.select %and3A_1170, %add3A_1171, %rem3A_1162 : i32
      %mul3A_1173 = arith.constant 32 : i32
      %mul3A_1174 = arith.muli %select_n3A_1172, %mul3A_1173 : i32
      %dma_wait3A_1175 = arith.constant 2 : i32
      %dma_wait3A_1176 = arith.constant 0 : i32
      %dma_wait3A_1177 = arith.constant 0 : i32
      %dma_wait3A_1178 = tpu.memref_slice %arg6[%dma_wait3A_1175, %dma_wait3A_1176, %dma_wait3A_1177] : memref<8x32x128xf32, #tpu.memory_space<vmem>> -> memref<1x32x128xf32, #tpu.memory_space<vmem>>
      %dma_wait3A_1179 = tpu.memref_squeeze %dma_wait3A_1178 : memref<1x32x128xf32, #tpu.memory_space<vmem>> -> memref<32x128xf32, #tpu.memory_space<vmem>>
      %dma_wait3A_1180 = tpu.memref_slice %arg5[%select_n3A_1156, %mul3A_1174] : memref<200x128xi32, #tpu.memory_space<vmem>> -> memref<1x32xi32, #tpu.memory_space<vmem>>
      %dma_wait3A_1181 = tpu.memref_squeeze %dma_wait3A_1180 : memref<1x32xi32, #tpu.memory_space<vmem>> -> memref<32xi32, #tpu.memory_space<vmem>>
      %dma_wait3A_1182 = arith.constant 0 : i32
      %dma_wait3A_1183 = arith.constant 0 : i32
      %dma_wait3A_1184 = tpu.memref_slice %arg7[%dma_wait3A_1182, %dma_wait3A_1183] : memref<8192x128xf32, #tpu.memory_space<vmem_shared>> -> memref<8192x128xf32, #tpu.memory_space<vmem_shared>>
      tpu.wait_indirect_dma semaphore(%arg8 : memref<!tpu.dma_semaphore, #tpu.memory_space<semaphore_mem>>) src(%dma_wait3A_1184 : memref<8192x128xf32, #tpu.memory_space<vmem_shared>>) dst(%dma_wait3A_1179 : memref<32x128xf32, #tpu.memory_space<vmem>>)
      %mul3A_1185 = arith.constant 32 : i32
      %mul3A_1186 = arith.muli %add3A_1132, %mul3A_1185 : i32
      %add3A_1187 = arith.addi %mul3A_4, %mul3A_1186 : i32
      %dma_start3A_1188 = arith.constant 2 : i32
      %dma_start3A_1189 = arith.constant 0 : i32
      %dma_start3A_1190 = arith.constant 0 : i32
      %dma_start3A_1191 = tpu.memref_slice %arg6[%dma_start3A_1188, %dma_start3A_1189, %dma_start3A_1190] : memref<8x32x128xf32, #tpu.memory_space<vmem>> -> memref<1x32x128xf32, #tpu.memory_space<vmem>>
      %dma_start3A_1192 = tpu.memref_squeeze %dma_start3A_1191 : memref<1x32x128xf32, #tpu.memory_space<vmem>> -> memref<32x128xf32, #tpu.memory_space<vmem>>
      %dma_start3A_1193 = arith.constant 0 : i32
      %dma_start3A_1194 = tpu.memref_slice %arg4[%add3A_1187, %dma_start3A_1193] : memref<819200x128xf32, #tpu.memory_space<hbm>> -> memref<32x128xf32, #tpu.memory_space<hbm>>
      %dma_start3A_1195 = arith.constant 0 : i32
      %dma_start3A_1196 = tpu.memref_slice %arg4[%add3A_1187, %dma_start3A_1195] : memref<819200x128xf32, #tpu.memory_space<hbm>> -> memref<32x128xf32, #tpu.memory_space<hbm>>
      %dma_start3A_1197 = arith.constant 0 : i32
      %dma_start3A_1198 = arith.constant 0 : i32
      %dma_start3A_1199 = tpu.memref_slice %arg6[%dma_start3A_1188, %dma_start3A_1197, %dma_start3A_1198] : memref<8x32x128xf32, #tpu.memory_space<vmem>> -> memref<1x32x128xf32, #tpu.memory_space<vmem>>
      %dma_start3A_1200 = tpu.memref_squeeze %dma_start3A_1199 : memref<1x32x128xf32, #tpu.memory_space<vmem>> -> memref<32x128xf32, #tpu.memory_space<vmem>>
      tpu.enqueue_dma source(%dma_start3A_1200 : memref<32x128xf32, #tpu.memory_space<vmem>>) target(%dma_start3A_1196 : memref<32x128xf32, #tpu.memory_space<hbm>>) target_semaphore(%arg9 : memref<!tpu.dma_semaphore, #tpu.memory_space<semaphore_mem>>)
      %dma_wait3A_1201 = arith.constant 0 : i32
      %dma_wait3A_1202 = arith.constant 0 : i32
      %dma_wait3A_1203 = arith.constant 0 : i32
      %dma_wait3A_1204 = tpu.memref_slice %arg6[%dma_wait3A_1201, %dma_wait3A_1202, %dma_wait3A_1203] : memref<8x32x128xf32, #tpu.memory_space<vmem>> -> memref<1x32x128xf32, #tpu.memory_space<vmem>>
      %dma_wait3A_1205 = tpu.memref_squeeze %dma_wait3A_1204 : memref<1x32x128xf32, #tpu.memory_space<vmem>> -> memref<32x128xf32, #tpu.memory_space<vmem>>
      %dma_wait3A_1206 = arith.constant 0 : i32
      %dma_wait3A_1207 = tpu.memref_slice %arg4[%mul3A_4, %dma_wait3A_1206] : memref<819200x128xf32, #tpu.memory_space<hbm>> -> memref<32x128xf32, #tpu.memory_space<hbm>>
      %dma_wait3A_1208 = arith.constant 0 : i32
      %dma_wait3A_1209 = tpu.memref_slice %arg4[%mul3A_4, %dma_wait3A_1208] : memref<819200x128xf32, #tpu.memory_space<hbm>> -> memref<32x128xf32, #tpu.memory_space<hbm>>
      %dma_wait3A_1210 = arith.constant 0 : i32
      %dma_wait3A_1211 = arith.constant 0 : i32
      %dma_wait3A_1212 = tpu.memref_slice %arg6[%dma_wait3A_1201, %dma_wait3A_1210, %dma_wait3A_1211] : memref<8x32x128xf32, #tpu.memory_space<vmem>> -> memref<1x32x128xf32, #tpu.memory_space<vmem>>
      %dma_wait3A_1213 = tpu.memref_squeeze %dma_wait3A_1212 : memref<1x32x128xf32, #tpu.memory_space<vmem>> -> memref<32x128xf32, #tpu.memory_space<vmem>>
      tpu.wait_dma2 semaphore(%arg9 : memref<!tpu.dma_semaphore, #tpu.memory_space<semaphore_mem>>) src(%dma_wait3A_1213 : memref<32x128xf32, #tpu.memory_space<vmem>>) dst(%dma_wait3A_1209 : memref<32x128xf32, #tpu.memory_space<hbm>>)
      %add3A_1214 = arith.constant 4 : i32
      %add3A_1215 = arith.addi %add3A_1132, %add3A_1214 : i32
      %jit3A_1216 = arith.constant 4 : i32
      %div3A_1217 = arith.divsi %add3A_1215, %jit3A_1216 : i32
      %sign3A_1218 = arith.constant 0 : i32
      %sign3A_1219 = arith.cmpi sgt, %add3A_1215, %sign3A_1218 : i32
      %sign3A_1220 = arith.extui %sign3A_1219 : i1 to i32
      %sign3A_1221 = arith.constant 0 : i32
      %sign3A_1222 = arith.cmpi slt, %add3A_1215, %sign3A_1221 : i32
      %sign3A_1223 = arith.extui %sign3A_1222 : i1 to i32
      %sign3A_1224 = arith.subi %sign3A_1220, %sign3A_1223 : i32
      %sign3A_1225 = arith.constant 0 : i32
      %sign3A_1226 = arith.cmpi sgt, %jit3A_1216, %sign3A_1225 : i32
      %sign3A_1227 = arith.extui %sign3A_1226 : i1 to i32
      %sign3A_1228 = arith.constant 0 : i32
      %sign3A_1229 = arith.cmpi slt, %jit3A_1216, %sign3A_1228 : i32
      %sign3A_1230 = arith.extui %sign3A_1229 : i1 to i32
      %sign3A_1231 = arith.subi %sign3A_1227, %sign3A_1230 : i32
      %ne3A_1232 = arith.cmpi ne, %sign3A_1224, %sign3A_1231 : i32
      %rem3A_1233 = arith.remsi %add3A_1215, %jit3A_1216 : i32
      %ne3A_1234 = arith.constant 0 : i32
      %ne3A_1235 = arith.cmpi ne, %rem3A_1233, %ne3A_1234 : i32
      %and3A_1236 = arith.andi %ne3A_1232, %ne3A_1235 : i1
      %sub3A_1237 = arith.constant 1 : i32
      %sub3A_1238 = arith.subi %div3A_1217, %sub3A_1237 : i32
      %select_n3A_1239 = arith.select %and3A_1236, %sub3A_1238, %div3A_1217 : i32
      %jit3A_1240 = arith.constant 4 : i32
      %eq3A_1241 = arith.constant 0 : i32
      %eq3A_1242 = arith.cmpi eq, %jit3A_1240, %eq3A_1241 : i32
      %jit3A_1243 = arith.constant 1 : i32
      %select_n3A_1244 = arith.select %eq3A_1242, %jit3A_1243, %jit3A_1240 : i32
      %rem3A_1245 = arith.remsi %add3A_1215, %select_n3A_1244 : i32
      %ne3A_1246 = arith.constant 0 : i32
      %ne3A_1247 = arith.cmpi ne, %rem3A_1245, %ne3A_1246 : i32
      %lt3A_1248 = arith.constant 0 : i32
      %lt3A_1249 = arith.cmpi slt, %rem3A_1245, %lt3A_1248 : i32
      %lt3A_1250 = arith.constant 0 : i32
      %lt3A_1251 = arith.cmpi slt, %select_n3A_1244, %lt3A_1250 : i32
      %ne3A_1252 = arith.xori %lt3A_1249, %lt3A_1251 : i1
      %and3A_1253 = arith.andi %ne3A_1252, %ne3A_1247 : i1
      %add3A_1254 = arith.addi %rem3A_1245, %select_n3A_1244 : i32
      %select_n3A_1255 = arith.select %and3A_1253, %add3A_1254, %rem3A_1245 : i32
      %mul3A_1256 = arith.constant 32 : i32
      %mul3A_1257 = arith.muli %select_n3A_1255, %mul3A_1256 : i32
      %dma_start3A_1258 = arith.constant 6 : i32
      %dma_start3A_1259 = arith.constant 0 : i32
      %dma_start3A_1260 = arith.constant 0 : i32
      %dma_start3A_1261 = tpu.memref_slice %arg6[%dma_start3A_1258, %dma_start3A_1259, %dma_start3A_1260] : memref<8x32x128xf32, #tpu.memory_space<vmem>> -> memref<1x32x128xf32, #tpu.memory_space<vmem>>
      %dma_start3A_1262 = tpu.memref_squeeze %dma_start3A_1261 : memref<1x32x128xf32, #tpu.memory_space<vmem>> -> memref<32x128xf32, #tpu.memory_space<vmem>>
      %dma_start3A_1263 = tpu.memref_slice %arg5[%select_n3A_1239, %mul3A_1257] : memref<200x128xi32, #tpu.memory_space<vmem>> -> memref<1x32xi32, #tpu.memory_space<vmem>>
      %dma_start3A_1264 = tpu.memref_squeeze %dma_start3A_1263 : memref<1x32xi32, #tpu.memory_space<vmem>> -> memref<32xi32, #tpu.memory_space<vmem>>
      %dma_start3A_1265 = arith.constant 0 : i32
      %dma_start3A_1266 = arith.constant 0 : i32
      %dma_start3A_1267 = tpu.memref_slice %arg7[%dma_start3A_1265, %dma_start3A_1266] : memref<8192x128xf32, #tpu.memory_space<vmem_shared>> -> memref<8192x128xf32, #tpu.memory_space<vmem_shared>>
      tpu.enqueue_indirect_dma source(%dma_start3A_1267 : memref<8192x128xf32, #tpu.memory_space<vmem_shared>>) target(%dma_start3A_1262 : memref<32x128xf32, #tpu.memory_space<vmem>>) offsets(%dma_start3A_1264 : memref<32xi32, #tpu.memory_space<vmem>>) semaphore(%arg8 : memref<!tpu.dma_semaphore, #tpu.memory_space<semaphore_mem>>)
      %mul3A_1268 = arith.constant 8 : i32
      %mul3A_1269 = arith.muli %scan3A_860, %mul3A_1268 : i32
      %add3A_1270 = arith.constant 3 : i32
      %add3A_1271 = arith.addi %mul3A_1269, %add3A_1270 : i32
      %jit3A_1272 = arith.constant 4 : i32
      %div3A_1273 = arith.divsi %add3A_1271, %jit3A_1272 : i32
      %sign3A_1274 = arith.constant 0 : i32
      %sign3A_1275 = arith.cmpi sgt, %add3A_1271, %sign3A_1274 : i32
      %sign3A_1276 = arith.extui %sign3A_1275 : i1 to i32
      %sign3A_1277 = arith.constant 0 : i32
      %sign3A_1278 = arith.cmpi slt, %add3A_1271, %sign3A_1277 : i32
      %sign3A_1279 = arith.extui %sign3A_1278 : i1 to i32
      %sign3A_1280 = arith.subi %sign3A_1276, %sign3A_1279 : i32
      %sign3A_1281 = arith.constant 0 : i32
      %sign3A_1282 = arith.cmpi sgt, %jit3A_1272, %sign3A_1281 : i32
      %sign3A_1283 = arith.extui %sign3A_1282 : i1 to i32
      %sign3A_1284 = arith.constant 0 : i32
      %sign3A_1285 = arith.cmpi slt, %jit3A_1272, %sign3A_1284 : i32
      %sign3A_1286 = arith.extui %sign3A_1285 : i1 to i32
      %sign3A_1287 = arith.subi %sign3A_1283, %sign3A_1286 : i32
      %ne3A_1288 = arith.cmpi ne, %sign3A_1280, %sign3A_1287 : i32
      %rem3A_1289 = arith.remsi %add3A_1271, %jit3A_1272 : i32
      %ne3A_1290 = arith.constant 0 : i32
      %ne3A_1291 = arith.cmpi ne, %rem3A_1289, %ne3A_1290 : i32
      %and3A_1292 = arith.andi %ne3A_1288, %ne3A_1291 : i1
      %sub3A_1293 = arith.constant 1 : i32
      %sub3A_1294 = arith.subi %div3A_1273, %sub3A_1293 : i32
      %select_n3A_1295 = arith.select %and3A_1292, %sub3A_1294, %div3A_1273 : i32
      %jit3A_1296 = arith.constant 4 : i32
      %eq3A_1297 = arith.constant 0 : i32
      %eq3A_1298 = arith.cmpi eq, %jit3A_1296, %eq3A_1297 : i32
      %jit3A_1299 = arith.constant 1 : i32
      %select_n3A_1300 = arith.select %eq3A_1298, %jit3A_1299, %jit3A_1296 : i32
      %rem3A_1301 = arith.remsi %add3A_1271, %select_n3A_1300 : i32
      %ne3A_1302 = arith.constant 0 : i32
      %ne3A_1303 = arith.cmpi ne, %rem3A_1301, %ne3A_1302 : i32
      %lt3A_1304 = arith.constant 0 : i32
      %lt3A_1305 = arith.cmpi slt, %rem3A_1301, %lt3A_1304 : i32
      %lt3A_1306 = arith.constant 0 : i32
      %lt3A_1307 = arith.cmpi slt, %select_n3A_1300, %lt3A_1306 : i32
      %ne3A_1308 = arith.xori %lt3A_1305, %lt3A_1307 : i1
      %and3A_1309 = arith.andi %ne3A_1308, %ne3A_1303 : i1
      %add3A_1310 = arith.addi %rem3A_1301, %select_n3A_1300 : i32
      %select_n3A_1311 = arith.select %and3A_1309, %add3A_1310, %rem3A_1301 : i32
      %mul3A_1312 = arith.constant 32 : i32
      %mul3A_1313 = arith.muli %select_n3A_1311, %mul3A_1312 : i32
      %dma_wait3A_1314 = arith.constant 3 : i32
      %dma_wait3A_1315 = arith.constant 0 : i32
      %dma_wait3A_1316 = arith.constant 0 : i32
      %dma_wait3A_1317 = tpu.memref_slice %arg6[%dma_wait3A_1314, %dma_wait3A_1315, %dma_wait3A_1316] : memref<8x32x128xf32, #tpu.memory_space<vmem>> -> memref<1x32x128xf32, #tpu.memory_space<vmem>>
      %dma_wait3A_1318 = tpu.memref_squeeze %dma_wait3A_1317 : memref<1x32x128xf32, #tpu.memory_space<vmem>> -> memref<32x128xf32, #tpu.memory_space<vmem>>
      %dma_wait3A_1319 = tpu.memref_slice %arg5[%select_n3A_1295, %mul3A_1313] : memref<200x128xi32, #tpu.memory_space<vmem>> -> memref<1x32xi32, #tpu.memory_space<vmem>>
      %dma_wait3A_1320 = tpu.memref_squeeze %dma_wait3A_1319 : memref<1x32xi32, #tpu.memory_space<vmem>> -> memref<32xi32, #tpu.memory_space<vmem>>
      %dma_wait3A_1321 = arith.constant 0 : i32
      %dma_wait3A_1322 = arith.constant 0 : i32
      %dma_wait3A_1323 = tpu.memref_slice %arg7[%dma_wait3A_1321, %dma_wait3A_1322] : memref<8192x128xf32, #tpu.memory_space<vmem_shared>> -> memref<8192x128xf32, #tpu.memory_space<vmem_shared>>
      tpu.wait_indirect_dma semaphore(%arg8 : memref<!tpu.dma_semaphore, #tpu.memory_space<semaphore_mem>>) src(%dma_wait3A_1323 : memref<8192x128xf32, #tpu.memory_space<vmem_shared>>) dst(%dma_wait3A_1318 : memref<32x128xf32, #tpu.memory_space<vmem>>)
      %mul3A_1324 = arith.constant 32 : i32
      %mul3A_1325 = arith.muli %add3A_1271, %mul3A_1324 : i32
      %add3A_1326 = arith.addi %mul3A_4, %mul3A_1325 : i32
      %dma_start3A_1327 = arith.constant 3 : i32
      %dma_start3A_1328 = arith.constant 0 : i32
      %dma_start3A_1329 = arith.constant 0 : i32
      %dma_start3A_1330 = tpu.memref_slice %arg6[%dma_start3A_1327, %dma_start3A_1328, %dma_start3A_1329] : memref<8x32x128xf32, #tpu.memory_space<vmem>> -> memref<1x32x128xf32, #tpu.memory_space<vmem>>
      %dma_start3A_1331 = tpu.memref_squeeze %dma_start3A_1330 : memref<1x32x128xf32, #tpu.memory_space<vmem>> -> memref<32x128xf32, #tpu.memory_space<vmem>>
      %dma_start3A_1332 = arith.constant 0 : i32
      %dma_start3A_1333 = tpu.memref_slice %arg4[%add3A_1326, %dma_start3A_1332] : memref<819200x128xf32, #tpu.memory_space<hbm>> -> memref<32x128xf32, #tpu.memory_space<hbm>>
      %dma_start3A_1334 = arith.constant 0 : i32
      %dma_start3A_1335 = tpu.memref_slice %arg4[%add3A_1326, %dma_start3A_1334] : memref<819200x128xf32, #tpu.memory_space<hbm>> -> memref<32x128xf32, #tpu.memory_space<hbm>>
      %dma_start3A_1336 = arith.constant 0 : i32
      %dma_start3A_1337 = arith.constant 0 : i32
      %dma_start3A_1338 = tpu.memref_slice %arg6[%dma_start3A_1327, %dma_start3A_1336, %dma_start3A_1337] : memref<8x32x128xf32, #tpu.memory_space<vmem>> -> memref<1x32x128xf32, #tpu.memory_space<vmem>>
      %dma_start3A_1339 = tpu.memref_squeeze %dma_start3A_1338 : memref<1x32x128xf32, #tpu.memory_space<vmem>> -> memref<32x128xf32, #tpu.memory_space<vmem>>
      tpu.enqueue_dma source(%dma_start3A_1339 : memref<32x128xf32, #tpu.memory_space<vmem>>) target(%dma_start3A_1335 : memref<32x128xf32, #tpu.memory_space<hbm>>) target_semaphore(%arg9 : memref<!tpu.dma_semaphore, #tpu.memory_space<semaphore_mem>>)
      %dma_wait3A_1340 = arith.constant 0 : i32
      %dma_wait3A_1341 = arith.constant 0 : i32
      %dma_wait3A_1342 = arith.constant 0 : i32
      %dma_wait3A_1343 = tpu.memref_slice %arg6[%dma_wait3A_1340, %dma_wait3A_1341, %dma_wait3A_1342] : memref<8x32x128xf32, #tpu.memory_space<vmem>> -> memref<1x32x128xf32, #tpu.memory_space<vmem>>
      %dma_wait3A_1344 = tpu.memref_squeeze %dma_wait3A_1343 : memref<1x32x128xf32, #tpu.memory_space<vmem>> -> memref<32x128xf32, #tpu.memory_space<vmem>>
      %dma_wait3A_1345 = arith.constant 0 : i32
      %dma_wait3A_1346 = tpu.memref_slice %arg4[%mul3A_4, %dma_wait3A_1345] : memref<819200x128xf32, #tpu.memory_space<hbm>> -> memref<32x128xf32, #tpu.memory_space<hbm>>
      %dma_wait3A_1347 = arith.constant 0 : i32
      %dma_wait3A_1348 = tpu.memref_slice %arg4[%mul3A_4, %dma_wait3A_1347] : memref<819200x128xf32, #tpu.memory_space<hbm>> -> memref<32x128xf32, #tpu.memory_space<hbm>>
      %dma_wait3A_1349 = arith.constant 0 : i32
      %dma_wait3A_1350 = arith.constant 0 : i32
      %dma_wait3A_1351 = tpu.memref_slice %arg6[%dma_wait3A_1340, %dma_wait3A_1349, %dma_wait3A_1350] : memref<8x32x128xf32, #tpu.memory_space<vmem>> -> memref<1x32x128xf32, #tpu.memory_space<vmem>>
      %dma_wait3A_1352 = tpu.memref_squeeze %dma_wait3A_1351 : memref<1x32x128xf32, #tpu.memory_space<vmem>> -> memref<32x128xf32, #tpu.memory_space<vmem>>
      tpu.wait_dma2 semaphore(%arg9 : memref<!tpu.dma_semaphore, #tpu.memory_space<semaphore_mem>>) src(%dma_wait3A_1352 : memref<32x128xf32, #tpu.memory_space<vmem>>) dst(%dma_wait3A_1348 : memref<32x128xf32, #tpu.memory_space<hbm>>)
      %add3A_1353 = arith.constant 4 : i32
      %add3A_1354 = arith.addi %add3A_1271, %add3A_1353 : i32
      %jit3A_1355 = arith.constant 4 : i32
      %div3A_1356 = arith.divsi %add3A_1354, %jit3A_1355 : i32
      %sign3A_1357 = arith.constant 0 : i32
      %sign3A_1358 = arith.cmpi sgt, %add3A_1354, %sign3A_1357 : i32
      %sign3A_1359 = arith.extui %sign3A_1358 : i1 to i32
      %sign3A_1360 = arith.constant 0 : i32
      %sign3A_1361 = arith.cmpi slt, %add3A_1354, %sign3A_1360 : i32
      %sign3A_1362 = arith.extui %sign3A_1361 : i1 to i32
      %sign3A_1363 = arith.subi %sign3A_1359, %sign3A_1362 : i32
      %sign3A_1364 = arith.constant 0 : i32
      %sign3A_1365 = arith.cmpi sgt, %jit3A_1355, %sign3A_1364 : i32
      %sign3A_1366 = arith.extui %sign3A_1365 : i1 to i32
      %sign3A_1367 = arith.constant 0 : i32
      %sign3A_1368 = arith.cmpi slt, %jit3A_1355, %sign3A_1367 : i32
      %sign3A_1369 = arith.extui %sign3A_1368 : i1 to i32
      %sign3A_1370 = arith.subi %sign3A_1366, %sign3A_1369 : i32
      %ne3A_1371 = arith.cmpi ne, %sign3A_1363, %sign3A_1370 : i32
      %rem3A_1372 = arith.remsi %add3A_1354, %jit3A_1355 : i32
      %ne3A_1373 = arith.constant 0 : i32
      %ne3A_1374 = arith.cmpi ne, %rem3A_1372, %ne3A_1373 : i32
      %and3A_1375 = arith.andi %ne3A_1371, %ne3A_1374 : i1
      %sub3A_1376 = arith.constant 1 : i32
      %sub3A_1377 = arith.subi %div3A_1356, %sub3A_1376 : i32
      %select_n3A_1378 = arith.select %and3A_1375, %sub3A_1377, %div3A_1356 : i32
      %jit3A_1379 = arith.constant 4 : i32
      %eq3A_1380 = arith.constant 0 : i32
      %eq3A_1381 = arith.cmpi eq, %jit3A_1379, %eq3A_1380 : i32
      %jit3A_1382 = arith.constant 1 : i32
      %select_n3A_1383 = arith.select %eq3A_1381, %jit3A_1382, %jit3A_1379 : i32
      %rem3A_1384 = arith.remsi %add3A_1354, %select_n3A_1383 : i32
      %ne3A_1385 = arith.constant 0 : i32
      %ne3A_1386 = arith.cmpi ne, %rem3A_1384, %ne3A_1385 : i32
      %lt3A_1387 = arith.constant 0 : i32
      %lt3A_1388 = arith.cmpi slt, %rem3A_1384, %lt3A_1387 : i32
      %lt3A_1389 = arith.constant 0 : i32
      %lt3A_1390 = arith.cmpi slt, %select_n3A_1383, %lt3A_1389 : i32
      %ne3A_1391 = arith.xori %lt3A_1388, %lt3A_1390 : i1
      %and3A_1392 = arith.andi %ne3A_1391, %ne3A_1386 : i1
      %add3A_1393 = arith.addi %rem3A_1384, %select_n3A_1383 : i32
      %select_n3A_1394 = arith.select %and3A_1392, %add3A_1393, %rem3A_1384 : i32
      %mul3A_1395 = arith.constant 32 : i32
      %mul3A_1396 = arith.muli %select_n3A_1394, %mul3A_1395 : i32
      %dma_start3A_1397 = arith.constant 7 : i32
      %dma_start3A_1398 = arith.constant 0 : i32
      %dma_start3A_1399 = arith.constant 0 : i32
      %dma_start3A_1400 = tpu.memref_slice %arg6[%dma_start3A_1397, %dma_start3A_1398, %dma_start3A_1399] : memref<8x32x128xf32, #tpu.memory_space<vmem>> -> memref<1x32x128xf32, #tpu.memory_space<vmem>>
      %dma_start3A_1401 = tpu.memref_squeeze %dma_start3A_1400 : memref<1x32x128xf32, #tpu.memory_space<vmem>> -> memref<32x128xf32, #tpu.memory_space<vmem>>
      %dma_start3A_1402 = tpu.memref_slice %arg5[%select_n3A_1378, %mul3A_1396] : memref<200x128xi32, #tpu.memory_space<vmem>> -> memref<1x32xi32, #tpu.memory_space<vmem>>
      %dma_start3A_1403 = tpu.memref_squeeze %dma_start3A_1402 : memref<1x32xi32, #tpu.memory_space<vmem>> -> memref<32xi32, #tpu.memory_space<vmem>>
      %dma_start3A_1404 = arith.constant 0 : i32
      %dma_start3A_1405 = arith.constant 0 : i32
      %dma_start3A_1406 = tpu.memref_slice %arg7[%dma_start3A_1404, %dma_start3A_1405] : memref<8192x128xf32, #tpu.memory_space<vmem_shared>> -> memref<8192x128xf32, #tpu.memory_space<vmem_shared>>
      tpu.enqueue_indirect_dma source(%dma_start3A_1406 : memref<8192x128xf32, #tpu.memory_space<vmem_shared>>) target(%dma_start3A_1401 : memref<32x128xf32, #tpu.memory_space<vmem>>) offsets(%dma_start3A_1403 : memref<32xi32, #tpu.memory_space<vmem>>) semaphore(%arg8 : memref<!tpu.dma_semaphore, #tpu.memory_space<semaphore_mem>>)
      %mul3A_1407 = arith.constant 8 : i32
      %mul3A_1408 = arith.muli %scan3A_860, %mul3A_1407 : i32
      %add3A_1409 = arith.constant 4 : i32
      %add3A_1410 = arith.addi %mul3A_1408, %add3A_1409 : i32
      %jit3A_1411 = arith.constant 4 : i32
      %div3A_1412 = arith.divsi %add3A_1410, %jit3A_1411 : i32
      %sign3A_1413 = arith.constant 0 : i32
      %sign3A_1414 = arith.cmpi sgt, %add3A_1410, %sign3A_1413 : i32
      %sign3A_1415 = arith.extui %sign3A_1414 : i1 to i32
      %sign3A_1416 = arith.constant 0 : i32
      %sign3A_1417 = arith.cmpi slt, %add3A_1410, %sign3A_1416 : i32
      %sign3A_1418 = arith.extui %sign3A_1417 : i1 to i32
      %sign3A_1419 = arith.subi %sign3A_1415, %sign3A_1418 : i32
      %sign3A_1420 = arith.constant 0 : i32
      %sign3A_1421 = arith.cmpi sgt, %jit3A_1411, %sign3A_1420 : i32
      %sign3A_1422 = arith.extui %sign3A_1421 : i1 to i32
      %sign3A_1423 = arith.constant 0 : i32
      %sign3A_1424 = arith.cmpi slt, %jit3A_1411, %sign3A_1423 : i32
      %sign3A_1425 = arith.extui %sign3A_1424 : i1 to i32
      %sign3A_1426 = arith.subi %sign3A_1422, %sign3A_1425 : i32
      %ne3A_1427 = arith.cmpi ne, %sign3A_1419, %sign3A_1426 : i32
      %rem3A_1428 = arith.remsi %add3A_1410, %jit3A_1411 : i32
      %ne3A_1429 = arith.constant 0 : i32
      %ne3A_1430 = arith.cmpi ne, %rem3A_1428, %ne3A_1429 : i32
      %and3A_1431 = arith.andi %ne3A_1427, %ne3A_1430 : i1
      %sub3A_1432 = arith.constant 1 : i32
      %sub3A_1433 = arith.subi %div3A_1412, %sub3A_1432 : i32
      %select_n3A_1434 = arith.select %and3A_1431, %sub3A_1433, %div3A_1412 : i32
      %jit3A_1435 = arith.constant 4 : i32
      %eq3A_1436 = arith.constant 0 : i32
      %eq3A_1437 = arith.cmpi eq, %jit3A_1435, %eq3A_1436 : i32
      %jit3A_1438 = arith.constant 1 : i32
      %select_n3A_1439 = arith.select %eq3A_1437, %jit3A_1438, %jit3A_1435 : i32
      %rem3A_1440 = arith.remsi %add3A_1410, %select_n3A_1439 : i32
      %ne3A_1441 = arith.constant 0 : i32
      %ne3A_1442 = arith.cmpi ne, %rem3A_1440, %ne3A_1441 : i32
      %lt3A_1443 = arith.constant 0 : i32
      %lt3A_1444 = arith.cmpi slt, %rem3A_1440, %lt3A_1443 : i32
      %lt3A_1445 = arith.constant 0 : i32
      %lt3A_1446 = arith.cmpi slt, %select_n3A_1439, %lt3A_1445 : i32
      %ne3A_1447 = arith.xori %lt3A_1444, %lt3A_1446 : i1
      %and3A_1448 = arith.andi %ne3A_1447, %ne3A_1442 : i1
      %add3A_1449 = arith.addi %rem3A_1440, %select_n3A_1439 : i32
      %select_n3A_1450 = arith.select %and3A_1448, %add3A_1449, %rem3A_1440 : i32
      %mul3A_1451 = arith.constant 32 : i32
      %mul3A_1452 = arith.muli %select_n3A_1450, %mul3A_1451 : i32
      %dma_wait3A_1453 = arith.constant 4 : i32
      %dma_wait3A_1454 = arith.constant 0 : i32
      %dma_wait3A_1455 = arith.constant 0 : i32
      %dma_wait3A_1456 = tpu.memref_slice %arg6[%dma_wait3A_1453, %dma_wait3A_1454, %dma_wait3A_1455] : memref<8x32x128xf32, #tpu.memory_space<vmem>> -> memref<1x32x128xf32, #tpu.memory_space<vmem>>
      %dma_wait3A_1457 = tpu.memref_squeeze %dma_wait3A_1456 : memref<1x32x128xf32, #tpu.memory_space<vmem>> -> memref<32x128xf32, #tpu.memory_space<vmem>>
      %dma_wait3A_1458 = tpu.memref_slice %arg5[%select_n3A_1434, %mul3A_1452] : memref<200x128xi32, #tpu.memory_space<vmem>> -> memref<1x32xi32, #tpu.memory_space<vmem>>
      %dma_wait3A_1459 = tpu.memref_squeeze %dma_wait3A_1458 : memref<1x32xi32, #tpu.memory_space<vmem>> -> memref<32xi32, #tpu.memory_space<vmem>>
      %dma_wait3A_1460 = arith.constant 0 : i32
      %dma_wait3A_1461 = arith.constant 0 : i32
      %dma_wait3A_1462 = tpu.memref_slice %arg7[%dma_wait3A_1460, %dma_wait3A_1461] : memref<8192x128xf32, #tpu.memory_space<vmem_shared>> -> memref<8192x128xf32, #tpu.memory_space<vmem_shared>>
      tpu.wait_indirect_dma semaphore(%arg8 : memref<!tpu.dma_semaphore, #tpu.memory_space<semaphore_mem>>) src(%dma_wait3A_1462 : memref<8192x128xf32, #tpu.memory_space<vmem_shared>>) dst(%dma_wait3A_1457 : memref<32x128xf32, #tpu.memory_space<vmem>>)
      %mul3A_1463 = arith.constant 32 : i32
      %mul3A_1464 = arith.muli %add3A_1410, %mul3A_1463 : i32
      %add3A_1465 = arith.addi %mul3A_4, %mul3A_1464 : i32
      %dma_start3A_1466 = arith.constant 4 : i32
      %dma_start3A_1467 = arith.constant 0 : i32
      %dma_start3A_1468 = arith.constant 0 : i32
      %dma_start3A_1469 = tpu.memref_slice %arg6[%dma_start3A_1466, %dma_start3A_1467, %dma_start3A_1468] : memref<8x32x128xf32, #tpu.memory_space<vmem>> -> memref<1x32x128xf32, #tpu.memory_space<vmem>>
      %dma_start3A_1470 = tpu.memref_squeeze %dma_start3A_1469 : memref<1x32x128xf32, #tpu.memory_space<vmem>> -> memref<32x128xf32, #tpu.memory_space<vmem>>
      %dma_start3A_1471 = arith.constant 0 : i32
      %dma_start3A_1472 = tpu.memref_slice %arg4[%add3A_1465, %dma_start3A_1471] : memref<819200x128xf32, #tpu.memory_space<hbm>> -> memref<32x128xf32, #tpu.memory_space<hbm>>
      %dma_start3A_1473 = arith.constant 0 : i32
      %dma_start3A_1474 = tpu.memref_slice %arg4[%add3A_1465, %dma_start3A_1473] : memref<819200x128xf32, #tpu.memory_space<hbm>> -> memref<32x128xf32, #tpu.memory_space<hbm>>
      %dma_start3A_1475 = arith.constant 0 : i32
      %dma_start3A_1476 = arith.constant 0 : i32
      %dma_start3A_1477 = tpu.memref_slice %arg6[%dma_start3A_1466, %dma_start3A_1475, %dma_start3A_1476] : memref<8x32x128xf32, #tpu.memory_space<vmem>> -> memref<1x32x128xf32, #tpu.memory_space<vmem>>
      %dma_start3A_1478 = tpu.memref_squeeze %dma_start3A_1477 : memref<1x32x128xf32, #tpu.memory_space<vmem>> -> memref<32x128xf32, #tpu.memory_space<vmem>>
      tpu.enqueue_dma source(%dma_start3A_1478 : memref<32x128xf32, #tpu.memory_space<vmem>>) target(%dma_start3A_1474 : memref<32x128xf32, #tpu.memory_space<hbm>>) target_semaphore(%arg9 : memref<!tpu.dma_semaphore, #tpu.memory_space<semaphore_mem>>)
      %dma_wait3A_1479 = arith.constant 0 : i32
      %dma_wait3A_1480 = arith.constant 0 : i32
      %dma_wait3A_1481 = arith.constant 0 : i32
      %dma_wait3A_1482 = tpu.memref_slice %arg6[%dma_wait3A_1479, %dma_wait3A_1480, %dma_wait3A_1481] : memref<8x32x128xf32, #tpu.memory_space<vmem>> -> memref<1x32x128xf32, #tpu.memory_space<vmem>>
      %dma_wait3A_1483 = tpu.memref_squeeze %dma_wait3A_1482 : memref<1x32x128xf32, #tpu.memory_space<vmem>> -> memref<32x128xf32, #tpu.memory_space<vmem>>
      %dma_wait3A_1484 = arith.constant 0 : i32
      %dma_wait3A_1485 = tpu.memref_slice %arg4[%mul3A_4, %dma_wait3A_1484] : memref<819200x128xf32, #tpu.memory_space<hbm>> -> memref<32x128xf32, #tpu.memory_space<hbm>>
      %dma_wait3A_1486 = arith.constant 0 : i32
      %dma_wait3A_1487 = tpu.memref_slice %arg4[%mul3A_4, %dma_wait3A_1486] : memref<819200x128xf32, #tpu.memory_space<hbm>> -> memref<32x128xf32, #tpu.memory_space<hbm>>
      %dma_wait3A_1488 = arith.constant 0 : i32
      %dma_wait3A_1489 = arith.constant 0 : i32
      %dma_wait3A_1490 = tpu.memref_slice %arg6[%dma_wait3A_1479, %dma_wait3A_1488, %dma_wait3A_1489] : memref<8x32x128xf32, #tpu.memory_space<vmem>> -> memref<1x32x128xf32, #tpu.memory_space<vmem>>
      %dma_wait3A_1491 = tpu.memref_squeeze %dma_wait3A_1490 : memref<1x32x128xf32, #tpu.memory_space<vmem>> -> memref<32x128xf32, #tpu.memory_space<vmem>>
      tpu.wait_dma2 semaphore(%arg9 : memref<!tpu.dma_semaphore, #tpu.memory_space<semaphore_mem>>) src(%dma_wait3A_1491 : memref<32x128xf32, #tpu.memory_space<vmem>>) dst(%dma_wait3A_1487 : memref<32x128xf32, #tpu.memory_space<hbm>>)
      %add3A_1492 = arith.constant 4 : i32
      %add3A_1493 = arith.addi %add3A_1410, %add3A_1492 : i32
      %jit3A_1494 = arith.constant 4 : i32
      %div3A_1495 = arith.divsi %add3A_1493, %jit3A_1494 : i32
      %sign3A_1496 = arith.constant 0 : i32
      %sign3A_1497 = arith.cmpi sgt, %add3A_1493, %sign3A_1496 : i32
      %sign3A_1498 = arith.extui %sign3A_1497 : i1 to i32
      %sign3A_1499 = arith.constant 0 : i32
      %sign3A_1500 = arith.cmpi slt, %add3A_1493, %sign3A_1499 : i32
      %sign3A_1501 = arith.extui %sign3A_1500 : i1 to i32
      %sign3A_1502 = arith.subi %sign3A_1498, %sign3A_1501 : i32
      %sign3A_1503 = arith.constant 0 : i32
      %sign3A_1504 = arith.cmpi sgt, %jit3A_1494, %sign3A_1503 : i32
      %sign3A_1505 = arith.extui %sign3A_1504 : i1 to i32
      %sign3A_1506 = arith.constant 0 : i32
      %sign3A_1507 = arith.cmpi slt, %jit3A_1494, %sign3A_1506 : i32
      %sign3A_1508 = arith.extui %sign3A_1507 : i1 to i32
      %sign3A_1509 = arith.subi %sign3A_1505, %sign3A_1508 : i32
      %ne3A_1510 = arith.cmpi ne, %sign3A_1502, %sign3A_1509 : i32
      %rem3A_1511 = arith.remsi %add3A_1493, %jit3A_1494 : i32
      %ne3A_1512 = arith.constant 0 : i32
      %ne3A_1513 = arith.cmpi ne, %rem3A_1511, %ne3A_1512 : i32
      %and3A_1514 = arith.andi %ne3A_1510, %ne3A_1513 : i1
      %sub3A_1515 = arith.constant 1 : i32
      %sub3A_1516 = arith.subi %div3A_1495, %sub3A_1515 : i32
      %select_n3A_1517 = arith.select %and3A_1514, %sub3A_1516, %div3A_1495 : i32
      %jit3A_1518 = arith.constant 4 : i32
      %eq3A_1519 = arith.constant 0 : i32
      %eq3A_1520 = arith.cmpi eq, %jit3A_1518, %eq3A_1519 : i32
      %jit3A_1521 = arith.constant 1 : i32
      %select_n3A_1522 = arith.select %eq3A_1520, %jit3A_1521, %jit3A_1518 : i32
      %rem3A_1523 = arith.remsi %add3A_1493, %select_n3A_1522 : i32
      %ne3A_1524 = arith.constant 0 : i32
      %ne3A_1525 = arith.cmpi ne, %rem3A_1523, %ne3A_1524 : i32
      %lt3A_1526 = arith.constant 0 : i32
      %lt3A_1527 = arith.cmpi slt, %rem3A_1523, %lt3A_1526 : i32
      %lt3A_1528 = arith.constant 0 : i32
      %lt3A_1529 = arith.cmpi slt, %select_n3A_1522, %lt3A_1528 : i32
      %ne3A_1530 = arith.xori %lt3A_1527, %lt3A_1529 : i1
      %and3A_1531 = arith.andi %ne3A_1530, %ne3A_1525 : i1
      %add3A_1532 = arith.addi %rem3A_1523, %select_n3A_1522 : i32
      %select_n3A_1533 = arith.select %and3A_1531, %add3A_1532, %rem3A_1523 : i32
      %mul3A_1534 = arith.constant 32 : i32
      %mul3A_1535 = arith.muli %select_n3A_1533, %mul3A_1534 : i32
      %dma_start3A_1536 = arith.constant 0 : i32
      %dma_start3A_1537 = arith.constant 0 : i32
      %dma_start3A_1538 = arith.constant 0 : i32
      %dma_start3A_1539 = tpu.memref_slice %arg6[%dma_start3A_1536, %dma_start3A_1537, %dma_start3A_1538] : memref<8x32x128xf32, #tpu.memory_space<vmem>> -> memref<1x32x128xf32, #tpu.memory_space<vmem>>
      %dma_start3A_1540 = tpu.memref_squeeze %dma_start3A_1539 : memref<1x32x128xf32, #tpu.memory_space<vmem>> -> memref<32x128xf32, #tpu.memory_space<vmem>>
      %dma_start3A_1541 = tpu.memref_slice %arg5[%select_n3A_1517, %mul3A_1535] : memref<200x128xi32, #tpu.memory_space<vmem>> -> memref<1x32xi32, #tpu.memory_space<vmem>>
      %dma_start3A_1542 = tpu.memref_squeeze %dma_start3A_1541 : memref<1x32xi32, #tpu.memory_space<vmem>> -> memref<32xi32, #tpu.memory_space<vmem>>
      %dma_start3A_1543 = arith.constant 0 : i32
      %dma_start3A_1544 = arith.constant 0 : i32
      %dma_start3A_1545 = tpu.memref_slice %arg7[%dma_start3A_1543, %dma_start3A_1544] : memref<8192x128xf32, #tpu.memory_space<vmem_shared>> -> memref<8192x128xf32, #tpu.memory_space<vmem_shared>>
      tpu.enqueue_indirect_dma source(%dma_start3A_1545 : memref<8192x128xf32, #tpu.memory_space<vmem_shared>>) target(%dma_start3A_1540 : memref<32x128xf32, #tpu.memory_space<vmem>>) offsets(%dma_start3A_1542 : memref<32xi32, #tpu.memory_space<vmem>>) semaphore(%arg8 : memref<!tpu.dma_semaphore, #tpu.memory_space<semaphore_mem>>)
      %mul3A_1546 = arith.constant 8 : i32
      %mul3A_1547 = arith.muli %scan3A_860, %mul3A_1546 : i32
      %add3A_1548 = arith.constant 5 : i32
      %add3A_1549 = arith.addi %mul3A_1547, %add3A_1548 : i32
      %jit3A_1550 = arith.constant 4 : i32
      %div3A_1551 = arith.divsi %add3A_1549, %jit3A_1550 : i32
      %sign3A_1552 = arith.constant 0 : i32
      %sign3A_1553 = arith.cmpi sgt, %add3A_1549, %sign3A_1552 : i32
      %sign3A_1554 = arith.extui %sign3A_1553 : i1 to i32
      %sign3A_1555 = arith.constant 0 : i32
      %sign3A_1556 = arith.cmpi slt, %add3A_1549, %sign3A_1555 : i32
      %sign3A_1557 = arith.extui %sign3A_1556 : i1 to i32
      %sign3A_1558 = arith.subi %sign3A_1554, %sign3A_1557 : i32
      %sign3A_1559 = arith.constant 0 : i32
      %sign3A_1560 = arith.cmpi sgt, %jit3A_1550, %sign3A_1559 : i32
      %sign3A_1561 = arith.extui %sign3A_1560 : i1 to i32
      %sign3A_1562 = arith.constant 0 : i32
      %sign3A_1563 = arith.cmpi slt, %jit3A_1550, %sign3A_1562 : i32
      %sign3A_1564 = arith.extui %sign3A_1563 : i1 to i32
      %sign3A_1565 = arith.subi %sign3A_1561, %sign3A_1564 : i32
      %ne3A_1566 = arith.cmpi ne, %sign3A_1558, %sign3A_1565 : i32
      %rem3A_1567 = arith.remsi %add3A_1549, %jit3A_1550 : i32
      %ne3A_1568 = arith.constant 0 : i32
      %ne3A_1569 = arith.cmpi ne, %rem3A_1567, %ne3A_1568 : i32
      %and3A_1570 = arith.andi %ne3A_1566, %ne3A_1569 : i1
      %sub3A_1571 = arith.constant 1 : i32
      %sub3A_1572 = arith.subi %div3A_1551, %sub3A_1571 : i32
      %select_n3A_1573 = arith.select %and3A_1570, %sub3A_1572, %div3A_1551 : i32
      %jit3A_1574 = arith.constant 4 : i32
      %eq3A_1575 = arith.constant 0 : i32
      %eq3A_1576 = arith.cmpi eq, %jit3A_1574, %eq3A_1575 : i32
      %jit3A_1577 = arith.constant 1 : i32
      %select_n3A_1578 = arith.select %eq3A_1576, %jit3A_1577, %jit3A_1574 : i32
      %rem3A_1579 = arith.remsi %add3A_1549, %select_n3A_1578 : i32
      %ne3A_1580 = arith.constant 0 : i32
      %ne3A_1581 = arith.cmpi ne, %rem3A_1579, %ne3A_1580 : i32
      %lt3A_1582 = arith.constant 0 : i32
      %lt3A_1583 = arith.cmpi slt, %rem3A_1579, %lt3A_1582 : i32
      %lt3A_1584 = arith.constant 0 : i32
      %lt3A_1585 = arith.cmpi slt, %select_n3A_1578, %lt3A_1584 : i32
      %ne3A_1586 = arith.xori %lt3A_1583, %lt3A_1585 : i1
      %and3A_1587 = arith.andi %ne3A_1586, %ne3A_1581 : i1
      %add3A_1588 = arith.addi %rem3A_1579, %select_n3A_1578 : i32
      %select_n3A_1589 = arith.select %and3A_1587, %add3A_1588, %rem3A_1579 : i32
      %mul3A_1590 = arith.constant 32 : i32
      %mul3A_1591 = arith.muli %select_n3A_1589, %mul3A_1590 : i32
      %dma_wait3A_1592 = arith.constant 5 : i32
      %dma_wait3A_1593 = arith.constant 0 : i32
      %dma_wait3A_1594 = arith.constant 0 : i32
      %dma_wait3A_1595 = tpu.memref_slice %arg6[%dma_wait3A_1592, %dma_wait3A_1593, %dma_wait3A_1594] : memref<8x32x128xf32, #tpu.memory_space<vmem>> -> memref<1x32x128xf32, #tpu.memory_space<vmem>>
      %dma_wait3A_1596 = tpu.memref_squeeze %dma_wait3A_1595 : memref<1x32x128xf32, #tpu.memory_space<vmem>> -> memref<32x128xf32, #tpu.memory_space<vmem>>
      %dma_wait3A_1597 = tpu.memref_slice %arg5[%select_n3A_1573, %mul3A_1591] : memref<200x128xi32, #tpu.memory_space<vmem>> -> memref<1x32xi32, #tpu.memory_space<vmem>>
      %dma_wait3A_1598 = tpu.memref_squeeze %dma_wait3A_1597 : memref<1x32xi32, #tpu.memory_space<vmem>> -> memref<32xi32, #tpu.memory_space<vmem>>
      %dma_wait3A_1599 = arith.constant 0 : i32
      %dma_wait3A_1600 = arith.constant 0 : i32
      %dma_wait3A_1601 = tpu.memref_slice %arg7[%dma_wait3A_1599, %dma_wait3A_1600] : memref<8192x128xf32, #tpu.memory_space<vmem_shared>> -> memref<8192x128xf32, #tpu.memory_space<vmem_shared>>
      tpu.wait_indirect_dma semaphore(%arg8 : memref<!tpu.dma_semaphore, #tpu.memory_space<semaphore_mem>>) src(%dma_wait3A_1601 : memref<8192x128xf32, #tpu.memory_space<vmem_shared>>) dst(%dma_wait3A_1596 : memref<32x128xf32, #tpu.memory_space<vmem>>)
      %mul3A_1602 = arith.constant 32 : i32
      %mul3A_1603 = arith.muli %add3A_1549, %mul3A_1602 : i32
      %add3A_1604 = arith.addi %mul3A_4, %mul3A_1603 : i32
      %dma_start3A_1605 = arith.constant 5 : i32
      %dma_start3A_1606 = arith.constant 0 : i32
      %dma_start3A_1607 = arith.constant 0 : i32
      %dma_start3A_1608 = tpu.memref_slice %arg6[%dma_start3A_1605, %dma_start3A_1606, %dma_start3A_1607] : memref<8x32x128xf32, #tpu.memory_space<vmem>> -> memref<1x32x128xf32, #tpu.memory_space<vmem>>
      %dma_start3A_1609 = tpu.memref_squeeze %dma_start3A_1608 : memref<1x32x128xf32, #tpu.memory_space<vmem>> -> memref<32x128xf32, #tpu.memory_space<vmem>>
      %dma_start3A_1610 = arith.constant 0 : i32
      %dma_start3A_1611 = tpu.memref_slice %arg4[%add3A_1604, %dma_start3A_1610] : memref<819200x128xf32, #tpu.memory_space<hbm>> -> memref<32x128xf32, #tpu.memory_space<hbm>>
      %dma_start3A_1612 = arith.constant 0 : i32
      %dma_start3A_1613 = tpu.memref_slice %arg4[%add3A_1604, %dma_start3A_1612] : memref<819200x128xf32, #tpu.memory_space<hbm>> -> memref<32x128xf32, #tpu.memory_space<hbm>>
      %dma_start3A_1614 = arith.constant 0 : i32
      %dma_start3A_1615 = arith.constant 0 : i32
      %dma_start3A_1616 = tpu.memref_slice %arg6[%dma_start3A_1605, %dma_start3A_1614, %dma_start3A_1615] : memref<8x32x128xf32, #tpu.memory_space<vmem>> -> memref<1x32x128xf32, #tpu.memory_space<vmem>>
      %dma_start3A_1617 = tpu.memref_squeeze %dma_start3A_1616 : memref<1x32x128xf32, #tpu.memory_space<vmem>> -> memref<32x128xf32, #tpu.memory_space<vmem>>
      tpu.enqueue_dma source(%dma_start3A_1617 : memref<32x128xf32, #tpu.memory_space<vmem>>) target(%dma_start3A_1613 : memref<32x128xf32, #tpu.memory_space<hbm>>) target_semaphore(%arg9 : memref<!tpu.dma_semaphore, #tpu.memory_space<semaphore_mem>>)
      %dma_wait3A_1618 = arith.constant 0 : i32
      %dma_wait3A_1619 = arith.constant 0 : i32
      %dma_wait3A_1620 = arith.constant 0 : i32
      %dma_wait3A_1621 = tpu.memref_slice %arg6[%dma_wait3A_1618, %dma_wait3A_1619, %dma_wait3A_1620] : memref<8x32x128xf32, #tpu.memory_space<vmem>> -> memref<1x32x128xf32, #tpu.memory_space<vmem>>
      %dma_wait3A_1622 = tpu.memref_squeeze %dma_wait3A_1621 : memref<1x32x128xf32, #tpu.memory_space<vmem>> -> memref<32x128xf32, #tpu.memory_space<vmem>>
      %dma_wait3A_1623 = arith.constant 0 : i32
      %dma_wait3A_1624 = tpu.memref_slice %arg4[%mul3A_4, %dma_wait3A_1623] : memref<819200x128xf32, #tpu.memory_space<hbm>> -> memref<32x128xf32, #tpu.memory_space<hbm>>
      %dma_wait3A_1625 = arith.constant 0 : i32
      %dma_wait3A_1626 = tpu.memref_slice %arg4[%mul3A_4, %dma_wait3A_1625] : memref<819200x128xf32, #tpu.memory_space<hbm>> -> memref<32x128xf32, #tpu.memory_space<hbm>>
      %dma_wait3A_1627 = arith.constant 0 : i32
      %dma_wait3A_1628 = arith.constant 0 : i32
      %dma_wait3A_1629 = tpu.memref_slice %arg6[%dma_wait3A_1618, %dma_wait3A_1627, %dma_wait3A_1628] : memref<8x32x128xf32, #tpu.memory_space<vmem>> -> memref<1x32x128xf32, #tpu.memory_space<vmem>>
      %dma_wait3A_1630 = tpu.memref_squeeze %dma_wait3A_1629 : memref<1x32x128xf32, #tpu.memory_space<vmem>> -> memref<32x128xf32, #tpu.memory_space<vmem>>
      tpu.wait_dma2 semaphore(%arg9 : memref<!tpu.dma_semaphore, #tpu.memory_space<semaphore_mem>>) src(%dma_wait3A_1630 : memref<32x128xf32, #tpu.memory_space<vmem>>) dst(%dma_wait3A_1626 : memref<32x128xf32, #tpu.memory_space<hbm>>)
      %add3A_1631 = arith.constant 4 : i32
      %add3A_1632 = arith.addi %add3A_1549, %add3A_1631 : i32
      %jit3A_1633 = arith.constant 4 : i32
      %div3A_1634 = arith.divsi %add3A_1632, %jit3A_1633 : i32
      %sign3A_1635 = arith.constant 0 : i32
      %sign3A_1636 = arith.cmpi sgt, %add3A_1632, %sign3A_1635 : i32
      %sign3A_1637 = arith.extui %sign3A_1636 : i1 to i32
      %sign3A_1638 = arith.constant 0 : i32
      %sign3A_1639 = arith.cmpi slt, %add3A_1632, %sign3A_1638 : i32
      %sign3A_1640 = arith.extui %sign3A_1639 : i1 to i32
      %sign3A_1641 = arith.subi %sign3A_1637, %sign3A_1640 : i32
      %sign3A_1642 = arith.constant 0 : i32
      %sign3A_1643 = arith.cmpi sgt, %jit3A_1633, %sign3A_1642 : i32
      %sign3A_1644 = arith.extui %sign3A_1643 : i1 to i32
      %sign3A_1645 = arith.constant 0 : i32
      %sign3A_1646 = arith.cmpi slt, %jit3A_1633, %sign3A_1645 : i32
      %sign3A_1647 = arith.extui %sign3A_1646 : i1 to i32
      %sign3A_1648 = arith.subi %sign3A_1644, %sign3A_1647 : i32
      %ne3A_1649 = arith.cmpi ne, %sign3A_1641, %sign3A_1648 : i32
      %rem3A_1650 = arith.remsi %add3A_1632, %jit3A_1633 : i32
      %ne3A_1651 = arith.constant 0 : i32
      %ne3A_1652 = arith.cmpi ne, %rem3A_1650, %ne3A_1651 : i32
      %and3A_1653 = arith.andi %ne3A_1649, %ne3A_1652 : i1
      %sub3A_1654 = arith.constant 1 : i32
      %sub3A_1655 = arith.subi %div3A_1634, %sub3A_1654 : i32
      %select_n3A_1656 = arith.select %and3A_1653, %sub3A_1655, %div3A_1634 : i32
      %jit3A_1657 = arith.constant 4 : i32
      %eq3A_1658 = arith.constant 0 : i32
      %eq3A_1659 = arith.cmpi eq, %jit3A_1657, %eq3A_1658 : i32
      %jit3A_1660 = arith.constant 1 : i32
      %select_n3A_1661 = arith.select %eq3A_1659, %jit3A_1660, %jit3A_1657 : i32
      %rem3A_1662 = arith.remsi %add3A_1632, %select_n3A_1661 : i32
      %ne3A_1663 = arith.constant 0 : i32
      %ne3A_1664 = arith.cmpi ne, %rem3A_1662, %ne3A_1663 : i32
      %lt3A_1665 = arith.constant 0 : i32
      %lt3A_1666 = arith.cmpi slt, %rem3A_1662, %lt3A_1665 : i32
      %lt3A_1667 = arith.constant 0 : i32
      %lt3A_1668 = arith.cmpi slt, %select_n3A_1661, %lt3A_1667 : i32
      %ne3A_1669 = arith.xori %lt3A_1666, %lt3A_1668 : i1
      %and3A_1670 = arith.andi %ne3A_1669, %ne3A_1664 : i1
      %add3A_1671 = arith.addi %rem3A_1662, %select_n3A_1661 : i32
      %select_n3A_1672 = arith.select %and3A_1670, %add3A_1671, %rem3A_1662 : i32
      %mul3A_1673 = arith.constant 32 : i32
      %mul3A_1674 = arith.muli %select_n3A_1672, %mul3A_1673 : i32
      %dma_start3A_1675 = arith.constant 1 : i32
      %dma_start3A_1676 = arith.constant 0 : i32
      %dma_start3A_1677 = arith.constant 0 : i32
      %dma_start3A_1678 = tpu.memref_slice %arg6[%dma_start3A_1675, %dma_start3A_1676, %dma_start3A_1677] : memref<8x32x128xf32, #tpu.memory_space<vmem>> -> memref<1x32x128xf32, #tpu.memory_space<vmem>>
      %dma_start3A_1679 = tpu.memref_squeeze %dma_start3A_1678 : memref<1x32x128xf32, #tpu.memory_space<vmem>> -> memref<32x128xf32, #tpu.memory_space<vmem>>
      %dma_start3A_1680 = tpu.memref_slice %arg5[%select_n3A_1656, %mul3A_1674] : memref<200x128xi32, #tpu.memory_space<vmem>> -> memref<1x32xi32, #tpu.memory_space<vmem>>
      %dma_start3A_1681 = tpu.memref_squeeze %dma_start3A_1680 : memref<1x32xi32, #tpu.memory_space<vmem>> -> memref<32xi32, #tpu.memory_space<vmem>>
      %dma_start3A_1682 = arith.constant 0 : i32
      %dma_start3A_1683 = arith.constant 0 : i32
      %dma_start3A_1684 = tpu.memref_slice %arg7[%dma_start3A_1682, %dma_start3A_1683] : memref<8192x128xf32, #tpu.memory_space<vmem_shared>> -> memref<8192x128xf32, #tpu.memory_space<vmem_shared>>
      tpu.enqueue_indirect_dma source(%dma_start3A_1684 : memref<8192x128xf32, #tpu.memory_space<vmem_shared>>) target(%dma_start3A_1679 : memref<32x128xf32, #tpu.memory_space<vmem>>) offsets(%dma_start3A_1681 : memref<32xi32, #tpu.memory_space<vmem>>) semaphore(%arg8 : memref<!tpu.dma_semaphore, #tpu.memory_space<semaphore_mem>>)
      %mul3A_1685 = arith.constant 8 : i32
      %mul3A_1686 = arith.muli %scan3A_860, %mul3A_1685 : i32
      %add3A_1687 = arith.constant 6 : i32
      %add3A_1688 = arith.addi %mul3A_1686, %add3A_1687 : i32
      %jit3A_1689 = arith.constant 4 : i32
      %div3A_1690 = arith.divsi %add3A_1688, %jit3A_1689 : i32
      %sign3A_1691 = arith.constant 0 : i32
      %sign3A_1692 = arith.cmpi sgt, %add3A_1688, %sign3A_1691 : i32
      %sign3A_1693 = arith.extui %sign3A_1692 : i1 to i32
      %sign3A_1694 = arith.constant 0 : i32
      %sign3A_1695 = arith.cmpi slt, %add3A_1688, %sign3A_1694 : i32
      %sign3A_1696 = arith.extui %sign3A_1695 : i1 to i32
      %sign3A_1697 = arith.subi %sign3A_1693, %sign3A_1696 : i32
      %sign3A_1698 = arith.constant 0 : i32
      %sign3A_1699 = arith.cmpi sgt, %jit3A_1689, %sign3A_1698 : i32
      %sign3A_1700 = arith.extui %sign3A_1699 : i1 to i32
      %sign3A_1701 = arith.constant 0 : i32
      %sign3A_1702 = arith.cmpi slt, %jit3A_1689, %sign3A_1701 : i32
      %sign3A_1703 = arith.extui %sign3A_1702 : i1 to i32
      %sign3A_1704 = arith.subi %sign3A_1700, %sign3A_1703 : i32
      %ne3A_1705 = arith.cmpi ne, %sign3A_1697, %sign3A_1704 : i32
      %rem3A_1706 = arith.remsi %add3A_1688, %jit3A_1689 : i32
      %ne3A_1707 = arith.constant 0 : i32
      %ne3A_1708 = arith.cmpi ne, %rem3A_1706, %ne3A_1707 : i32
      %and3A_1709 = arith.andi %ne3A_1705, %ne3A_1708 : i1
      %sub3A_1710 = arith.constant 1 : i32
      %sub3A_1711 = arith.subi %div3A_1690, %sub3A_1710 : i32
      %select_n3A_1712 = arith.select %and3A_1709, %sub3A_1711, %div3A_1690 : i32
      %jit3A_1713 = arith.constant 4 : i32
      %eq3A_1714 = arith.constant 0 : i32
      %eq3A_1715 = arith.cmpi eq, %jit3A_1713, %eq3A_1714 : i32
      %jit3A_1716 = arith.constant 1 : i32
      %select_n3A_1717 = arith.select %eq3A_1715, %jit3A_1716, %jit3A_1713 : i32
      %rem3A_1718 = arith.remsi %add3A_1688, %select_n3A_1717 : i32
      %ne3A_1719 = arith.constant 0 : i32
      %ne3A_1720 = arith.cmpi ne, %rem3A_1718, %ne3A_1719 : i32
      %lt3A_1721 = arith.constant 0 : i32
      %lt3A_1722 = arith.cmpi slt, %rem3A_1718, %lt3A_1721 : i32
      %lt3A_1723 = arith.constant 0 : i32
      %lt3A_1724 = arith.cmpi slt, %select_n3A_1717, %lt3A_1723 : i32
      %ne3A_1725 = arith.xori %lt3A_1722, %lt3A_1724 : i1
      %and3A_1726 = arith.andi %ne3A_1725, %ne3A_1720 : i1
      %add3A_1727 = arith.addi %rem3A_1718, %select_n3A_1717 : i32
      %select_n3A_1728 = arith.select %and3A_1726, %add3A_1727, %rem3A_1718 : i32
      %mul3A_1729 = arith.constant 32 : i32
      %mul3A_1730 = arith.muli %select_n3A_1728, %mul3A_1729 : i32
      %dma_wait3A_1731 = arith.constant 6 : i32
      %dma_wait3A_1732 = arith.constant 0 : i32
      %dma_wait3A_1733 = arith.constant 0 : i32
      %dma_wait3A_1734 = tpu.memref_slice %arg6[%dma_wait3A_1731, %dma_wait3A_1732, %dma_wait3A_1733] : memref<8x32x128xf32, #tpu.memory_space<vmem>> -> memref<1x32x128xf32, #tpu.memory_space<vmem>>
      %dma_wait3A_1735 = tpu.memref_squeeze %dma_wait3A_1734 : memref<1x32x128xf32, #tpu.memory_space<vmem>> -> memref<32x128xf32, #tpu.memory_space<vmem>>
      %dma_wait3A_1736 = tpu.memref_slice %arg5[%select_n3A_1712, %mul3A_1730] : memref<200x128xi32, #tpu.memory_space<vmem>> -> memref<1x32xi32, #tpu.memory_space<vmem>>
      %dma_wait3A_1737 = tpu.memref_squeeze %dma_wait3A_1736 : memref<1x32xi32, #tpu.memory_space<vmem>> -> memref<32xi32, #tpu.memory_space<vmem>>
      %dma_wait3A_1738 = arith.constant 0 : i32
      %dma_wait3A_1739 = arith.constant 0 : i32
      %dma_wait3A_1740 = tpu.memref_slice %arg7[%dma_wait3A_1738, %dma_wait3A_1739] : memref<8192x128xf32, #tpu.memory_space<vmem_shared>> -> memref<8192x128xf32, #tpu.memory_space<vmem_shared>>
      tpu.wait_indirect_dma semaphore(%arg8 : memref<!tpu.dma_semaphore, #tpu.memory_space<semaphore_mem>>) src(%dma_wait3A_1740 : memref<8192x128xf32, #tpu.memory_space<vmem_shared>>) dst(%dma_wait3A_1735 : memref<32x128xf32, #tpu.memory_space<vmem>>)
      %mul3A_1741 = arith.constant 32 : i32
      %mul3A_1742 = arith.muli %add3A_1688, %mul3A_1741 : i32
      %add3A_1743 = arith.addi %mul3A_4, %mul3A_1742 : i32
      %dma_start3A_1744 = arith.constant 6 : i32
      %dma_start3A_1745 = arith.constant 0 : i32
      %dma_start3A_1746 = arith.constant 0 : i32
      %dma_start3A_1747 = tpu.memref_slice %arg6[%dma_start3A_1744, %dma_start3A_1745, %dma_start3A_1746] : memref<8x32x128xf32, #tpu.memory_space<vmem>> -> memref<1x32x128xf32, #tpu.memory_space<vmem>>
      %dma_start3A_1748 = tpu.memref_squeeze %dma_start3A_1747 : memref<1x32x128xf32, #tpu.memory_space<vmem>> -> memref<32x128xf32, #tpu.memory_space<vmem>>
      %dma_start3A_1749 = arith.constant 0 : i32
      %dma_start3A_1750 = tpu.memref_slice %arg4[%add3A_1743, %dma_start3A_1749] : memref<819200x128xf32, #tpu.memory_space<hbm>> -> memref<32x128xf32, #tpu.memory_space<hbm>>
      %dma_start3A_1751 = arith.constant 0 : i32
      %dma_start3A_1752 = tpu.memref_slice %arg4[%add3A_1743, %dma_start3A_1751] : memref<819200x128xf32, #tpu.memory_space<hbm>> -> memref<32x128xf32, #tpu.memory_space<hbm>>
      %dma_start3A_1753 = arith.constant 0 : i32
      %dma_start3A_1754 = arith.constant 0 : i32
      %dma_start3A_1755 = tpu.memref_slice %arg6[%dma_start3A_1744, %dma_start3A_1753, %dma_start3A_1754] : memref<8x32x128xf32, #tpu.memory_space<vmem>> -> memref<1x32x128xf32, #tpu.memory_space<vmem>>
      %dma_start3A_1756 = tpu.memref_squeeze %dma_start3A_1755 : memref<1x32x128xf32, #tpu.memory_space<vmem>> -> memref<32x128xf32, #tpu.memory_space<vmem>>
      tpu.enqueue_dma source(%dma_start3A_1756 : memref<32x128xf32, #tpu.memory_space<vmem>>) target(%dma_start3A_1752 : memref<32x128xf32, #tpu.memory_space<hbm>>) target_semaphore(%arg9 : memref<!tpu.dma_semaphore, #tpu.memory_space<semaphore_mem>>)
      %dma_wait3A_1757 = arith.constant 0 : i32
      %dma_wait3A_1758 = arith.constant 0 : i32
      %dma_wait3A_1759 = arith.constant 0 : i32
      %dma_wait3A_1760 = tpu.memref_slice %arg6[%dma_wait3A_1757, %dma_wait3A_1758, %dma_wait3A_1759] : memref<8x32x128xf32, #tpu.memory_space<vmem>> -> memref<1x32x128xf32, #tpu.memory_space<vmem>>
      %dma_wait3A_1761 = tpu.memref_squeeze %dma_wait3A_1760 : memref<1x32x128xf32, #tpu.memory_space<vmem>> -> memref<32x128xf32, #tpu.memory_space<vmem>>
      %dma_wait3A_1762 = arith.constant 0 : i32
      %dma_wait3A_1763 = tpu.memref_slice %arg4[%mul3A_4, %dma_wait3A_1762] : memref<819200x128xf32, #tpu.memory_space<hbm>> -> memref<32x128xf32, #tpu.memory_space<hbm>>
      %dma_wait3A_1764 = arith.constant 0 : i32
      %dma_wait3A_1765 = tpu.memref_slice %arg4[%mul3A_4, %dma_wait3A_1764] : memref<819200x128xf32, #tpu.memory_space<hbm>> -> memref<32x128xf32, #tpu.memory_space<hbm>>
      %dma_wait3A_1766 = arith.constant 0 : i32
      %dma_wait3A_1767 = arith.constant 0 : i32
      %dma_wait3A_1768 = tpu.memref_slice %arg6[%dma_wait3A_1757, %dma_wait3A_1766, %dma_wait3A_1767] : memref<8x32x128xf32, #tpu.memory_space<vmem>> -> memref<1x32x128xf32, #tpu.memory_space<vmem>>
      %dma_wait3A_1769 = tpu.memref_squeeze %dma_wait3A_1768 : memref<1x32x128xf32, #tpu.memory_space<vmem>> -> memref<32x128xf32, #tpu.memory_space<vmem>>
      tpu.wait_dma2 semaphore(%arg9 : memref<!tpu.dma_semaphore, #tpu.memory_space<semaphore_mem>>) src(%dma_wait3A_1769 : memref<32x128xf32, #tpu.memory_space<vmem>>) dst(%dma_wait3A_1765 : memref<32x128xf32, #tpu.memory_space<hbm>>)
      %add3A_1770 = arith.constant 4 : i32
      %add3A_1771 = arith.addi %add3A_1688, %add3A_1770 : i32
      %jit3A_1772 = arith.constant 4 : i32
      %div3A_1773 = arith.divsi %add3A_1771, %jit3A_1772 : i32
      %sign3A_1774 = arith.constant 0 : i32
      %sign3A_1775 = arith.cmpi sgt, %add3A_1771, %sign3A_1774 : i32
      %sign3A_1776 = arith.extui %sign3A_1775 : i1 to i32
      %sign3A_1777 = arith.constant 0 : i32
      %sign3A_1778 = arith.cmpi slt, %add3A_1771, %sign3A_1777 : i32
      %sign3A_1779 = arith.extui %sign3A_1778 : i1 to i32
      %sign3A_1780 = arith.subi %sign3A_1776, %sign3A_1779 : i32
      %sign3A_1781 = arith.constant 0 : i32
      %sign3A_1782 = arith.cmpi sgt, %jit3A_1772, %sign3A_1781 : i32
      %sign3A_1783 = arith.extui %sign3A_1782 : i1 to i32
      %sign3A_1784 = arith.constant 0 : i32
      %sign3A_1785 = arith.cmpi slt, %jit3A_1772, %sign3A_1784 : i32
      %sign3A_1786 = arith.extui %sign3A_1785 : i1 to i32
      %sign3A_1787 = arith.subi %sign3A_1783, %sign3A_1786 : i32
      %ne3A_1788 = arith.cmpi ne, %sign3A_1780, %sign3A_1787 : i32
      %rem3A_1789 = arith.remsi %add3A_1771, %jit3A_1772 : i32
      %ne3A_1790 = arith.constant 0 : i32
      %ne3A_1791 = arith.cmpi ne, %rem3A_1789, %ne3A_1790 : i32
      %and3A_1792 = arith.andi %ne3A_1788, %ne3A_1791 : i1
      %sub3A_1793 = arith.constant 1 : i32
      %sub3A_1794 = arith.subi %div3A_1773, %sub3A_1793 : i32
      %select_n3A_1795 = arith.select %and3A_1792, %sub3A_1794, %div3A_1773 : i32
      %jit3A_1796 = arith.constant 4 : i32
      %eq3A_1797 = arith.constant 0 : i32
      %eq3A_1798 = arith.cmpi eq, %jit3A_1796, %eq3A_1797 : i32
      %jit3A_1799 = arith.constant 1 : i32
      %select_n3A_1800 = arith.select %eq3A_1798, %jit3A_1799, %jit3A_1796 : i32
      %rem3A_1801 = arith.remsi %add3A_1771, %select_n3A_1800 : i32
      %ne3A_1802 = arith.constant 0 : i32
      %ne3A_1803 = arith.cmpi ne, %rem3A_1801, %ne3A_1802 : i32
      %lt3A_1804 = arith.constant 0 : i32
      %lt3A_1805 = arith.cmpi slt, %rem3A_1801, %lt3A_1804 : i32
      %lt3A_1806 = arith.constant 0 : i32
      %lt3A_1807 = arith.cmpi slt, %select_n3A_1800, %lt3A_1806 : i32
      %ne3A_1808 = arith.xori %lt3A_1805, %lt3A_1807 : i1
      %and3A_1809 = arith.andi %ne3A_1808, %ne3A_1803 : i1
      %add3A_1810 = arith.addi %rem3A_1801, %select_n3A_1800 : i32
      %select_n3A_1811 = arith.select %and3A_1809, %add3A_1810, %rem3A_1801 : i32
      %mul3A_1812 = arith.constant 32 : i32
      %mul3A_1813 = arith.muli %select_n3A_1811, %mul3A_1812 : i32
      %dma_start3A_1814 = arith.constant 2 : i32
      %dma_start3A_1815 = arith.constant 0 : i32
      %dma_start3A_1816 = arith.constant 0 : i32
      %dma_start3A_1817 = tpu.memref_slice %arg6[%dma_start3A_1814, %dma_start3A_1815, %dma_start3A_1816] : memref<8x32x128xf32, #tpu.memory_space<vmem>> -> memref<1x32x128xf32, #tpu.memory_space<vmem>>
      %dma_start3A_1818 = tpu.memref_squeeze %dma_start3A_1817 : memref<1x32x128xf32, #tpu.memory_space<vmem>> -> memref<32x128xf32, #tpu.memory_space<vmem>>
      %dma_start3A_1819 = tpu.memref_slice %arg5[%select_n3A_1795, %mul3A_1813] : memref<200x128xi32, #tpu.memory_space<vmem>> -> memref<1x32xi32, #tpu.memory_space<vmem>>
      %dma_start3A_1820 = tpu.memref_squeeze %dma_start3A_1819 : memref<1x32xi32, #tpu.memory_space<vmem>> -> memref<32xi32, #tpu.memory_space<vmem>>
      %dma_start3A_1821 = arith.constant 0 : i32
      %dma_start3A_1822 = arith.constant 0 : i32
      %dma_start3A_1823 = tpu.memref_slice %arg7[%dma_start3A_1821, %dma_start3A_1822] : memref<8192x128xf32, #tpu.memory_space<vmem_shared>> -> memref<8192x128xf32, #tpu.memory_space<vmem_shared>>
      tpu.enqueue_indirect_dma source(%dma_start3A_1823 : memref<8192x128xf32, #tpu.memory_space<vmem_shared>>) target(%dma_start3A_1818 : memref<32x128xf32, #tpu.memory_space<vmem>>) offsets(%dma_start3A_1820 : memref<32xi32, #tpu.memory_space<vmem>>) semaphore(%arg8 : memref<!tpu.dma_semaphore, #tpu.memory_space<semaphore_mem>>)
      %mul3A_1824 = arith.constant 8 : i32
      %mul3A_1825 = arith.muli %scan3A_860, %mul3A_1824 : i32
      %add3A_1826 = arith.constant 7 : i32
      %add3A_1827 = arith.addi %mul3A_1825, %add3A_1826 : i32
      %jit3A_1828 = arith.constant 4 : i32
      %div3A_1829 = arith.divsi %add3A_1827, %jit3A_1828 : i32
      %sign3A_1830 = arith.constant 0 : i32
      %sign3A_1831 = arith.cmpi sgt, %add3A_1827, %sign3A_1830 : i32
      %sign3A_1832 = arith.extui %sign3A_1831 : i1 to i32
      %sign3A_1833 = arith.constant 0 : i32
      %sign3A_1834 = arith.cmpi slt, %add3A_1827, %sign3A_1833 : i32
      %sign3A_1835 = arith.extui %sign3A_1834 : i1 to i32
      %sign3A_1836 = arith.subi %sign3A_1832, %sign3A_1835 : i32
      %sign3A_1837 = arith.constant 0 : i32
      %sign3A_1838 = arith.cmpi sgt, %jit3A_1828, %sign3A_1837 : i32
      %sign3A_1839 = arith.extui %sign3A_1838 : i1 to i32
      %sign3A_1840 = arith.constant 0 : i32
      %sign3A_1841 = arith.cmpi slt, %jit3A_1828, %sign3A_1840 : i32
      %sign3A_1842 = arith.extui %sign3A_1841 : i1 to i32
      %sign3A_1843 = arith.subi %sign3A_1839, %sign3A_1842 : i32
      %ne3A_1844 = arith.cmpi ne, %sign3A_1836, %sign3A_1843 : i32
      %rem3A_1845 = arith.remsi %add3A_1827, %jit3A_1828 : i32
      %ne3A_1846 = arith.constant 0 : i32
      %ne3A_1847 = arith.cmpi ne, %rem3A_1845, %ne3A_1846 : i32
      %and3A_1848 = arith.andi %ne3A_1844, %ne3A_1847 : i1
      %sub3A_1849 = arith.constant 1 : i32
      %sub3A_1850 = arith.subi %div3A_1829, %sub3A_1849 : i32
      %select_n3A_1851 = arith.select %and3A_1848, %sub3A_1850, %div3A_1829 : i32
      %jit3A_1852 = arith.constant 4 : i32
      %eq3A_1853 = arith.constant 0 : i32
      %eq3A_1854 = arith.cmpi eq, %jit3A_1852, %eq3A_1853 : i32
      %jit3A_1855 = arith.constant 1 : i32
      %select_n3A_1856 = arith.select %eq3A_1854, %jit3A_1855, %jit3A_1852 : i32
      %rem3A_1857 = arith.remsi %add3A_1827, %select_n3A_1856 : i32
      %ne3A_1858 = arith.constant 0 : i32
      %ne3A_1859 = arith.cmpi ne, %rem3A_1857, %ne3A_1858 : i32
      %lt3A_1860 = arith.constant 0 : i32
      %lt3A_1861 = arith.cmpi slt, %rem3A_1857, %lt3A_1860 : i32
      %lt3A_1862 = arith.constant 0 : i32
      %lt3A_1863 = arith.cmpi slt, %select_n3A_1856, %lt3A_1862 : i32
      %ne3A_1864 = arith.xori %lt3A_1861, %lt3A_1863 : i1
      %and3A_1865 = arith.andi %ne3A_1864, %ne3A_1859 : i1
      %add3A_1866 = arith.addi %rem3A_1857, %select_n3A_1856 : i32
      %select_n3A_1867 = arith.select %and3A_1865, %add3A_1866, %rem3A_1857 : i32
      %mul3A_1868 = arith.constant 32 : i32
      %mul3A_1869 = arith.muli %select_n3A_1867, %mul3A_1868 : i32
      %dma_wait3A_1870 = arith.constant 7 : i32
      %dma_wait3A_1871 = arith.constant 0 : i32
      %dma_wait3A_1872 = arith.constant 0 : i32
      %dma_wait3A_1873 = tpu.memref_slice %arg6[%dma_wait3A_1870, %dma_wait3A_1871, %dma_wait3A_1872] : memref<8x32x128xf32, #tpu.memory_space<vmem>> -> memref<1x32x128xf32, #tpu.memory_space<vmem>>
      %dma_wait3A_1874 = tpu.memref_squeeze %dma_wait3A_1873 : memref<1x32x128xf32, #tpu.memory_space<vmem>> -> memref<32x128xf32, #tpu.memory_space<vmem>>
      %dma_wait3A_1875 = tpu.memref_slice %arg5[%select_n3A_1851, %mul3A_1869] : memref<200x128xi32, #tpu.memory_space<vmem>> -> memref<1x32xi32, #tpu.memory_space<vmem>>
      %dma_wait3A_1876 = tpu.memref_squeeze %dma_wait3A_1875 : memref<1x32xi32, #tpu.memory_space<vmem>> -> memref<32xi32, #tpu.memory_space<vmem>>
      %dma_wait3A_1877 = arith.constant 0 : i32
      %dma_wait3A_1878 = arith.constant 0 : i32
      %dma_wait3A_1879 = tpu.memref_slice %arg7[%dma_wait3A_1877, %dma_wait3A_1878] : memref<8192x128xf32, #tpu.memory_space<vmem_shared>> -> memref<8192x128xf32, #tpu.memory_space<vmem_shared>>
      tpu.wait_indirect_dma semaphore(%arg8 : memref<!tpu.dma_semaphore, #tpu.memory_space<semaphore_mem>>) src(%dma_wait3A_1879 : memref<8192x128xf32, #tpu.memory_space<vmem_shared>>) dst(%dma_wait3A_1874 : memref<32x128xf32, #tpu.memory_space<vmem>>)
      %mul3A_1880 = arith.constant 32 : i32
      %mul3A_1881 = arith.muli %add3A_1827, %mul3A_1880 : i32
      %add3A_1882 = arith.addi %mul3A_4, %mul3A_1881 : i32
      %dma_start3A_1883 = arith.constant 7 : i32
      %dma_start3A_1884 = arith.constant 0 : i32
      %dma_start3A_1885 = arith.constant 0 : i32
      %dma_start3A_1886 = tpu.memref_slice %arg6[%dma_start3A_1883, %dma_start3A_1884, %dma_start3A_1885] : memref<8x32x128xf32, #tpu.memory_space<vmem>> -> memref<1x32x128xf32, #tpu.memory_space<vmem>>
      %dma_start3A_1887 = tpu.memref_squeeze %dma_start3A_1886 : memref<1x32x128xf32, #tpu.memory_space<vmem>> -> memref<32x128xf32, #tpu.memory_space<vmem>>
      %dma_start3A_1888 = arith.constant 0 : i32
      %dma_start3A_1889 = tpu.memref_slice %arg4[%add3A_1882, %dma_start3A_1888] : memref<819200x128xf32, #tpu.memory_space<hbm>> -> memref<32x128xf32, #tpu.memory_space<hbm>>
      %dma_start3A_1890 = arith.constant 0 : i32
      %dma_start3A_1891 = tpu.memref_slice %arg4[%add3A_1882, %dma_start3A_1890] : memref<819200x128xf32, #tpu.memory_space<hbm>> -> memref<32x128xf32, #tpu.memory_space<hbm>>
      %dma_start3A_1892 = arith.constant 0 : i32
      %dma_start3A_1893 = arith.constant 0 : i32
      %dma_start3A_1894 = tpu.memref_slice %arg6[%dma_start3A_1883, %dma_start3A_1892, %dma_start3A_1893] : memref<8x32x128xf32, #tpu.memory_space<vmem>> -> memref<1x32x128xf32, #tpu.memory_space<vmem>>
      %dma_start3A_1895 = tpu.memref_squeeze %dma_start3A_1894 : memref<1x32x128xf32, #tpu.memory_space<vmem>> -> memref<32x128xf32, #tpu.memory_space<vmem>>
      tpu.enqueue_dma source(%dma_start3A_1895 : memref<32x128xf32, #tpu.memory_space<vmem>>) target(%dma_start3A_1891 : memref<32x128xf32, #tpu.memory_space<hbm>>) target_semaphore(%arg9 : memref<!tpu.dma_semaphore, #tpu.memory_space<semaphore_mem>>)
      %dma_wait3A_1896 = arith.constant 0 : i32
      %dma_wait3A_1897 = arith.constant 0 : i32
      %dma_wait3A_1898 = arith.constant 0 : i32
      %dma_wait3A_1899 = tpu.memref_slice %arg6[%dma_wait3A_1896, %dma_wait3A_1897, %dma_wait3A_1898] : memref<8x32x128xf32, #tpu.memory_space<vmem>> -> memref<1x32x128xf32, #tpu.memory_space<vmem>>
      %dma_wait3A_1900 = tpu.memref_squeeze %dma_wait3A_1899 : memref<1x32x128xf32, #tpu.memory_space<vmem>> -> memref<32x128xf32, #tpu.memory_space<vmem>>
      %dma_wait3A_1901 = arith.constant 0 : i32
      %dma_wait3A_1902 = tpu.memref_slice %arg4[%mul3A_4, %dma_wait3A_1901] : memref<819200x128xf32, #tpu.memory_space<hbm>> -> memref<32x128xf32, #tpu.memory_space<hbm>>
      %dma_wait3A_1903 = arith.constant 0 : i32
      %dma_wait3A_1904 = tpu.memref_slice %arg4[%mul3A_4, %dma_wait3A_1903] : memref<819200x128xf32, #tpu.memory_space<hbm>> -> memref<32x128xf32, #tpu.memory_space<hbm>>
      %dma_wait3A_1905 = arith.constant 0 : i32
      %dma_wait3A_1906 = arith.constant 0 : i32
      %dma_wait3A_1907 = tpu.memref_slice %arg6[%dma_wait3A_1896, %dma_wait3A_1905, %dma_wait3A_1906] : memref<8x32x128xf32, #tpu.memory_space<vmem>> -> memref<1x32x128xf32, #tpu.memory_space<vmem>>
      %dma_wait3A_1908 = tpu.memref_squeeze %dma_wait3A_1907 : memref<1x32x128xf32, #tpu.memory_space<vmem>> -> memref<32x128xf32, #tpu.memory_space<vmem>>
      tpu.wait_dma2 semaphore(%arg9 : memref<!tpu.dma_semaphore, #tpu.memory_space<semaphore_mem>>) src(%dma_wait3A_1908 : memref<32x128xf32, #tpu.memory_space<vmem>>) dst(%dma_wait3A_1904 : memref<32x128xf32, #tpu.memory_space<hbm>>)
      %add3A_1909 = arith.constant 4 : i32
      %add3A_1910 = arith.addi %add3A_1827, %add3A_1909 : i32
      %jit3A_1911 = arith.constant 4 : i32
      %div3A_1912 = arith.divsi %add3A_1910, %jit3A_1911 : i32
      %sign3A_1913 = arith.constant 0 : i32
      %sign3A_1914 = arith.cmpi sgt, %add3A_1910, %sign3A_1913 : i32
      %sign3A_1915 = arith.extui %sign3A_1914 : i1 to i32
      %sign3A_1916 = arith.constant 0 : i32
      %sign3A_1917 = arith.cmpi slt, %add3A_1910, %sign3A_1916 : i32
      %sign3A_1918 = arith.extui %sign3A_1917 : i1 to i32
      %sign3A_1919 = arith.subi %sign3A_1915, %sign3A_1918 : i32
      %sign3A_1920 = arith.constant 0 : i32
      %sign3A_1921 = arith.cmpi sgt, %jit3A_1911, %sign3A_1920 : i32
      %sign3A_1922 = arith.extui %sign3A_1921 : i1 to i32
      %sign3A_1923 = arith.constant 0 : i32
      %sign3A_1924 = arith.cmpi slt, %jit3A_1911, %sign3A_1923 : i32
      %sign3A_1925 = arith.extui %sign3A_1924 : i1 to i32
      %sign3A_1926 = arith.subi %sign3A_1922, %sign3A_1925 : i32
      %ne3A_1927 = arith.cmpi ne, %sign3A_1919, %sign3A_1926 : i32
      %rem3A_1928 = arith.remsi %add3A_1910, %jit3A_1911 : i32
      %ne3A_1929 = arith.constant 0 : i32
      %ne3A_1930 = arith.cmpi ne, %rem3A_1928, %ne3A_1929 : i32
      %and3A_1931 = arith.andi %ne3A_1927, %ne3A_1930 : i1
      %sub3A_1932 = arith.constant 1 : i32
      %sub3A_1933 = arith.subi %div3A_1912, %sub3A_1932 : i32
      %select_n3A_1934 = arith.select %and3A_1931, %sub3A_1933, %div3A_1912 : i32
      %jit3A_1935 = arith.constant 4 : i32
      %eq3A_1936 = arith.constant 0 : i32
      %eq3A_1937 = arith.cmpi eq, %jit3A_1935, %eq3A_1936 : i32
      %jit3A_1938 = arith.constant 1 : i32
      %select_n3A_1939 = arith.select %eq3A_1937, %jit3A_1938, %jit3A_1935 : i32
      %rem3A_1940 = arith.remsi %add3A_1910, %select_n3A_1939 : i32
      %ne3A_1941 = arith.constant 0 : i32
      %ne3A_1942 = arith.cmpi ne, %rem3A_1940, %ne3A_1941 : i32
      %lt3A_1943 = arith.constant 0 : i32
      %lt3A_1944 = arith.cmpi slt, %rem3A_1940, %lt3A_1943 : i32
      %lt3A_1945 = arith.constant 0 : i32
      %lt3A_1946 = arith.cmpi slt, %select_n3A_1939, %lt3A_1945 : i32
      %ne3A_1947 = arith.xori %lt3A_1944, %lt3A_1946 : i1
      %and3A_1948 = arith.andi %ne3A_1947, %ne3A_1942 : i1
      %add3A_1949 = arith.addi %rem3A_1940, %select_n3A_1939 : i32
      %select_n3A_1950 = arith.select %and3A_1948, %add3A_1949, %rem3A_1940 : i32
      %mul3A_1951 = arith.constant 32 : i32
      %mul3A_1952 = arith.muli %select_n3A_1950, %mul3A_1951 : i32
      %dma_start3A_1953 = arith.constant 3 : i32
      %dma_start3A_1954 = arith.constant 0 : i32
      %dma_start3A_1955 = arith.constant 0 : i32
      %dma_start3A_1956 = tpu.memref_slice %arg6[%dma_start3A_1953, %dma_start3A_1954, %dma_start3A_1955] : memref<8x32x128xf32, #tpu.memory_space<vmem>> -> memref<1x32x128xf32, #tpu.memory_space<vmem>>
      %dma_start3A_1957 = tpu.memref_squeeze %dma_start3A_1956 : memref<1x32x128xf32, #tpu.memory_space<vmem>> -> memref<32x128xf32, #tpu.memory_space<vmem>>
      %dma_start3A_1958 = tpu.memref_slice %arg5[%select_n3A_1934, %mul3A_1952] : memref<200x128xi32, #tpu.memory_space<vmem>> -> memref<1x32xi32, #tpu.memory_space<vmem>>
      %dma_start3A_1959 = tpu.memref_squeeze %dma_start3A_1958 : memref<1x32xi32, #tpu.memory_space<vmem>> -> memref<32xi32, #tpu.memory_space<vmem>>
      %dma_start3A_1960 = arith.constant 0 : i32
      %dma_start3A_1961 = arith.constant 0 : i32
      %dma_start3A_1962 = tpu.memref_slice %arg7[%dma_start3A_1960, %dma_start3A_1961] : memref<8192x128xf32, #tpu.memory_space<vmem_shared>> -> memref<8192x128xf32, #tpu.memory_space<vmem_shared>>
      tpu.enqueue_indirect_dma source(%dma_start3A_1962 : memref<8192x128xf32, #tpu.memory_space<vmem_shared>>) target(%dma_start3A_1957 : memref<32x128xf32, #tpu.memory_space<vmem>>) offsets(%dma_start3A_1959 : memref<32xi32, #tpu.memory_space<vmem>>) semaphore(%arg8 : memref<!tpu.dma_semaphore, #tpu.memory_space<semaphore_mem>>)
    }
    %scan3A_439 = arith.constant 98 : i32
    %dma_wait3A_440 = arith.constant 198 : i32
    %dma_wait3A_441 = arith.constant 0 : i32
    %dma_wait3A_442 = arith.constant 0 : i32
    %dma_wait3A_443 = arith.constant 0 : i32
    %dma_wait3A_444 = tpu.memref_slice %arg6[%dma_wait3A_441, %dma_wait3A_442, %dma_wait3A_443] : memref<8x32x128xf32, #tpu.memory_space<vmem>> -> memref<1x32x128xf32, #tpu.memory_space<vmem>>
    %dma_wait3A_445 = tpu.memref_squeeze %dma_wait3A_444 : memref<1x32x128xf32, #tpu.memory_space<vmem>> -> memref<32x128xf32, #tpu.memory_space<vmem>>
    %dma_wait3A_446 = arith.constant 0 : i32
    %dma_wait3A_447 = tpu.memref_slice %arg5[%dma_wait3A_440, %dma_wait3A_446] : memref<200x128xi32, #tpu.memory_space<vmem>> -> memref<1x32xi32, #tpu.memory_space<vmem>>
    %dma_wait3A_448 = tpu.memref_squeeze %dma_wait3A_447 : memref<1x32xi32, #tpu.memory_space<vmem>> -> memref<32xi32, #tpu.memory_space<vmem>>
    %dma_wait3A_449 = arith.constant 0 : i32
    %dma_wait3A_450 = arith.constant 0 : i32
    %dma_wait3A_451 = tpu.memref_slice %arg7[%dma_wait3A_449, %dma_wait3A_450] : memref<8192x128xf32, #tpu.memory_space<vmem_shared>> -> memref<8192x128xf32, #tpu.memory_space<vmem_shared>>
    tpu.wait_indirect_dma semaphore(%arg8 : memref<!tpu.dma_semaphore, #tpu.memory_space<semaphore_mem>>) src(%dma_wait3A_451 : memref<8192x128xf32, #tpu.memory_space<vmem_shared>>) dst(%dma_wait3A_445 : memref<32x128xf32, #tpu.memory_space<vmem>>)
    %add3A_452 = arith.constant 25344 : i32
    %add3A_453 = arith.addi %mul3A_4, %add3A_452 : i32
    %dma_start3A_454 = arith.constant 0 : i32
    %dma_start3A_455 = arith.constant 0 : i32
    %dma_start3A_456 = arith.constant 0 : i32
    %dma_start3A_457 = tpu.memref_slice %arg6[%dma_start3A_454, %dma_start3A_455, %dma_start3A_456] : memref<8x32x128xf32, #tpu.memory_space<vmem>> -> memref<1x32x128xf32, #tpu.memory_space<vmem>>
    %dma_start3A_458 = tpu.memref_squeeze %dma_start3A_457 : memref<1x32x128xf32, #tpu.memory_space<vmem>> -> memref<32x128xf32, #tpu.memory_space<vmem>>
    %dma_start3A_459 = arith.constant 0 : i32
    %dma_start3A_460 = tpu.memref_slice %arg4[%add3A_453, %dma_start3A_459] : memref<819200x128xf32, #tpu.memory_space<hbm>> -> memref<32x128xf32, #tpu.memory_space<hbm>>
    %dma_start3A_461 = arith.constant 0 : i32
    %dma_start3A_462 = tpu.memref_slice %arg4[%add3A_453, %dma_start3A_461] : memref<819200x128xf32, #tpu.memory_space<hbm>> -> memref<32x128xf32, #tpu.memory_space<hbm>>
    %dma_start3A_463 = arith.constant 0 : i32
    %dma_start3A_464 = arith.constant 0 : i32
    %dma_start3A_465 = tpu.memref_slice %arg6[%dma_start3A_454, %dma_start3A_463, %dma_start3A_464] : memref<8x32x128xf32, #tpu.memory_space<vmem>> -> memref<1x32x128xf32, #tpu.memory_space<vmem>>
    %dma_start3A_466 = tpu.memref_squeeze %dma_start3A_465 : memref<1x32x128xf32, #tpu.memory_space<vmem>> -> memref<32x128xf32, #tpu.memory_space<vmem>>
    tpu.enqueue_dma source(%dma_start3A_466 : memref<32x128xf32, #tpu.memory_space<vmem>>) target(%dma_start3A_462 : memref<32x128xf32, #tpu.memory_space<hbm>>) target_semaphore(%arg9 : memref<!tpu.dma_semaphore, #tpu.memory_space<semaphore_mem>>)
    %dma_wait3A_467 = arith.constant 0 : i32
    %dma_wait3A_468 = arith.constant 0 : i32
    %dma_wait3A_469 = arith.constant 0 : i32
    %dma_wait3A_470 = tpu.memref_slice %arg6[%dma_wait3A_467, %dma_wait3A_468, %dma_wait3A_469] : memref<8x32x128xf32, #tpu.memory_space<vmem>> -> memref<1x32x128xf32, #tpu.memory_space<vmem>>
    %dma_wait3A_471 = tpu.memref_squeeze %dma_wait3A_470 : memref<1x32x128xf32, #tpu.memory_space<vmem>> -> memref<32x128xf32, #tpu.memory_space<vmem>>
    %dma_wait3A_472 = arith.constant 0 : i32
    %dma_wait3A_473 = tpu.memref_slice %arg4[%mul3A_4, %dma_wait3A_472] : memref<819200x128xf32, #tpu.memory_space<hbm>> -> memref<32x128xf32, #tpu.memory_space<hbm>>
    %dma_wait3A_474 = arith.constant 0 : i32
    %dma_wait3A_475 = tpu.memref_slice %arg4[%mul3A_4, %dma_wait3A_474] : memref<819200x128xf32, #tpu.memory_space<hbm>> -> memref<32x128xf32, #tpu.memory_space<hbm>>
    %dma_wait3A_476 = arith.constant 0 : i32
    %dma_wait3A_477 = arith.constant 0 : i32
    %dma_wait3A_478 = tpu.memref_slice %arg6[%dma_wait3A_467, %dma_wait3A_476, %dma_wait3A_477] : memref<8x32x128xf32, #tpu.memory_space<vmem>> -> memref<1x32x128xf32, #tpu.memory_space<vmem>>
    %dma_wait3A_479 = tpu.memref_squeeze %dma_wait3A_478 : memref<1x32x128xf32, #tpu.memory_space<vmem>> -> memref<32x128xf32, #tpu.memory_space<vmem>>
    tpu.wait_dma2 semaphore(%arg9 : memref<!tpu.dma_semaphore, #tpu.memory_space<semaphore_mem>>) src(%dma_wait3A_479 : memref<32x128xf32, #tpu.memory_space<vmem>>) dst(%dma_wait3A_475 : memref<32x128xf32, #tpu.memory_space<hbm>>)
    %dma_start3A_480 = arith.constant 199 : i32
    %dma_start3A_481 = arith.constant 4 : i32
    %dma_start3A_482 = arith.constant 0 : i32
    %dma_start3A_483 = arith.constant 0 : i32
    %dma_start3A_484 = tpu.memref_slice %arg6[%dma_start3A_481, %dma_start3A_482, %dma_start3A_483] : memref<8x32x128xf32, #tpu.memory_space<vmem>> -> memref<1x32x128xf32, #tpu.memory_space<vmem>>
    %dma_start3A_485 = tpu.memref_squeeze %dma_start3A_484 : memref<1x32x128xf32, #tpu.memory_space<vmem>> -> memref<32x128xf32, #tpu.memory_space<vmem>>
    %dma_start3A_486 = arith.constant 0 : i32
    %dma_start3A_487 = tpu.memref_slice %arg5[%dma_start3A_480, %dma_start3A_486] : memref<200x128xi32, #tpu.memory_space<vmem>> -> memref<1x32xi32, #tpu.memory_space<vmem>>
    %dma_start3A_488 = tpu.memref_squeeze %dma_start3A_487 : memref<1x32xi32, #tpu.memory_space<vmem>> -> memref<32xi32, #tpu.memory_space<vmem>>
    %dma_start3A_489 = arith.constant 0 : i32
    %dma_start3A_490 = arith.constant 0 : i32
    %dma_start3A_491 = tpu.memref_slice %arg7[%dma_start3A_489, %dma_start3A_490] : memref<8192x128xf32, #tpu.memory_space<vmem_shared>> -> memref<8192x128xf32, #tpu.memory_space<vmem_shared>>
    tpu.enqueue_indirect_dma source(%dma_start3A_491 : memref<8192x128xf32, #tpu.memory_space<vmem_shared>>) target(%dma_start3A_485 : memref<32x128xf32, #tpu.memory_space<vmem>>) offsets(%dma_start3A_488 : memref<32xi32, #tpu.memory_space<vmem>>) semaphore(%arg8 : memref<!tpu.dma_semaphore, #tpu.memory_space<semaphore_mem>>)
    %dma_wait3A_492 = arith.constant 198 : i32
    %dma_wait3A_493 = arith.constant 1 : i32
    %dma_wait3A_494 = arith.constant 0 : i32
    %dma_wait3A_495 = arith.constant 0 : i32
    %dma_wait3A_496 = tpu.memref_slice %arg6[%dma_wait3A_493, %dma_wait3A_494, %dma_wait3A_495] : memref<8x32x128xf32, #tpu.memory_space<vmem>> -> memref<1x32x128xf32, #tpu.memory_space<vmem>>
    %dma_wait3A_497 = tpu.memref_squeeze %dma_wait3A_496 : memref<1x32x128xf32, #tpu.memory_space<vmem>> -> memref<32x128xf32, #tpu.memory_space<vmem>>
    %dma_wait3A_498 = arith.constant 32 : i32
    %dma_wait3A_499 = tpu.memref_slice %arg5[%dma_wait3A_492, %dma_wait3A_498] : memref<200x128xi32, #tpu.memory_space<vmem>> -> memref<1x32xi32, #tpu.memory_space<vmem>>
    %dma_wait3A_500 = tpu.memref_squeeze %dma_wait3A_499 : memref<1x32xi32, #tpu.memory_space<vmem>> -> memref<32xi32, #tpu.memory_space<vmem>>
    %dma_wait3A_501 = arith.constant 0 : i32
    %dma_wait3A_502 = arith.constant 0 : i32
    %dma_wait3A_503 = tpu.memref_slice %arg7[%dma_wait3A_501, %dma_wait3A_502] : memref<8192x128xf32, #tpu.memory_space<vmem_shared>> -> memref<8192x128xf32, #tpu.memory_space<vmem_shared>>
    tpu.wait_indirect_dma semaphore(%arg8 : memref<!tpu.dma_semaphore, #tpu.memory_space<semaphore_mem>>) src(%dma_wait3A_503 : memref<8192x128xf32, #tpu.memory_space<vmem_shared>>) dst(%dma_wait3A_497 : memref<32x128xf32, #tpu.memory_space<vmem>>)
    %add3A_504 = arith.constant 25376 : i32
    %add3A_505 = arith.addi %mul3A_4, %add3A_504 : i32
    %dma_start3A_506 = arith.constant 1 : i32
    %dma_start3A_507 = arith.constant 0 : i32
    %dma_start3A_508 = arith.constant 0 : i32
    %dma_start3A_509 = tpu.memref_slice %arg6[%dma_start3A_506, %dma_start3A_507, %dma_start3A_508] : memref<8x32x128xf32, #tpu.memory_space<vmem>> -> memref<1x32x128xf32, #tpu.memory_space<vmem>>
    %dma_start3A_510 = tpu.memref_squeeze %dma_start3A_509 : memref<1x32x128xf32, #tpu.memory_space<vmem>> -> memref<32x128xf32, #tpu.memory_space<vmem>>
    %dma_start3A_511 = arith.constant 0 : i32
    %dma_start3A_512 = tpu.memref_slice %arg4[%add3A_505, %dma_start3A_511] : memref<819200x128xf32, #tpu.memory_space<hbm>> -> memref<32x128xf32, #tpu.memory_space<hbm>>
    %dma_start3A_513 = arith.constant 0 : i32
    %dma_start3A_514 = tpu.memref_slice %arg4[%add3A_505, %dma_start3A_513] : memref<819200x128xf32, #tpu.memory_space<hbm>> -> memref<32x128xf32, #tpu.memory_space<hbm>>
    %dma_start3A_515 = arith.constant 0 : i32
    %dma_start3A_516 = arith.constant 0 : i32
    %dma_start3A_517 = tpu.memref_slice %arg6[%dma_start3A_506, %dma_start3A_515, %dma_start3A_516] : memref<8x32x128xf32, #tpu.memory_space<vmem>> -> memref<1x32x128xf32, #tpu.memory_space<vmem>>
    %dma_start3A_518 = tpu.memref_squeeze %dma_start3A_517 : memref<1x32x128xf32, #tpu.memory_space<vmem>> -> memref<32x128xf32, #tpu.memory_space<vmem>>
    tpu.enqueue_dma source(%dma_start3A_518 : memref<32x128xf32, #tpu.memory_space<vmem>>) target(%dma_start3A_514 : memref<32x128xf32, #tpu.memory_space<hbm>>) target_semaphore(%arg9 : memref<!tpu.dma_semaphore, #tpu.memory_space<semaphore_mem>>)
    %dma_wait3A_519 = arith.constant 0 : i32
    %dma_wait3A_520 = arith.constant 0 : i32
    %dma_wait3A_521 = arith.constant 0 : i32
    %dma_wait3A_522 = tpu.memref_slice %arg6[%dma_wait3A_519, %dma_wait3A_520, %dma_wait3A_521] : memref<8x32x128xf32, #tpu.memory_space<vmem>> -> memref<1x32x128xf32, #tpu.memory_space<vmem>>
    %dma_wait3A_523 = tpu.memref_squeeze %dma_wait3A_522 : memref<1x32x128xf32, #tpu.memory_space<vmem>> -> memref<32x128xf32, #tpu.memory_space<vmem>>
    %dma_wait3A_524 = arith.constant 0 : i32
    %dma_wait3A_525 = tpu.memref_slice %arg4[%mul3A_4, %dma_wait3A_524] : memref<819200x128xf32, #tpu.memory_space<hbm>> -> memref<32x128xf32, #tpu.memory_space<hbm>>
    %dma_wait3A_526 = arith.constant 0 : i32
    %dma_wait3A_527 = tpu.memref_slice %arg4[%mul3A_4, %dma_wait3A_526] : memref<819200x128xf32, #tpu.memory_space<hbm>> -> memref<32x128xf32, #tpu.memory_space<hbm>>
    %dma_wait3A_528 = arith.constant 0 : i32
    %dma_wait3A_529 = arith.constant 0 : i32
    %dma_wait3A_530 = tpu.memref_slice %arg6[%dma_wait3A_519, %dma_wait3A_528, %dma_wait3A_529] : memref<8x32x128xf32, #tpu.memory_space<vmem>> -> memref<1x32x128xf32, #tpu.memory_space<vmem>>
    %dma_wait3A_531 = tpu.memref_squeeze %dma_wait3A_530 : memref<1x32x128xf32, #tpu.memory_space<vmem>> -> memref<32x128xf32, #tpu.memory_space<vmem>>
    tpu.wait_dma2 semaphore(%arg9 : memref<!tpu.dma_semaphore, #tpu.memory_space<semaphore_mem>>) src(%dma_wait3A_531 : memref<32x128xf32, #tpu.memory_space<vmem>>) dst(%dma_wait3A_527 : memref<32x128xf32, #tpu.memory_space<hbm>>)
    %dma_start3A_532 = arith.constant 199 : i32
    %dma_start3A_533 = arith.constant 5 : i32
    %dma_start3A_534 = arith.constant 0 : i32
    %dma_start3A_535 = arith.constant 0 : i32
    %dma_start3A_536 = tpu.memref_slice %arg6[%dma_start3A_533, %dma_start3A_534, %dma_start3A_535] : memref<8x32x128xf32, #tpu.memory_space<vmem>> -> memref<1x32x128xf32, #tpu.memory_space<vmem>>
    %dma_start3A_537 = tpu.memref_squeeze %dma_start3A_536 : memref<1x32x128xf32, #tpu.memory_space<vmem>> -> memref<32x128xf32, #tpu.memory_space<vmem>>
    %dma_start3A_538 = arith.constant 32 : i32
    %dma_start3A_539 = tpu.memref_slice %arg5[%dma_start3A_532, %dma_start3A_538] : memref<200x128xi32, #tpu.memory_space<vmem>> -> memref<1x32xi32, #tpu.memory_space<vmem>>
    %dma_start3A_540 = tpu.memref_squeeze %dma_start3A_539 : memref<1x32xi32, #tpu.memory_space<vmem>> -> memref<32xi32, #tpu.memory_space<vmem>>
    %dma_start3A_541 = arith.constant 0 : i32
    %dma_start3A_542 = arith.constant 0 : i32
    %dma_start3A_543 = tpu.memref_slice %arg7[%dma_start3A_541, %dma_start3A_542] : memref<8192x128xf32, #tpu.memory_space<vmem_shared>> -> memref<8192x128xf32, #tpu.memory_space<vmem_shared>>
    tpu.enqueue_indirect_dma source(%dma_start3A_543 : memref<8192x128xf32, #tpu.memory_space<vmem_shared>>) target(%dma_start3A_537 : memref<32x128xf32, #tpu.memory_space<vmem>>) offsets(%dma_start3A_540 : memref<32xi32, #tpu.memory_space<vmem>>) semaphore(%arg8 : memref<!tpu.dma_semaphore, #tpu.memory_space<semaphore_mem>>)
    %dma_wait3A_544 = arith.constant 198 : i32
    %dma_wait3A_545 = arith.constant 2 : i32
    %dma_wait3A_546 = arith.constant 0 : i32
    %dma_wait3A_547 = arith.constant 0 : i32
    %dma_wait3A_548 = tpu.memref_slice %arg6[%dma_wait3A_545, %dma_wait3A_546, %dma_wait3A_547] : memref<8x32x128xf32, #tpu.memory_space<vmem>> -> memref<1x32x128xf32, #tpu.memory_space<vmem>>
    %dma_wait3A_549 = tpu.memref_squeeze %dma_wait3A_548 : memref<1x32x128xf32, #tpu.memory_space<vmem>> -> memref<32x128xf32, #tpu.memory_space<vmem>>
    %dma_wait3A_550 = arith.constant 64 : i32
    %dma_wait3A_551 = tpu.memref_slice %arg5[%dma_wait3A_544, %dma_wait3A_550] : memref<200x128xi32, #tpu.memory_space<vmem>> -> memref<1x32xi32, #tpu.memory_space<vmem>>
    %dma_wait3A_552 = tpu.memref_squeeze %dma_wait3A_551 : memref<1x32xi32, #tpu.memory_space<vmem>> -> memref<32xi32, #tpu.memory_space<vmem>>
    %dma_wait3A_553 = arith.constant 0 : i32
    %dma_wait3A_554 = arith.constant 0 : i32
    %dma_wait3A_555 = tpu.memref_slice %arg7[%dma_wait3A_553, %dma_wait3A_554] : memref<8192x128xf32, #tpu.memory_space<vmem_shared>> -> memref<8192x128xf32, #tpu.memory_space<vmem_shared>>
    tpu.wait_indirect_dma semaphore(%arg8 : memref<!tpu.dma_semaphore, #tpu.memory_space<semaphore_mem>>) src(%dma_wait3A_555 : memref<8192x128xf32, #tpu.memory_space<vmem_shared>>) dst(%dma_wait3A_549 : memref<32x128xf32, #tpu.memory_space<vmem>>)
    %add3A_556 = arith.constant 25408 : i32
    %add3A_557 = arith.addi %mul3A_4, %add3A_556 : i32
    %dma_start3A_558 = arith.constant 2 : i32
    %dma_start3A_559 = arith.constant 0 : i32
    %dma_start3A_560 = arith.constant 0 : i32
    %dma_start3A_561 = tpu.memref_slice %arg6[%dma_start3A_558, %dma_start3A_559, %dma_start3A_560] : memref<8x32x128xf32, #tpu.memory_space<vmem>> -> memref<1x32x128xf32, #tpu.memory_space<vmem>>
    %dma_start3A_562 = tpu.memref_squeeze %dma_start3A_561 : memref<1x32x128xf32, #tpu.memory_space<vmem>> -> memref<32x128xf32, #tpu.memory_space<vmem>>
    %dma_start3A_563 = arith.constant 0 : i32
    %dma_start3A_564 = tpu.memref_slice %arg4[%add3A_557, %dma_start3A_563] : memref<819200x128xf32, #tpu.memory_space<hbm>> -> memref<32x128xf32, #tpu.memory_space<hbm>>
    %dma_start3A_565 = arith.constant 0 : i32
    %dma_start3A_566 = tpu.memref_slice %arg4[%add3A_557, %dma_start3A_565] : memref<819200x128xf32, #tpu.memory_space<hbm>> -> memref<32x128xf32, #tpu.memory_space<hbm>>
    %dma_start3A_567 = arith.constant 0 : i32
    %dma_start3A_568 = arith.constant 0 : i32
    %dma_start3A_569 = tpu.memref_slice %arg6[%dma_start3A_558, %dma_start3A_567, %dma_start3A_568] : memref<8x32x128xf32, #tpu.memory_space<vmem>> -> memref<1x32x128xf32, #tpu.memory_space<vmem>>
    %dma_start3A_570 = tpu.memref_squeeze %dma_start3A_569 : memref<1x32x128xf32, #tpu.memory_space<vmem>> -> memref<32x128xf32, #tpu.memory_space<vmem>>
    tpu.enqueue_dma source(%dma_start3A_570 : memref<32x128xf32, #tpu.memory_space<vmem>>) target(%dma_start3A_566 : memref<32x128xf32, #tpu.memory_space<hbm>>) target_semaphore(%arg9 : memref<!tpu.dma_semaphore, #tpu.memory_space<semaphore_mem>>)
    %dma_wait3A_571 = arith.constant 0 : i32
    %dma_wait3A_572 = arith.constant 0 : i32
    %dma_wait3A_573 = arith.constant 0 : i32
    %dma_wait3A_574 = tpu.memref_slice %arg6[%dma_wait3A_571, %dma_wait3A_572, %dma_wait3A_573] : memref<8x32x128xf32, #tpu.memory_space<vmem>> -> memref<1x32x128xf32, #tpu.memory_space<vmem>>
    %dma_wait3A_575 = tpu.memref_squeeze %dma_wait3A_574 : memref<1x32x128xf32, #tpu.memory_space<vmem>> -> memref<32x128xf32, #tpu.memory_space<vmem>>
    %dma_wait3A_576 = arith.constant 0 : i32
    %dma_wait3A_577 = tpu.memref_slice %arg4[%mul3A_4, %dma_wait3A_576] : memref<819200x128xf32, #tpu.memory_space<hbm>> -> memref<32x128xf32, #tpu.memory_space<hbm>>
    %dma_wait3A_578 = arith.constant 0 : i32
    %dma_wait3A_579 = tpu.memref_slice %arg4[%mul3A_4, %dma_wait3A_578] : memref<819200x128xf32, #tpu.memory_space<hbm>> -> memref<32x128xf32, #tpu.memory_space<hbm>>
    %dma_wait3A_580 = arith.constant 0 : i32
    %dma_wait3A_581 = arith.constant 0 : i32
    %dma_wait3A_582 = tpu.memref_slice %arg6[%dma_wait3A_571, %dma_wait3A_580, %dma_wait3A_581] : memref<8x32x128xf32, #tpu.memory_space<vmem>> -> memref<1x32x128xf32, #tpu.memory_space<vmem>>
    %dma_wait3A_583 = tpu.memref_squeeze %dma_wait3A_582 : memref<1x32x128xf32, #tpu.memory_space<vmem>> -> memref<32x128xf32, #tpu.memory_space<vmem>>
    tpu.wait_dma2 semaphore(%arg9 : memref<!tpu.dma_semaphore, #tpu.memory_space<semaphore_mem>>) src(%dma_wait3A_583 : memref<32x128xf32, #tpu.memory_space<vmem>>) dst(%dma_wait3A_579 : memref<32x128xf32, #tpu.memory_space<hbm>>)
    %dma_start3A_584 = arith.constant 199 : i32
    %dma_start3A_585 = arith.constant 6 : i32
    %dma_start3A_586 = arith.constant 0 : i32
    %dma_start3A_587 = arith.constant 0 : i32
    %dma_start3A_588 = tpu.memref_slice %arg6[%dma_start3A_585, %dma_start3A_586, %dma_start3A_587] : memref<8x32x128xf32, #tpu.memory_space<vmem>> -> memref<1x32x128xf32, #tpu.memory_space<vmem>>
    %dma_start3A_589 = tpu.memref_squeeze %dma_start3A_588 : memref<1x32x128xf32, #tpu.memory_space<vmem>> -> memref<32x128xf32, #tpu.memory_space<vmem>>
    %dma_start3A_590 = arith.constant 64 : i32
    %dma_start3A_591 = tpu.memref_slice %arg5[%dma_start3A_584, %dma_start3A_590] : memref<200x128xi32, #tpu.memory_space<vmem>> -> memref<1x32xi32, #tpu.memory_space<vmem>>
    %dma_start3A_592 = tpu.memref_squeeze %dma_start3A_591 : memref<1x32xi32, #tpu.memory_space<vmem>> -> memref<32xi32, #tpu.memory_space<vmem>>
    %dma_start3A_593 = arith.constant 0 : i32
    %dma_start3A_594 = arith.constant 0 : i32
    %dma_start3A_595 = tpu.memref_slice %arg7[%dma_start3A_593, %dma_start3A_594] : memref<8192x128xf32, #tpu.memory_space<vmem_shared>> -> memref<8192x128xf32, #tpu.memory_space<vmem_shared>>
    tpu.enqueue_indirect_dma source(%dma_start3A_595 : memref<8192x128xf32, #tpu.memory_space<vmem_shared>>) target(%dma_start3A_589 : memref<32x128xf32, #tpu.memory_space<vmem>>) offsets(%dma_start3A_592 : memref<32xi32, #tpu.memory_space<vmem>>) semaphore(%arg8 : memref<!tpu.dma_semaphore, #tpu.memory_space<semaphore_mem>>)
    %dma_wait3A_596 = arith.constant 198 : i32
    %dma_wait3A_597 = arith.constant 3 : i32
    %dma_wait3A_598 = arith.constant 0 : i32
    %dma_wait3A_599 = arith.constant 0 : i32
    %dma_wait3A_600 = tpu.memref_slice %arg6[%dma_wait3A_597, %dma_wait3A_598, %dma_wait3A_599] : memref<8x32x128xf32, #tpu.memory_space<vmem>> -> memref<1x32x128xf32, #tpu.memory_space<vmem>>
    %dma_wait3A_601 = tpu.memref_squeeze %dma_wait3A_600 : memref<1x32x128xf32, #tpu.memory_space<vmem>> -> memref<32x128xf32, #tpu.memory_space<vmem>>
    %dma_wait3A_602 = arith.constant 96 : i32
    %dma_wait3A_603 = tpu.memref_slice %arg5[%dma_wait3A_596, %dma_wait3A_602] : memref<200x128xi32, #tpu.memory_space<vmem>> -> memref<1x32xi32, #tpu.memory_space<vmem>>
    %dma_wait3A_604 = tpu.memref_squeeze %dma_wait3A_603 : memref<1x32xi32, #tpu.memory_space<vmem>> -> memref<32xi32, #tpu.memory_space<vmem>>
    %dma_wait3A_605 = arith.constant 0 : i32
    %dma_wait3A_606 = arith.constant 0 : i32
    %dma_wait3A_607 = tpu.memref_slice %arg7[%dma_wait3A_605, %dma_wait3A_606] : memref<8192x128xf32, #tpu.memory_space<vmem_shared>> -> memref<8192x128xf32, #tpu.memory_space<vmem_shared>>
    tpu.wait_indirect_dma semaphore(%arg8 : memref<!tpu.dma_semaphore, #tpu.memory_space<semaphore_mem>>) src(%dma_wait3A_607 : memref<8192x128xf32, #tpu.memory_space<vmem_shared>>) dst(%dma_wait3A_601 : memref<32x128xf32, #tpu.memory_space<vmem>>)
    %add3A_608 = arith.constant 25440 : i32
    %add3A_609 = arith.addi %mul3A_4, %add3A_608 : i32
    %dma_start3A_610 = arith.constant 3 : i32
    %dma_start3A_611 = arith.constant 0 : i32
    %dma_start3A_612 = arith.constant 0 : i32
    %dma_start3A_613 = tpu.memref_slice %arg6[%dma_start3A_610, %dma_start3A_611, %dma_start3A_612] : memref<8x32x128xf32, #tpu.memory_space<vmem>> -> memref<1x32x128xf32, #tpu.memory_space<vmem>>
    %dma_start3A_614 = tpu.memref_squeeze %dma_start3A_613 : memref<1x32x128xf32, #tpu.memory_space<vmem>> -> memref<32x128xf32, #tpu.memory_space<vmem>>
    %dma_start3A_615 = arith.constant 0 : i32
    %dma_start3A_616 = tpu.memref_slice %arg4[%add3A_609, %dma_start3A_615] : memref<819200x128xf32, #tpu.memory_space<hbm>> -> memref<32x128xf32, #tpu.memory_space<hbm>>
    %dma_start3A_617 = arith.constant 0 : i32
    %dma_start3A_618 = tpu.memref_slice %arg4[%add3A_609, %dma_start3A_617] : memref<819200x128xf32, #tpu.memory_space<hbm>> -> memref<32x128xf32, #tpu.memory_space<hbm>>
    %dma_start3A_619 = arith.constant 0 : i32
    %dma_start3A_620 = arith.constant 0 : i32
    %dma_start3A_621 = tpu.memref_slice %arg6[%dma_start3A_610, %dma_start3A_619, %dma_start3A_620] : memref<8x32x128xf32, #tpu.memory_space<vmem>> -> memref<1x32x128xf32, #tpu.memory_space<vmem>>
    %dma_start3A_622 = tpu.memref_squeeze %dma_start3A_621 : memref<1x32x128xf32, #tpu.memory_space<vmem>> -> memref<32x128xf32, #tpu.memory_space<vmem>>
    tpu.enqueue_dma source(%dma_start3A_622 : memref<32x128xf32, #tpu.memory_space<vmem>>) target(%dma_start3A_618 : memref<32x128xf32, #tpu.memory_space<hbm>>) target_semaphore(%arg9 : memref<!tpu.dma_semaphore, #tpu.memory_space<semaphore_mem>>)
    %dma_wait3A_623 = arith.constant 0 : i32
    %dma_wait3A_624 = arith.constant 0 : i32
    %dma_wait3A_625 = arith.constant 0 : i32
    %dma_wait3A_626 = tpu.memref_slice %arg6[%dma_wait3A_623, %dma_wait3A_624, %dma_wait3A_625] : memref<8x32x128xf32, #tpu.memory_space<vmem>> -> memref<1x32x128xf32, #tpu.memory_space<vmem>>
    %dma_wait3A_627 = tpu.memref_squeeze %dma_wait3A_626 : memref<1x32x128xf32, #tpu.memory_space<vmem>> -> memref<32x128xf32, #tpu.memory_space<vmem>>
    %dma_wait3A_628 = arith.constant 0 : i32
    %dma_wait3A_629 = tpu.memref_slice %arg4[%mul3A_4, %dma_wait3A_628] : memref<819200x128xf32, #tpu.memory_space<hbm>> -> memref<32x128xf32, #tpu.memory_space<hbm>>
    %dma_wait3A_630 = arith.constant 0 : i32
    %dma_wait3A_631 = tpu.memref_slice %arg4[%mul3A_4, %dma_wait3A_630] : memref<819200x128xf32, #tpu.memory_space<hbm>> -> memref<32x128xf32, #tpu.memory_space<hbm>>
    %dma_wait3A_632 = arith.constant 0 : i32
    %dma_wait3A_633 = arith.constant 0 : i32
    %dma_wait3A_634 = tpu.memref_slice %arg6[%dma_wait3A_623, %dma_wait3A_632, %dma_wait3A_633] : memref<8x32x128xf32, #tpu.memory_space<vmem>> -> memref<1x32x128xf32, #tpu.memory_space<vmem>>
    %dma_wait3A_635 = tpu.memref_squeeze %dma_wait3A_634 : memref<1x32x128xf32, #tpu.memory_space<vmem>> -> memref<32x128xf32, #tpu.memory_space<vmem>>
    tpu.wait_dma2 semaphore(%arg9 : memref<!tpu.dma_semaphore, #tpu.memory_space<semaphore_mem>>) src(%dma_wait3A_635 : memref<32x128xf32, #tpu.memory_space<vmem>>) dst(%dma_wait3A_631 : memref<32x128xf32, #tpu.memory_space<hbm>>)
    %dma_start3A_636 = arith.constant 199 : i32
    %dma_start3A_637 = arith.constant 7 : i32
    %dma_start3A_638 = arith.constant 0 : i32
    %dma_start3A_639 = arith.constant 0 : i32
    %dma_start3A_640 = tpu.memref_slice %arg6[%dma_start3A_637, %dma_start3A_638, %dma_start3A_639] : memref<8x32x128xf32, #tpu.memory_space<vmem>> -> memref<1x32x128xf32, #tpu.memory_space<vmem>>
    %dma_start3A_641 = tpu.memref_squeeze %dma_start3A_640 : memref<1x32x128xf32, #tpu.memory_space<vmem>> -> memref<32x128xf32, #tpu.memory_space<vmem>>
    %dma_start3A_642 = arith.constant 96 : i32
    %dma_start3A_643 = tpu.memref_slice %arg5[%dma_start3A_636, %dma_start3A_642] : memref<200x128xi32, #tpu.memory_space<vmem>> -> memref<1x32xi32, #tpu.memory_space<vmem>>
    %dma_start3A_644 = tpu.memref_squeeze %dma_start3A_643 : memref<1x32xi32, #tpu.memory_space<vmem>> -> memref<32xi32, #tpu.memory_space<vmem>>
    %dma_start3A_645 = arith.constant 0 : i32
    %dma_start3A_646 = arith.constant 0 : i32
    %dma_start3A_647 = tpu.memref_slice %arg7[%dma_start3A_645, %dma_start3A_646] : memref<8192x128xf32, #tpu.memory_space<vmem_shared>> -> memref<8192x128xf32, #tpu.memory_space<vmem_shared>>
    tpu.enqueue_indirect_dma source(%dma_start3A_647 : memref<8192x128xf32, #tpu.memory_space<vmem_shared>>) target(%dma_start3A_641 : memref<32x128xf32, #tpu.memory_space<vmem>>) offsets(%dma_start3A_644 : memref<32xi32, #tpu.memory_space<vmem>>) semaphore(%arg8 : memref<!tpu.dma_semaphore, #tpu.memory_space<semaphore_mem>>)
    %dma_wait3A_648 = arith.constant 199 : i32
    %dma_wait3A_649 = arith.constant 4 : i32
    %dma_wait3A_650 = arith.constant 0 : i32
    %dma_wait3A_651 = arith.constant 0 : i32
    %dma_wait3A_652 = tpu.memref_slice %arg6[%dma_wait3A_649, %dma_wait3A_650, %dma_wait3A_651] : memref<8x32x128xf32, #tpu.memory_space<vmem>> -> memref<1x32x128xf32, #tpu.memory_space<vmem>>
    %dma_wait3A_653 = tpu.memref_squeeze %dma_wait3A_652 : memref<1x32x128xf32, #tpu.memory_space<vmem>> -> memref<32x128xf32, #tpu.memory_space<vmem>>
    %dma_wait3A_654 = arith.constant 0 : i32
    %dma_wait3A_655 = tpu.memref_slice %arg5[%dma_wait3A_648, %dma_wait3A_654] : memref<200x128xi32, #tpu.memory_space<vmem>> -> memref<1x32xi32, #tpu.memory_space<vmem>>
    %dma_wait3A_656 = tpu.memref_squeeze %dma_wait3A_655 : memref<1x32xi32, #tpu.memory_space<vmem>> -> memref<32xi32, #tpu.memory_space<vmem>>
    %dma_wait3A_657 = arith.constant 0 : i32
    %dma_wait3A_658 = arith.constant 0 : i32
    %dma_wait3A_659 = tpu.memref_slice %arg7[%dma_wait3A_657, %dma_wait3A_658] : memref<8192x128xf32, #tpu.memory_space<vmem_shared>> -> memref<8192x128xf32, #tpu.memory_space<vmem_shared>>
    tpu.wait_indirect_dma semaphore(%arg8 : memref<!tpu.dma_semaphore, #tpu.memory_space<semaphore_mem>>) src(%dma_wait3A_659 : memref<8192x128xf32, #tpu.memory_space<vmem_shared>>) dst(%dma_wait3A_653 : memref<32x128xf32, #tpu.memory_space<vmem>>)
    %add3A_660 = arith.constant 25472 : i32
    %add3A_661 = arith.addi %mul3A_4, %add3A_660 : i32
    %dma_start3A_662 = arith.constant 4 : i32
    %dma_start3A_663 = arith.constant 0 : i32
    %dma_start3A_664 = arith.constant 0 : i32
    %dma_start3A_665 = tpu.memref_slice %arg6[%dma_start3A_662, %dma_start3A_663, %dma_start3A_664] : memref<8x32x128xf32, #tpu.memory_space<vmem>> -> memref<1x32x128xf32, #tpu.memory_space<vmem>>
    %dma_start3A_666 = tpu.memref_squeeze %dma_start3A_665 : memref<1x32x128xf32, #tpu.memory_space<vmem>> -> memref<32x128xf32, #tpu.memory_space<vmem>>
    %dma_start3A_667 = arith.constant 0 : i32
    %dma_start3A_668 = tpu.memref_slice %arg4[%add3A_661, %dma_start3A_667] : memref<819200x128xf32, #tpu.memory_space<hbm>> -> memref<32x128xf32, #tpu.memory_space<hbm>>
    %dma_start3A_669 = arith.constant 0 : i32
    %dma_start3A_670 = tpu.memref_slice %arg4[%add3A_661, %dma_start3A_669] : memref<819200x128xf32, #tpu.memory_space<hbm>> -> memref<32x128xf32, #tpu.memory_space<hbm>>
    %dma_start3A_671 = arith.constant 0 : i32
    %dma_start3A_672 = arith.constant 0 : i32
    %dma_start3A_673 = tpu.memref_slice %arg6[%dma_start3A_662, %dma_start3A_671, %dma_start3A_672] : memref<8x32x128xf32, #tpu.memory_space<vmem>> -> memref<1x32x128xf32, #tpu.memory_space<vmem>>
    %dma_start3A_674 = tpu.memref_squeeze %dma_start3A_673 : memref<1x32x128xf32, #tpu.memory_space<vmem>> -> memref<32x128xf32, #tpu.memory_space<vmem>>
    tpu.enqueue_dma source(%dma_start3A_674 : memref<32x128xf32, #tpu.memory_space<vmem>>) target(%dma_start3A_670 : memref<32x128xf32, #tpu.memory_space<hbm>>) target_semaphore(%arg9 : memref<!tpu.dma_semaphore, #tpu.memory_space<semaphore_mem>>)
    %dma_wait3A_675 = arith.constant 0 : i32
    %dma_wait3A_676 = arith.constant 0 : i32
    %dma_wait3A_677 = arith.constant 0 : i32
    %dma_wait3A_678 = tpu.memref_slice %arg6[%dma_wait3A_675, %dma_wait3A_676, %dma_wait3A_677] : memref<8x32x128xf32, #tpu.memory_space<vmem>> -> memref<1x32x128xf32, #tpu.memory_space<vmem>>
    %dma_wait3A_679 = tpu.memref_squeeze %dma_wait3A_678 : memref<1x32x128xf32, #tpu.memory_space<vmem>> -> memref<32x128xf32, #tpu.memory_space<vmem>>
    %dma_wait3A_680 = arith.constant 0 : i32
    %dma_wait3A_681 = tpu.memref_slice %arg4[%mul3A_4, %dma_wait3A_680] : memref<819200x128xf32, #tpu.memory_space<hbm>> -> memref<32x128xf32, #tpu.memory_space<hbm>>
    %dma_wait3A_682 = arith.constant 0 : i32
    %dma_wait3A_683 = tpu.memref_slice %arg4[%mul3A_4, %dma_wait3A_682] : memref<819200x128xf32, #tpu.memory_space<hbm>> -> memref<32x128xf32, #tpu.memory_space<hbm>>
    %dma_wait3A_684 = arith.constant 0 : i32
    %dma_wait3A_685 = arith.constant 0 : i32
    %dma_wait3A_686 = tpu.memref_slice %arg6[%dma_wait3A_675, %dma_wait3A_684, %dma_wait3A_685] : memref<8x32x128xf32, #tpu.memory_space<vmem>> -> memref<1x32x128xf32, #tpu.memory_space<vmem>>
    %dma_wait3A_687 = tpu.memref_squeeze %dma_wait3A_686 : memref<1x32x128xf32, #tpu.memory_space<vmem>> -> memref<32x128xf32, #tpu.memory_space<vmem>>
    tpu.wait_dma2 semaphore(%arg9 : memref<!tpu.dma_semaphore, #tpu.memory_space<semaphore_mem>>) src(%dma_wait3A_687 : memref<32x128xf32, #tpu.memory_space<vmem>>) dst(%dma_wait3A_683 : memref<32x128xf32, #tpu.memory_space<hbm>>)
    %dma_wait3A_688 = arith.constant 199 : i32
    %dma_wait3A_689 = arith.constant 5 : i32
    %dma_wait3A_690 = arith.constant 0 : i32
    %dma_wait3A_691 = arith.constant 0 : i32
    %dma_wait3A_692 = tpu.memref_slice %arg6[%dma_wait3A_689, %dma_wait3A_690, %dma_wait3A_691] : memref<8x32x128xf32, #tpu.memory_space<vmem>> -> memref<1x32x128xf32, #tpu.memory_space<vmem>>
    %dma_wait3A_693 = tpu.memref_squeeze %dma_wait3A_692 : memref<1x32x128xf32, #tpu.memory_space<vmem>> -> memref<32x128xf32, #tpu.memory_space<vmem>>
    %dma_wait3A_694 = arith.constant 32 : i32
    %dma_wait3A_695 = tpu.memref_slice %arg5[%dma_wait3A_688, %dma_wait3A_694] : memref<200x128xi32, #tpu.memory_space<vmem>> -> memref<1x32xi32, #tpu.memory_space<vmem>>
    %dma_wait3A_696 = tpu.memref_squeeze %dma_wait3A_695 : memref<1x32xi32, #tpu.memory_space<vmem>> -> memref<32xi32, #tpu.memory_space<vmem>>
    %dma_wait3A_697 = arith.constant 0 : i32
    %dma_wait3A_698 = arith.constant 0 : i32
    %dma_wait3A_699 = tpu.memref_slice %arg7[%dma_wait3A_697, %dma_wait3A_698] : memref<8192x128xf32, #tpu.memory_space<vmem_shared>> -> memref<8192x128xf32, #tpu.memory_space<vmem_shared>>
    tpu.wait_indirect_dma semaphore(%arg8 : memref<!tpu.dma_semaphore, #tpu.memory_space<semaphore_mem>>) src(%dma_wait3A_699 : memref<8192x128xf32, #tpu.memory_space<vmem_shared>>) dst(%dma_wait3A_693 : memref<32x128xf32, #tpu.memory_space<vmem>>)
    %add3A_700 = arith.constant 25504 : i32
    %add3A_701 = arith.addi %mul3A_4, %add3A_700 : i32
    %dma_start3A_702 = arith.constant 5 : i32
    %dma_start3A_703 = arith.constant 0 : i32
    %dma_start3A_704 = arith.constant 0 : i32
    %dma_start3A_705 = tpu.memref_slice %arg6[%dma_start3A_702, %dma_start3A_703, %dma_start3A_704] : memref<8x32x128xf32, #tpu.memory_space<vmem>> -> memref<1x32x128xf32, #tpu.memory_space<vmem>>
    %dma_start3A_706 = tpu.memref_squeeze %dma_start3A_705 : memref<1x32x128xf32, #tpu.memory_space<vmem>> -> memref<32x128xf32, #tpu.memory_space<vmem>>
    %dma_start3A_707 = arith.constant 0 : i32
    %dma_start3A_708 = tpu.memref_slice %arg4[%add3A_701, %dma_start3A_707] : memref<819200x128xf32, #tpu.memory_space<hbm>> -> memref<32x128xf32, #tpu.memory_space<hbm>>
    %dma_start3A_709 = arith.constant 0 : i32
    %dma_start3A_710 = tpu.memref_slice %arg4[%add3A_701, %dma_start3A_709] : memref<819200x128xf32, #tpu.memory_space<hbm>> -> memref<32x128xf32, #tpu.memory_space<hbm>>
    %dma_start3A_711 = arith.constant 0 : i32
    %dma_start3A_712 = arith.constant 0 : i32
    %dma_start3A_713 = tpu.memref_slice %arg6[%dma_start3A_702, %dma_start3A_711, %dma_start3A_712] : memref<8x32x128xf32, #tpu.memory_space<vmem>> -> memref<1x32x128xf32, #tpu.memory_space<vmem>>
    %dma_start3A_714 = tpu.memref_squeeze %dma_start3A_713 : memref<1x32x128xf32, #tpu.memory_space<vmem>> -> memref<32x128xf32, #tpu.memory_space<vmem>>
    tpu.enqueue_dma source(%dma_start3A_714 : memref<32x128xf32, #tpu.memory_space<vmem>>) target(%dma_start3A_710 : memref<32x128xf32, #tpu.memory_space<hbm>>) target_semaphore(%arg9 : memref<!tpu.dma_semaphore, #tpu.memory_space<semaphore_mem>>)
    %dma_wait3A_715 = arith.constant 0 : i32
    %dma_wait3A_716 = arith.constant 0 : i32
    %dma_wait3A_717 = arith.constant 0 : i32
    %dma_wait3A_718 = tpu.memref_slice %arg6[%dma_wait3A_715, %dma_wait3A_716, %dma_wait3A_717] : memref<8x32x128xf32, #tpu.memory_space<vmem>> -> memref<1x32x128xf32, #tpu.memory_space<vmem>>
    %dma_wait3A_719 = tpu.memref_squeeze %dma_wait3A_718 : memref<1x32x128xf32, #tpu.memory_space<vmem>> -> memref<32x128xf32, #tpu.memory_space<vmem>>
    %dma_wait3A_720 = arith.constant 0 : i32
    %dma_wait3A_721 = tpu.memref_slice %arg4[%mul3A_4, %dma_wait3A_720] : memref<819200x128xf32, #tpu.memory_space<hbm>> -> memref<32x128xf32, #tpu.memory_space<hbm>>
    %dma_wait3A_722 = arith.constant 0 : i32
    %dma_wait3A_723 = tpu.memref_slice %arg4[%mul3A_4, %dma_wait3A_722] : memref<819200x128xf32, #tpu.memory_space<hbm>> -> memref<32x128xf32, #tpu.memory_space<hbm>>
    %dma_wait3A_724 = arith.constant 0 : i32
    %dma_wait3A_725 = arith.constant 0 : i32
    %dma_wait3A_726 = tpu.memref_slice %arg6[%dma_wait3A_715, %dma_wait3A_724, %dma_wait3A_725] : memref<8x32x128xf32, #tpu.memory_space<vmem>> -> memref<1x32x128xf32, #tpu.memory_space<vmem>>
    %dma_wait3A_727 = tpu.memref_squeeze %dma_wait3A_726 : memref<1x32x128xf32, #tpu.memory_space<vmem>> -> memref<32x128xf32, #tpu.memory_space<vmem>>
    tpu.wait_dma2 semaphore(%arg9 : memref<!tpu.dma_semaphore, #tpu.memory_space<semaphore_mem>>) src(%dma_wait3A_727 : memref<32x128xf32, #tpu.memory_space<vmem>>) dst(%dma_wait3A_723 : memref<32x128xf32, #tpu.memory_space<hbm>>)
    %dma_wait3A_728 = arith.constant 199 : i32
    %dma_wait3A_729 = arith.constant 6 : i32
    %dma_wait3A_730 = arith.constant 0 : i32
    %dma_wait3A_731 = arith.constant 0 : i32
    %dma_wait3A_732 = tpu.memref_slice %arg6[%dma_wait3A_729, %dma_wait3A_730, %dma_wait3A_731] : memref<8x32x128xf32, #tpu.memory_space<vmem>> -> memref<1x32x128xf32, #tpu.memory_space<vmem>>
    %dma_wait3A_733 = tpu.memref_squeeze %dma_wait3A_732 : memref<1x32x128xf32, #tpu.memory_space<vmem>> -> memref<32x128xf32, #tpu.memory_space<vmem>>
    %dma_wait3A_734 = arith.constant 64 : i32
    %dma_wait3A_735 = tpu.memref_slice %arg5[%dma_wait3A_728, %dma_wait3A_734] : memref<200x128xi32, #tpu.memory_space<vmem>> -> memref<1x32xi32, #tpu.memory_space<vmem>>
    %dma_wait3A_736 = tpu.memref_squeeze %dma_wait3A_735 : memref<1x32xi32, #tpu.memory_space<vmem>> -> memref<32xi32, #tpu.memory_space<vmem>>
    %dma_wait3A_737 = arith.constant 0 : i32
    %dma_wait3A_738 = arith.constant 0 : i32
    %dma_wait3A_739 = tpu.memref_slice %arg7[%dma_wait3A_737, %dma_wait3A_738] : memref<8192x128xf32, #tpu.memory_space<vmem_shared>> -> memref<8192x128xf32, #tpu.memory_space<vmem_shared>>
    tpu.wait_indirect_dma semaphore(%arg8 : memref<!tpu.dma_semaphore, #tpu.memory_space<semaphore_mem>>) src(%dma_wait3A_739 : memref<8192x128xf32, #tpu.memory_space<vmem_shared>>) dst(%dma_wait3A_733 : memref<32x128xf32, #tpu.memory_space<vmem>>)
    %add3A_740 = arith.constant 25536 : i32
    %add3A_741 = arith.addi %mul3A_4, %add3A_740 : i32
    %dma_start3A_742 = arith.constant 6 : i32
    %dma_start3A_743 = arith.constant 0 : i32
    %dma_start3A_744 = arith.constant 0 : i32
    %dma_start3A_745 = tpu.memref_slice %arg6[%dma_start3A_742, %dma_start3A_743, %dma_start3A_744] : memref<8x32x128xf32, #tpu.memory_space<vmem>> -> memref<1x32x128xf32, #tpu.memory_space<vmem>>
    %dma_start3A_746 = tpu.memref_squeeze %dma_start3A_745 : memref<1x32x128xf32, #tpu.memory_space<vmem>> -> memref<32x128xf32, #tpu.memory_space<vmem>>
    %dma_start3A_747 = arith.constant 0 : i32
    %dma_start3A_748 = tpu.memref_slice %arg4[%add3A_741, %dma_start3A_747] : memref<819200x128xf32, #tpu.memory_space<hbm>> -> memref<32x128xf32, #tpu.memory_space<hbm>>
    %dma_start3A_749 = arith.constant 0 : i32
    %dma_start3A_750 = tpu.memref_slice %arg4[%add3A_741, %dma_start3A_749] : memref<819200x128xf32, #tpu.memory_space<hbm>> -> memref<32x128xf32, #tpu.memory_space<hbm>>
    %dma_start3A_751 = arith.constant 0 : i32
    %dma_start3A_752 = arith.constant 0 : i32
    %dma_start3A_753 = tpu.memref_slice %arg6[%dma_start3A_742, %dma_start3A_751, %dma_start3A_752] : memref<8x32x128xf32, #tpu.memory_space<vmem>> -> memref<1x32x128xf32, #tpu.memory_space<vmem>>
    %dma_start3A_754 = tpu.memref_squeeze %dma_start3A_753 : memref<1x32x128xf32, #tpu.memory_space<vmem>> -> memref<32x128xf32, #tpu.memory_space<vmem>>
    tpu.enqueue_dma source(%dma_start3A_754 : memref<32x128xf32, #tpu.memory_space<vmem>>) target(%dma_start3A_750 : memref<32x128xf32, #tpu.memory_space<hbm>>) target_semaphore(%arg9 : memref<!tpu.dma_semaphore, #tpu.memory_space<semaphore_mem>>)
    %dma_wait3A_755 = arith.constant 0 : i32
    %dma_wait3A_756 = arith.constant 0 : i32
    %dma_wait3A_757 = arith.constant 0 : i32
    %dma_wait3A_758 = tpu.memref_slice %arg6[%dma_wait3A_755, %dma_wait3A_756, %dma_wait3A_757] : memref<8x32x128xf32, #tpu.memory_space<vmem>> -> memref<1x32x128xf32, #tpu.memory_space<vmem>>
    %dma_wait3A_759 = tpu.memref_squeeze %dma_wait3A_758 : memref<1x32x128xf32, #tpu.memory_space<vmem>> -> memref<32x128xf32, #tpu.memory_space<vmem>>
    %dma_wait3A_760 = arith.constant 0 : i32
    %dma_wait3A_761 = tpu.memref_slice %arg4[%mul3A_4, %dma_wait3A_760] : memref<819200x128xf32, #tpu.memory_space<hbm>> -> memref<32x128xf32, #tpu.memory_space<hbm>>
    %dma_wait3A_762 = arith.constant 0 : i32
    %dma_wait3A_763 = tpu.memref_slice %arg4[%mul3A_4, %dma_wait3A_762] : memref<819200x128xf32, #tpu.memory_space<hbm>> -> memref<32x128xf32, #tpu.memory_space<hbm>>
    %dma_wait3A_764 = arith.constant 0 : i32
    %dma_wait3A_765 = arith.constant 0 : i32
    %dma_wait3A_766 = tpu.memref_slice %arg6[%dma_wait3A_755, %dma_wait3A_764, %dma_wait3A_765] : memref<8x32x128xf32, #tpu.memory_space<vmem>> -> memref<1x32x128xf32, #tpu.memory_space<vmem>>
    %dma_wait3A_767 = tpu.memref_squeeze %dma_wait3A_766 : memref<1x32x128xf32, #tpu.memory_space<vmem>> -> memref<32x128xf32, #tpu.memory_space<vmem>>
    tpu.wait_dma2 semaphore(%arg9 : memref<!tpu.dma_semaphore, #tpu.memory_space<semaphore_mem>>) src(%dma_wait3A_767 : memref<32x128xf32, #tpu.memory_space<vmem>>) dst(%dma_wait3A_763 : memref<32x128xf32, #tpu.memory_space<hbm>>)
    %dma_wait3A_768 = arith.constant 199 : i32
    %dma_wait3A_769 = arith.constant 7 : i32
    %dma_wait3A_770 = arith.constant 0 : i32
    %dma_wait3A_771 = arith.constant 0 : i32
    %dma_wait3A_772 = tpu.memref_slice %arg6[%dma_wait3A_769, %dma_wait3A_770, %dma_wait3A_771] : memref<8x32x128xf32, #tpu.memory_space<vmem>> -> memref<1x32x128xf32, #tpu.memory_space<vmem>>
    %dma_wait3A_773 = tpu.memref_squeeze %dma_wait3A_772 : memref<1x32x128xf32, #tpu.memory_space<vmem>> -> memref<32x128xf32, #tpu.memory_space<vmem>>
    %dma_wait3A_774 = arith.constant 96 : i32
    %dma_wait3A_775 = tpu.memref_slice %arg5[%dma_wait3A_768, %dma_wait3A_774] : memref<200x128xi32, #tpu.memory_space<vmem>> -> memref<1x32xi32, #tpu.memory_space<vmem>>
    %dma_wait3A_776 = tpu.memref_squeeze %dma_wait3A_775 : memref<1x32xi32, #tpu.memory_space<vmem>> -> memref<32xi32, #tpu.memory_space<vmem>>
    %dma_wait3A_777 = arith.constant 0 : i32
    %dma_wait3A_778 = arith.constant 0 : i32
    %dma_wait3A_779 = tpu.memref_slice %arg7[%dma_wait3A_777, %dma_wait3A_778] : memref<8192x128xf32, #tpu.memory_space<vmem_shared>> -> memref<8192x128xf32, #tpu.memory_space<vmem_shared>>
    tpu.wait_indirect_dma semaphore(%arg8 : memref<!tpu.dma_semaphore, #tpu.memory_space<semaphore_mem>>) src(%dma_wait3A_779 : memref<8192x128xf32, #tpu.memory_space<vmem_shared>>) dst(%dma_wait3A_773 : memref<32x128xf32, #tpu.memory_space<vmem>>)
    %add3A_780 = arith.constant 25568 : i32
    %add3A_781 = arith.addi %mul3A_4, %add3A_780 : i32
    %dma_start3A_782 = arith.constant 7 : i32
    %dma_start3A_783 = arith.constant 0 : i32
    %dma_start3A_784 = arith.constant 0 : i32
    %dma_start3A_785 = tpu.memref_slice %arg6[%dma_start3A_782, %dma_start3A_783, %dma_start3A_784] : memref<8x32x128xf32, #tpu.memory_space<vmem>> -> memref<1x32x128xf32, #tpu.memory_space<vmem>>
    %dma_start3A_786 = tpu.memref_squeeze %dma_start3A_785 : memref<1x32x128xf32, #tpu.memory_space<vmem>> -> memref<32x128xf32, #tpu.memory_space<vmem>>
    %dma_start3A_787 = arith.constant 0 : i32
    %dma_start3A_788 = tpu.memref_slice %arg4[%add3A_781, %dma_start3A_787] : memref<819200x128xf32, #tpu.memory_space<hbm>> -> memref<32x128xf32, #tpu.memory_space<hbm>>
    %dma_start3A_789 = arith.constant 0 : i32
    %dma_start3A_790 = tpu.memref_slice %arg4[%add3A_781, %dma_start3A_789] : memref<819200x128xf32, #tpu.memory_space<hbm>> -> memref<32x128xf32, #tpu.memory_space<hbm>>
    %dma_start3A_791 = arith.constant 0 : i32
    %dma_start3A_792 = arith.constant 0 : i32
    %dma_start3A_793 = tpu.memref_slice %arg6[%dma_start3A_782, %dma_start3A_791, %dma_start3A_792] : memref<8x32x128xf32, #tpu.memory_space<vmem>> -> memref<1x32x128xf32, #tpu.memory_space<vmem>>
    %dma_start3A_794 = tpu.memref_squeeze %dma_start3A_793 : memref<1x32x128xf32, #tpu.memory_space<vmem>> -> memref<32x128xf32, #tpu.memory_space<vmem>>
    tpu.enqueue_dma source(%dma_start3A_794 : memref<32x128xf32, #tpu.memory_space<vmem>>) target(%dma_start3A_790 : memref<32x128xf32, #tpu.memory_space<hbm>>) target_semaphore(%arg9 : memref<!tpu.dma_semaphore, #tpu.memory_space<semaphore_mem>>)
    %dma_wait3A_795 = arith.constant 0 : i32
    %dma_wait3A_796 = arith.constant 0 : i32
    %dma_wait3A_797 = arith.constant 0 : i32
    %dma_wait3A_798 = tpu.memref_slice %arg6[%dma_wait3A_795, %dma_wait3A_796, %dma_wait3A_797] : memref<8x32x128xf32, #tpu.memory_space<vmem>> -> memref<1x32x128xf32, #tpu.memory_space<vmem>>
    %dma_wait3A_799 = tpu.memref_squeeze %dma_wait3A_798 : memref<1x32x128xf32, #tpu.memory_space<vmem>> -> memref<32x128xf32, #tpu.memory_space<vmem>>
    %dma_wait3A_800 = arith.constant 0 : i32
    %dma_wait3A_801 = tpu.memref_slice %arg4[%mul3A_4, %dma_wait3A_800] : memref<819200x128xf32, #tpu.memory_space<hbm>> -> memref<32x128xf32, #tpu.memory_space<hbm>>
    %dma_wait3A_802 = arith.constant 0 : i32
    %dma_wait3A_803 = tpu.memref_slice %arg4[%mul3A_4, %dma_wait3A_802] : memref<819200x128xf32, #tpu.memory_space<hbm>> -> memref<32x128xf32, #tpu.memory_space<hbm>>
    %dma_wait3A_804 = arith.constant 0 : i32
    %dma_wait3A_805 = arith.constant 0 : i32
    %dma_wait3A_806 = tpu.memref_slice %arg6[%dma_wait3A_795, %dma_wait3A_804, %dma_wait3A_805] : memref<8x32x128xf32, #tpu.memory_space<vmem>> -> memref<1x32x128xf32, #tpu.memory_space<vmem>>
    %dma_wait3A_807 = tpu.memref_squeeze %dma_wait3A_806 : memref<1x32x128xf32, #tpu.memory_space<vmem>> -> memref<32x128xf32, #tpu.memory_space<vmem>>
    tpu.wait_dma2 semaphore(%arg9 : memref<!tpu.dma_semaphore, #tpu.memory_space<semaphore_mem>>) src(%dma_wait3A_807 : memref<32x128xf32, #tpu.memory_space<vmem>>) dst(%dma_wait3A_803 : memref<32x128xf32, #tpu.memory_space<hbm>>)
    %dma_wait3A_808 = arith.constant 0 : i32
    %dma_wait3A_809 = arith.constant 0 : i32
    %dma_wait3A_810 = arith.constant 0 : i32
    %dma_wait3A_811 = tpu.memref_slice %arg6[%dma_wait3A_808, %dma_wait3A_809, %dma_wait3A_810] : memref<8x32x128xf32, #tpu.memory_space<vmem>> -> memref<1x32x128xf32, #tpu.memory_space<vmem>>
    %dma_wait3A_812 = tpu.memref_squeeze %dma_wait3A_811 : memref<1x32x128xf32, #tpu.memory_space<vmem>> -> memref<32x128xf32, #tpu.memory_space<vmem>>
    %dma_wait3A_813 = arith.constant 0 : i32
    %dma_wait3A_814 = tpu.memref_slice %arg4[%mul3A_4, %dma_wait3A_813] : memref<819200x128xf32, #tpu.memory_space<hbm>> -> memref<32x128xf32, #tpu.memory_space<hbm>>
    %dma_wait3A_815 = arith.constant 0 : i32
    %dma_wait3A_816 = tpu.memref_slice %arg4[%mul3A_4, %dma_wait3A_815] : memref<819200x128xf32, #tpu.memory_space<hbm>> -> memref<32x128xf32, #tpu.memory_space<hbm>>
    %dma_wait3A_817 = arith.constant 0 : i32
    %dma_wait3A_818 = arith.constant 0 : i32
    %dma_wait3A_819 = tpu.memref_slice %arg6[%dma_wait3A_808, %dma_wait3A_817, %dma_wait3A_818] : memref<8x32x128xf32, #tpu.memory_space<vmem>> -> memref<1x32x128xf32, #tpu.memory_space<vmem>>
    %dma_wait3A_820 = tpu.memref_squeeze %dma_wait3A_819 : memref<1x32x128xf32, #tpu.memory_space<vmem>> -> memref<32x128xf32, #tpu.memory_space<vmem>>
    tpu.wait_dma2 semaphore(%arg9 : memref<!tpu.dma_semaphore, #tpu.memory_space<semaphore_mem>>) src(%dma_wait3A_820 : memref<32x128xf32, #tpu.memory_space<vmem>>) dst(%dma_wait3A_816 : memref<32x128xf32, #tpu.memory_space<hbm>>)
    %dma_wait3A_821 = arith.constant 0 : i32
    %dma_wait3A_822 = arith.constant 0 : i32
    %dma_wait3A_823 = arith.constant 0 : i32
    %dma_wait3A_824 = tpu.memref_slice %arg6[%dma_wait3A_821, %dma_wait3A_822, %dma_wait3A_823] : memref<8x32x128xf32, #tpu.memory_space<vmem>> -> memref<1x32x128xf32, #tpu.memory_space<vmem>>
    %dma_wait3A_825 = tpu.memref_squeeze %dma_wait3A_824 : memref<1x32x128xf32, #tpu.memory_space<vmem>> -> memref<32x128xf32, #tpu.memory_space<vmem>>
    %dma_wait3A_826 = arith.constant 0 : i32
    %dma_wait3A_827 = tpu.memref_slice %arg4[%mul3A_4, %dma_wait3A_826] : memref<819200x128xf32, #tpu.memory_space<hbm>> -> memref<32x128xf32, #tpu.memory_space<hbm>>
    %dma_wait3A_828 = arith.constant 0 : i32
    %dma_wait3A_829 = tpu.memref_slice %arg4[%mul3A_4, %dma_wait3A_828] : memref<819200x128xf32, #tpu.memory_space<hbm>> -> memref<32x128xf32, #tpu.memory_space<hbm>>
    %dma_wait3A_830 = arith.constant 0 : i32
    %dma_wait3A_831 = arith.constant 0 : i32
    %dma_wait3A_832 = tpu.memref_slice %arg6[%dma_wait3A_821, %dma_wait3A_830, %dma_wait3A_831] : memref<8x32x128xf32, #tpu.memory_space<vmem>> -> memref<1x32x128xf32, #tpu.memory_space<vmem>>
    %dma_wait3A_833 = tpu.memref_squeeze %dma_wait3A_832 : memref<1x32x128xf32, #tpu.memory_space<vmem>> -> memref<32x128xf32, #tpu.memory_space<vmem>>
    tpu.wait_dma2 semaphore(%arg9 : memref<!tpu.dma_semaphore, #tpu.memory_space<semaphore_mem>>) src(%dma_wait3A_833 : memref<32x128xf32, #tpu.memory_space<vmem>>) dst(%dma_wait3A_829 : memref<32x128xf32, #tpu.memory_space<hbm>>)
    %dma_wait3A_834 = arith.constant 0 : i32
    %dma_wait3A_835 = arith.constant 0 : i32
    %dma_wait3A_836 = arith.constant 0 : i32
    %dma_wait3A_837 = tpu.memref_slice %arg6[%dma_wait3A_834, %dma_wait3A_835, %dma_wait3A_836] : memref<8x32x128xf32, #tpu.memory_space<vmem>> -> memref<1x32x128xf32, #tpu.memory_space<vmem>>
    %dma_wait3A_838 = tpu.memref_squeeze %dma_wait3A_837 : memref<1x32x128xf32, #tpu.memory_space<vmem>> -> memref<32x128xf32, #tpu.memory_space<vmem>>
    %dma_wait3A_839 = arith.constant 0 : i32
    %dma_wait3A_840 = tpu.memref_slice %arg4[%mul3A_4, %dma_wait3A_839] : memref<819200x128xf32, #tpu.memory_space<hbm>> -> memref<32x128xf32, #tpu.memory_space<hbm>>
    %dma_wait3A_841 = arith.constant 0 : i32
    %dma_wait3A_842 = tpu.memref_slice %arg4[%mul3A_4, %dma_wait3A_841] : memref<819200x128xf32, #tpu.memory_space<hbm>> -> memref<32x128xf32, #tpu.memory_space<hbm>>
    %dma_wait3A_843 = arith.constant 0 : i32
    %dma_wait3A_844 = arith.constant 0 : i32
    %dma_wait3A_845 = tpu.memref_slice %arg6[%dma_wait3A_834, %dma_wait3A_843, %dma_wait3A_844] : memref<8x32x128xf32, #tpu.memory_space<vmem>> -> memref<1x32x128xf32, #tpu.memory_space<vmem>>
    %dma_wait3A_846 = tpu.memref_squeeze %dma_wait3A_845 : memref<1x32x128xf32, #tpu.memory_space<vmem>> -> memref<32x128xf32, #tpu.memory_space<vmem>>
    tpu.wait_dma2 semaphore(%arg9 : memref<!tpu.dma_semaphore, #tpu.memory_space<semaphore_mem>>) src(%dma_wait3A_846 : memref<32x128xf32, #tpu.memory_space<vmem>>) dst(%dma_wait3A_842 : memref<32x128xf32, #tpu.memory_space<hbm>>)
    %dma_wait3A_847 = arith.constant 0 : i32
    %dma_wait3A_848 = arith.constant 0 : i32
    %dma_wait3A_849 = arith.constant 0 : i32
    %dma_wait3A_850 = tpu.memref_slice %arg6[%dma_wait3A_847, %dma_wait3A_848, %dma_wait3A_849] : memref<8x32x128xf32, #tpu.memory_space<vmem>> -> memref<1x32x128xf32, #tpu.memory_space<vmem>>
    %dma_wait3A_851 = tpu.memref_squeeze %dma_wait3A_850 : memref<1x32x128xf32, #tpu.memory_space<vmem>> -> memref<32x128xf32, #tpu.memory_space<vmem>>
    %dma_wait3A_852 = arith.constant 0 : i32
    %dma_wait3A_853 = tpu.memref_slice %arg4[%mul3A_4, %dma_wait3A_852] : memref<819200x128xf32, #tpu.memory_space<hbm>> -> memref<32x128xf32, #tpu.memory_space<hbm>>
    %dma_wait3A_854 = arith.constant 0 : i32
    %dma_wait3A_855 = tpu.memref_slice %arg4[%mul3A_4, %dma_wait3A_854] : memref<819200x128xf32, #tpu.memory_space<hbm>> -> memref<32x128xf32, #tpu.memory_space<hbm>>
    %dma_wait3A_856 = arith.constant 0 : i32
    %dma_wait3A_857 = arith.constant 0 : i32
    %dma_wait3A_858 = tpu.memref_slice %arg6[%dma_wait3A_847, %dma_wait3A_856, %dma_wait3A_857] : memref<8x32x128xf32, #tpu.memory_space<vmem>> -> memref<1x32x128xf32, #tpu.memory_space<vmem>>
    %dma_wait3A_859 = tpu.memref_squeeze %dma_wait3A_858 : memref<1x32x128xf32, #tpu.memory_space<vmem>> -> memref<32x128xf32, #tpu.memory_space<vmem>>
    tpu.wait_dma2 semaphore(%arg9 : memref<!tpu.dma_semaphore, #tpu.memory_space<semaphore_mem>>) src(%dma_wait3A_859 : memref<32x128xf32, #tpu.memory_space<vmem>>) dst(%dma_wait3A_855 : memref<32x128xf32, #tpu.memory_space<hbm>>)
    return
  }
}

</mosaic_0001>

<sc_bundles>
// kernel: kernel.3.cloned.1.call-start
scs
__scs_entry_jumppad:
0x0: {  	(pc) =	sbr.rel $0x88, $3  }
0x1: {  	(tag) =	ssettag $0x0;
	lr =	simm.s32 $0x1  }
0x2: {  	[smem:$0x3F9F] =	sst lr;
	_ =	strace $0xD0000000  }
0x3: {  	_ = 	snop  }
0x4: {  	_ = 	snop  }
0x5: {  	_ = 	snop  }
0x6: {  	_ = 	snop  }
0x7: {  	_ = 	snop  }
__scs_overlays_trampoline_lowered:
0x8: {  	[smem:$0x3FAE] =	sst s0  }
0x9: {  	[smem:$0x3FAF] =	sst s1  }
0xa: {  	[smem:$0x3FB0] =	sst s2  }
0xb: {  	[smem:$0x3FB1] =	sst s3  }
0xc: {  	[smem:$0x3FB2] =	sst s4  }
0xd: {  	[smem:$0x3FB3] =	sst s5  }
0xe: {  	[smem:$0x3FB4] =	sst s6  }
0xf: {  	[smem:$0x3FB5] =	sst s7  }
0x10: {  	[smem:$0x3FB6] =	sst s8  }
0x11: {  	[smem:$0x3FB7] =	sst s9;
	s0 =	simm.s32 @!p0 $0x0  }
0x12: {  	s1 =	sld [smem:$0x3F9D];
	s0 =	simm.s32 @p0 $0x1  }
0x13: {  	[smem:$0x3FB8] =	sst s0;
	s0 =	simm.s32 @!p1 $0x0  }
0x14: {  	s2 =	sld [smem:$0x3F9C];
	s0 =	simm.s32 @p1 $0x1  }
0x15: {  	[smem:$0x3FB9] =	sst s0;
	s0 =	simm.s32 @!p2 $0x0  }
0x16: {  	s3 =	sld [smem:$0x3FDB];
	s0 =	simm.s32 @p2 $0x1  }
0x17: {  	s4 =	simm.s32 $0x1BF5;
	[smem:$0x3FBB] =	sst s0  }
0x18: {  	s0 =	sld [smem:$0x3F9E];
	_ =	swait.ge [sflag:s4], $0x0  }
0x19: {  	s7 =	sld [smem:$0x3F9F]  }
0x1a: {  	s8 =	sadd.s32 $0xFFFFE003, lr  }
0x1b: {  	s9 =	sadd.s32 $0xFFFFFEF7, lr;
	s5 =	simm.s32 $0xFFFFFFFF;
	p2 =	slt.u32 s8, $0xFFFFF086  }
0x1c: {  	p1 =	slt.u32 s9, $0xF7A;
	s5 =	simm.s32 @!p2 $0x0  }
0x1d: {  	s5 =	simm.s32 @p1 $0x1;
	p0 =	seq.s32 s7, s2  }
0x1e: {  	s7 =	smul.u32 @!p0 $0xF7A, s2;
	p2 =	seq.s32 @!p0 s5, $0x0  }
0x1f: {  	s9 =	smul.u32 $0xF7A, s1;
	s8 =	simm.s32 @!p0 $0x1BF5;
	p2 =	por !p2, p0  }
0x20: {  	[sflag:s8] =	ssyncset.s32 @!p0 $0xFFFFF086;
	s6 =	sadd.s32 @!p0 s3, s7;
	s7 =	simm.s32 @!p0 $0x108  }
0x21: {  	s3 =	sadd.s32 s3, s9;
	s6 =	sadd.s32 @!p0 $0x88, s6;
	s7 =	simm.s32 @p2 $0x1082  }
0x22: {  	[simem:s7], [sflag:s8] =	dma.local @!p0 [hbm:s6], $0xF7A  }
0x23: {  	s9 =	sor.u32 $0xD0000000, s2;
	s6 =	simm.s32 $0x108;
	_ =	swait.ge @!p0 [sflag:s8], $0x0  }
0x24: {  	s3 =	sadd.s32 $0x88, s3;
	s6 =	simm.s32 @!p1 $0x1082;
	[sflag:s4] =	ssyncset.s32 $0xFFFFF086  }
0x25: {  	[simem:s6], [sflag:s4] =	dma.local [hbm:s3], $0xF7A  }
0x26: {  	[smem:$0x3F9F] =	sst s1;
	(tag) =	ssettag s2;
	_ =	strace s9  }
0x27: {  	s1 =	sld [smem:$0x3FAF]  }
0x28: {  	s2 =	sld [smem:$0x3FB0]  }
0x29: {  	s4 =	sld [smem:$0x3FB2]  }
0x2a: {  	p0 =	seq.s32 s5, $0x0;
	s5 =	sld [smem:$0x3FB3]  }
0x2b: {  	s6 =	sld [smem:$0x3FB4]  }
0x2c: {  	s7 =	sld [smem:$0x3FB5]  }
0x2d: {  	s3 =	simm.s32 $0x108;
	s8 =	sld [smem:$0x3FB6]  }
0x2e: {  	s3 =	simm.s32 @!p0 $0x1082;
	s9 =	sld [smem:$0x3FB7]  }
0x2f: {  	lr =	sadd.s32 s0, s3;
	s0 =	sld [smem:$0x3FAE]  }
0x30: {  	s3 =	sld [smem:$0x3FB1]  }
0x31: {  	[smem:$0x3FBA] =	sst s10  }
0x32: {  	s10 =	sld [smem:$0x3FB8];
	_ =	sdelay $0x3  }
0x33: {  	p0 =	seq.s32 s10, $0x1;
	s10 =	sld [smem:$0x3FBA];
	_ =	sdelay $0x3  }
0x34: {  	[smem:$0x3FBA] =	sst s10  }
0x35: {  	s10 =	sld [smem:$0x3FB9];
	_ =	sdelay $0x3  }
0x36: {  	p1 =	seq.s32 s10, $0x1;
	s10 =	sld [smem:$0x3FBA];
	_ =	sdelay $0x3  }
0x37: {  	[smem:$0x3FBA] =	sst s10  }
0x38: {  	s10 =	sld [smem:$0x3FBB]  }
0x39: {  	_ = 	snop;
	(pc) =	sbr.ind lr, $3  }
0x3a: {  	_ = 	snop  }
0x3b: {  	_ = 	snop  }
0x3c: {  	p2 =	seq.s32 s10, $0x1;
	s10 =	sld [smem:$0x3FBA]  }
0x3d: {  	_ =	shalt  }
0x3e: {  	_ =	shalt  }
0x3f: {  	_ =	shalt  }
0x40: {  	_ =	shalt  }
0x41: {  	_ =	shalt  }
0x42: {  	_ =	shalt  }
0x43: {  	_ =	shalt  }
0x44: {  	_ =	shalt  }
0x45: {  	_ =	shalt  }
0x46: {  	_ =	shalt  }
0x47: {  	_ =	shalt  }
0x48: {  	_ =	shalt  }
0x49: {  	_ =	shalt  }
0x4a: {  	_ =	shalt  }
0x4b: {  	_ =	shalt  }
0x4c: {  	_ =	shalt  }
0x4d: {  	_ =	shalt  }
0x4e: {  	_ =	shalt  }
0x4f: {  	_ =	shalt  }
0x50: {  	_ =	shalt  }
0x51: {  	_ =	shalt  }
0x52: {  	_ =	shalt  }
0x53: {  	_ =	shalt  }
0x54: {  	_ =	shalt  }
0x55: {  	_ =	shalt  }
0x56: {  	_ =	shalt  }
0x57: {  	_ =	shalt  }
0x58: {  	_ =	shalt  }
0x59: {  	_ =	shalt  }
0x5a: {  	_ =	shalt  }
0x5b: {  	_ =	shalt  }
0x5c: {  	_ =	shalt  }
0x5d: {  	_ =	shalt  }
0x5e: {  	_ =	shalt  }
0x5f: {  	_ =	shalt  }
0x60: {  	_ =	shalt  }
0x61: {  	_ =	shalt  }
0x62: {  	_ =	shalt  }
0x63: {  	_ =	shalt  }
0x64: {  	_ =	shalt  }
0x65: {  	_ =	shalt  }
0x66: {  	_ =	shalt  }
0x67: {  	_ =	shalt  }
0x68: {  	_ =	shalt  }
0x69: {  	_ =	shalt  }
0x6a: {  	_ =	shalt  }
0x6b: {  	_ =	shalt  }
0x6c: {  	_ =	shalt  }
0x6d: {  	_ =	shalt  }
0x6e: {  	_ =	shalt  }
0x6f: {  	_ =	shalt  }
0x70: {  	_ =	shalt  }
0x71: {  	_ =	shalt  }
0x72: {  	_ =	shalt  }
0x73: {  	_ =	shalt  }
0x74: {  	_ =	shalt  }
0x75: {  	_ =	shalt  }
0x76: {  	_ =	shalt  }
0x77: {  	_ =	shalt  }
0x78: {  	_ =	shalt  }
0x79: {  	_ =	shalt  }
0x7a: {  	_ =	shalt  }
0x7b: {  	_ =	shalt  }
0x7c: {  	_ =	shalt  }
0x7d: {  	_ =	shalt  }
0x7e: {  	_ =	shalt  }
0x7f: {  	_ =	shalt  }
0x80: {  	_ =	shalt  }
0x81: {  	_ =	shalt  }
0x82: {  	_ =	shalt  }
0x83: {  	_ =	shalt  }
0x84: {  	_ =	shalt  }
0x85: {  	_ =	shalt  }
0x86: {  	_ =	shalt  }
0x87: {  	_ =	shalt  }
.Lfunc_end0:
.L_simem_size_0:
called_computation_lowered:
.L_overlay_start_0:
0x88: {  	s2 =	sld [smem:$0x3FD9]  }
0x89: {  	s3 =	sld [smem:$0x3FFE];
	_ =	sdelay $0x1  }
0x8a: {  	s1 =	srdreg.scid  }
0x8b: {  	s0 =	sand.u32 $0x1, s1  }
0x8c: {  	s17 =	sshll.u32 s0, $0xA;
	s2 =	sadd.s32 s3, s2  }
0x8d: {  	s2 =	sadd.s32 s2, s17  }
0x8e: {  	[smem:$0x3FC6] =	sst s2  }
0x8f: {  	_ = 	snop  }
0x90: {  	s2 =	sld [smem:$0x3FC8]  }
0x91: {  	s18 =	sld [smem:$0x3FD0];
	(tm) =	ssettm $0x1  }
0x92: {  	s4 =	sld [smem:$0x3FFB];
	_ =	sdelay $0x3  }
0x93: {  	_ =	strace s4  }
0x94: {  	s4 =	sld [smem:$0x3FFC];
	_ =	sdelay $0x3  }
0x95: {  	_ =	strace s4  }
0x96: {  	s4 =	sld [smem:$0x3FFD];
	_ =	sdelay $0x3  }
0x97: {  	_ =	strace s4  }
0x98: {  	_ =	strace $0x8FFFFFFF  }
0x99: {  	s19 =	sld [smem:$0x3FDB];
	_ =	sdelay $0x1  }
0x9a: {  	s5 =	simm.s32 $_scs_section_size  }
0x9b: {  	s6 =	simm.s32 $_size__tile_overlayer_lowered;
	s7 =	simm.s32 $_tile_overlayer_lowered  }
0x9c: {  	s22 =	simm.s32 $0x1BFF;
	s21 =	sshll.u32 s7, $0x1;
	s4 =	sadd.s32 s5, s19  }
0x9d: {  	s8 =	simm.s32 $0x0;
	s20 =	sshll.u32 s6, $0x1;
	s6 =	sadd.s32 s21, s4  }
0x9e: {  	[timem:s8], [sflag:s22] =	dma.local [hbm:s6], s20  }
0x9f: {  	_ =	swait.ge [sflag:s22], s20  }
0xa0: {  	s5 =	ssub.s32 $0x0, s20;
	[sflag:s22] =	ssyncset.done $0x0  }
0xa1: {  	[sflag:s22] =	ssyncadd.s32 s5;
	_ =	sdelay $0x1  }
0xa2: {  	s23 =	simm.s32 $0x1B8B  }
0xa3: {  	_ =	swait.ge [sflag:s23], $0x1  }
0xa4: {  	[sflag:s23] =	ssyncset.done $0x0  }
0xa5: {  	s25 =	simm.s32 $0x1B8E;
	s24 =	sld [smem:$0x3FFE];
	[sflag:s23] =	ssyncadd.s32 $0xFFFFFFFF  }
0xa6: {  	s26 =	simm.s32 $execute0_lowered;
	[smem:$0x3FD2] =	sst s25  }
0xa7: {  	s6 =	sshll.u32 s26, $0x1;
	_ =	strace $0x80000046;
	[dreg:$0x1] =	wrdreg $0xFFFFFFFF  }
0xa8: {  	s28 =	simm.s32 $_size_execute0_lowered;
	s4 =	sadd.s32 s4, s6;
	[dreg:$0x0] =	wrdreg $0x0  }
0xa9: {  	s6 =	sshll.u32 s28, $0x1;
	[dreg:$0x2] =	wrdreg s4  }
0xaa: {  	[dreg:$0x3] =	wrdreg s6  }
0xab: {  	[dreg:$0x4] =	wrdreg $0xC0  }
0xac: {  	_ =	task [dreg:s8], $0x5FFFF  }
0xad: {  	[dreg:$0x1] =	wrdreg $0xFFFFFFFF  }
0xae: {  	[dreg:$0x0] =	wrdreg $0x60  }
0xaf: {  	[dreg:$0x2] =	wrdreg s24  }
0xb0: {  	[dreg:$0x3] =	wrdreg s2  }
0xb1: {  	[dreg:$0x4] =	wrdreg s18  }
0xb2: {  	[dreg:$0x5] =	wrdreg $0xE4000  }
0xb3: {  	[dreg:$0x6] =	wrdreg $0x9  }
0xb4: {  	_ =	task.clear_ibuf [dreg:s8], $0x7FFFF;
	_ =	strace $0x90000046  }
0xb5: {  	s29 =	simm.s32 $0x9;
	_ =	strace $0x80000048  }
0xb6: {  	_ =	swait.ge [sflag:s29], $0x1  }
0xb7: {  	[sflag:s29] =	ssyncadd.s32 $0xFFFFFFFF  }
0xb8: {  	_ =	strace $0x90000048  }
0xb9: {  	_ =	sfence  }
0xba: {  	s30 =	sld [smem:$0x0];
	_ =	sdelay $0x2  }
0xbb: {  	s31 =	sshll.u32 s1, $0xD;
	s1 =	sshrl.u32 s1, $0x2  }
0xbc: {  	s3 =	sand.u32 $0x4000, s31;
	s1 =	sadd.s32 s1, s30  }
0xbd: {  	s0 =	sor.u32 s3, s0;
	s1 =	sshll.u32 s1, $0x11  }
0xbe: {  	s0 =	sor.u32 s1, s0  }
0xbf: {  	s0 =	sadd.s32 $0x8F2B, s0  }
0xc0: {  	[sflag:s0] =	ssyncadd.remote.s32 $0x1  }
0xc1: {  	_ =	sfence.sel $0xFFFF  }
0xc2: {  	[dreg:$0x0] =	wrdreg $0xFFFFFFFF;
	(pc) =	sbr.abs _section_cstart, $3  }
0xc3: {  	[dreg:$0x1] =	wrdreg $0xFFFFFFFF  }
0xc4: {  	_ =	task.clear_ibuf [dreg:s8], $0x2FFFF;
	_ =	strace $0x9FFFFFFF  }
0xc5: {  	(tm) =	ssettm $0x7FFFFFFF  }
tec
execute0_lowered:
.L_overlay_start_1:
0x0: {  	(tag) =	ssettag $0x1  }
0x1: {  	s1 =	rddreg [dreg:$0x0]  }
0x2: {  	s4 =	rddreg [dreg:$0x1]  }
0x3: {  	s0 =	rddreg [dreg:$0x2];
	s3 =	srdreg.scid  }
0x4: {  	s13 =	stileid.u32;
	s2 =	rddreg [dreg:$0x3]  }
0x5: {  	s28 =	simm.s32 $0x2;
	s29 =	simm.s32 $0x20;
	s30 =	simm.s32 $0x6400  }
0x6: {  	s31 =	simm.s32 $0x7400;
	s5 =	sand.u32 $0x1, s3;
	s6 =	sshll.u32 s13, $0x1  }
0x7: {  	s3 =	simm.s32 $0x0;
	s20 =	sshll.u32 s13, $0x10;
	s26 =	smul.u32 $0x640000, s13  }
0x8: {  	s21 =	sshll.u32 s13, $0xD;
	s10 =	sshll.u32 s13, $0x6;
	s14 =	smul.u32 $0x320000, s5  }
0x9: {  	s6 =	sor.u32 s5, s6;
	s12 =	sadd.s32 s20, s2;
	s20 =	smul.u32 $0xC8000, s13  }
0xa: {  	[smem:$0x7FF] =	sst s3;
	s8 =	ssub.s32 $0x2, s5;
	s5 =	smul.u32 $0x64000, s5  }
0xb: {  	s4 =	sadd.s32 s4, s21;
	s22 =	sor.u32 $0x1C01, s10;
	s7 =	smul.u32 $0xC80, s6  }
0xc: {  	_ =	strace $0x80000047;
	s9 =	sshrl.u32 s8, $0x1;
	s11 =	smul.u32 $0x64000, s6  }
0xd: {  	[dreg:$0xa] =	wrdreg s4;
	s8 =	ssub.s32 s8, s9;
	s9 =	sadd.s32 s20, s0  }
0xe: {  	[dreg:$0xb] =	wrdreg s22;
	s1 =	sadd.s32 s7, s1;
	s5 =	sadd.s32 s5, s9  }
0xf: {  	s7 =	sadd.s32 s0, s11;
	s1 =	sadd.s32 $0x400, s1;
	[dreg:$0x6] =	wrdreg s5  }
0x10: {  	s23 =	smul.u32 $0x320000, s6;
	s24 =	sadd.s32 $0x200, s7;
	[dreg:$0xc] =	wrdreg s1  }
0x11: {  	s4 =	sadd.s32 s14, s26;
	s25 =	sadd.s32 $0x400, s7;
	[dreg:$0xd] =	wrdreg s24  }
0x12: {  	s19 =	sor.u32 $0x8000, s4;
	s10 =	sadd.s32 $0x600, s7;
	[dreg:$0xe] =	wrdreg s25  }
0x13: {  	s21 =	sor.u32 $0xF000, s4;
	s11 =	sadd.s32 $0x800, s7;
	[dreg:$0xf] =	wrdreg s10  }
0x14: {  	s9 =	simm.s32 $0x0;
	s15 =	sadd.s32 $0xA00, s7;
	[dreg:$0x10] =	wrdreg s11  }
0x15: {  	s16 =	sadd.s32 $0xC00, s7;
	s17 =	sadd.s32 $0xE00, s7;
	[dreg:$0x11] =	wrdreg s15  }
0x16: {  	s6 =	sshrl.u32 s19, $0x3;
	s22 =	sshrl.u32 s21, $0x3;
	[dreg:$0x12] =	wrdreg s16  }
0x17: {  	s1 =	sshrl.u32 s23, $0x3;
	[dreg:$0x13] =	wrdreg s17;
	s6 =	sadd.s32 s6, s0  }
0x18: {  	s23 =	sor.u32 $0xE000, s4;
	s5 =	sadd.s32 s22, s0;
	s25 =	sor.u32 $0xD000, s4  }
0x19: {  	s4 =	sor.u32 $0xC000, s4;
	s1 =	sadd.s32 s0, s1;
	[dreg:$0x5] =	wrdreg s6  }
0x1a: {  	s6 =	sshrl.u32 s23, $0x3;
	[dreg:$0x7] =	wrdreg s5;
	s26 =	sshrl.u32 s25, $0x3  }
0x1b: {  	s4 =	sshrl.u32 s4, $0x3;
	s25 =	sshrl.u32 s12, $0x3;
	s18 =	sadd.s32 $0x63000, s1  }
0x1c: {  	s16 =	sadd.s32 $0x63200, s1;
	s17 =	sadd.s32 $0x63400, s1;
	s24 =	sadd.s32 s6, s0  }
0x1d: {  	s19 =	sadd.s32 $0x63800, s1;
	s5 =	sadd.s32 s26, s0;
	s20 =	sadd.s32 $0x63A00, s1  }
0x1e: {  	s21 =	sadd.s32 s4, s0;
	s22 =	sadd.s32 $0x63C00, s1;
	s23 =	sadd.s32 $0x63E00, s1  }
0x1f: {  	s26 =	simm.s32 $0x1;
	s0 =	simm.s32 $0x8400;
	[dreg:$0x14] =	wrdreg s18  }
0x20: {  	s4 =	simm.s32 $0xA400;
	s6 =	simm.s32 $0xC400;
	[dreg:$0x8] =	wrdreg s24  }
0x21: {  	s18 =	sadd.s32 $0x63600, s1;
	[dreg:$0x9] =	wrdreg s5;
	s24 =	smax.u32 s8, $0x1  }
0x22: {  	s1 =	simm.s32 $0x9400;
	s5 =	simm.s32 $0xB400;
	s8 =	simm.s32 $0xD400  }
.LBB2_1:
0x23: {  	s10 =	rddreg [dreg:$0xa]  }
0x24: {  	s11 =	rddreg [dreg:$0xb]  }
0x25: {  	[spmem:s25], [sflag:s11] =	dma.local [hbm:s10], $0x2000  }
0x26: {  	s10 =	rddreg [dreg:$0xc]  }
0x27: {  	[tilespmem:s3], [sflag:$0x2] =	stream.linear.gather [hbm4b:s10+s3], $0x6400, $0x38;
	[tilespmem:$0x1E400] =	vst v63  }
0x28: {  	_ =	swait.ge [sflag:s26], $0x2000  }
0x29: {  	[sflag:s26] =	ssyncset.done $0x0  }
0x2a: {  	[sflag:s26] =	ssyncadd.s32 $0xFFFFE000  }
0x2b: {  	_ =	swait.ge [sflag:s28], $0x6400  }
0x2c: {  	[sflag:s28] =	ssyncset.done $0x0  }
0x2d: {  	[sflag:s28] =	ssyncadd.s32 $0xFFFF9C00  }
0x2e: {  	[bflag:$0x0] =	sbarrier.arrive $0xFFFF  }
0x2f: {  	[tilespmem:s30], [sflag:$0x1] =	stream.indirect.gather [spmem:s2], $0x80, s3, s29, $0xb8;
	[tilespmem:$0x1E400] =	vst v63  }
0x30: {  	_ = 	snop  }
0x31: {  	[tilespmem:s31], [sflag:$0x1] =	stream.indirect.gather [spmem:s2], $0x80, s29, s29, $0xb8;
	[tilespmem:$0x1E400] =	vst v63  }
0x32: {  	s13 =	simm.s32 $0x40  }
0x33: {  	[tilespmem:s0], [sflag:$0x1] =	stream.indirect.gather [spmem:s2], $0x80, s13, s29, $0xb8;
	[tilespmem:$0x1E400] =	vst v63  }
0x34: {  	s14 =	simm.s32 $0x60  }
0x35: {  	[tilespmem:s1], [sflag:$0x1] =	stream.indirect.gather [spmem:s2], $0x80, s14, s29, $0xb8;
	[tilespmem:$0x1E400] =	vst v63  }
0x36: {  	_ =	swait.ge [sflag:s26], $0x1000  }
0x37: {  	[sflag:s26] =	ssyncset.done $0x0  }
0x38: {  	[sflag:s26] =	ssyncadd.s32 $0xFFFFF000  }
0x39: {  	[hbm4b:s7+s3] =	stream.linear.scatter [tilespmem:s30], [sflag:$0x2], $0x1000, $0x38;
	[tilespmem:$0x1E400] =	vst v63  }
0x3a: {  	s15 =	simm.s32 $0x80  }
0x3b: {  	[tilespmem:s4], [sflag:$0x1] =	stream.indirect.gather [spmem:s2], $0x80, s15, s29, $0xb8;
	[tilespmem:$0x1E400] =	vst v63  }
0x3c: {  	_ =	swait.ge [sflag:s26], $0x1000  }
0x3d: {  	[sflag:s26] =	ssyncset.done $0x0  }
0x3e: {  	s11 =	rddreg [dreg:$0xd];
	[sflag:s26] =	ssyncadd.s32 $0xFFFFF000  }
0x3f: {  	[hbm4b:s11+s3] =	stream.linear.scatter [tilespmem:s31], [sflag:$0x2], $0x1000, $0x38;
	[tilespmem:$0x1E400] =	vst v63  }
0x40: {  	s12 =	simm.s32 $0xA0  }
0x41: {  	[tilespmem:s5], [sflag:$0x1] =	stream.indirect.gather [spmem:s2], $0x80, s12, s29, $0xb8;
	[tilespmem:$0x1E400] =	vst v63  }
0x42: {  	_ =	swait.ge [sflag:s26], $0x1000  }
0x43: {  	[sflag:s26] =	ssyncset.done $0x0  }
0x44: {  	s13 =	rddreg [dreg:$0xe];
	[sflag:s26] =	ssyncadd.s32 $0xFFFFF000  }
0x45: {  	[hbm4b:s13+s3] =	stream.linear.scatter [tilespmem:s0], [sflag:$0x2], $0x1000, $0x38;
	[tilespmem:$0x1E400] =	vst v63  }
0x46: {  	s14 =	simm.s32 $0xC0  }
0x47: {  	[tilespmem:s6], [sflag:$0x1] =	stream.indirect.gather [spmem:s2], $0x80, s14, s29, $0xb8;
	[tilespmem:$0x1E400] =	vst v63  }
0x48: {  	_ =	swait.ge [sflag:s26], $0x1000  }
0x49: {  	[sflag:s26] =	ssyncset.done $0x0  }
0x4a: {  	s15 =	rddreg [dreg:$0xf];
	[sflag:s26] =	ssyncadd.s32 $0xFFFFF000  }
0x4b: {  	[hbm4b:s15+s3] =	stream.linear.scatter [tilespmem:s1], [sflag:$0x2], $0x1000, $0x38;
	[tilespmem:$0x1E400] =	vst v63  }
0x4c: {  	s11 =	simm.s32 $0xE0  }
0x4d: {  	[tilespmem:s8], [sflag:$0x1] =	stream.indirect.gather [spmem:s2], $0x80, s11, s29, $0xb8;
	[tilespmem:$0x1E400] =	vst v63  }
0x4e: {  	_ =	swait.ge [sflag:s26], $0x1000  }
0x4f: {  	[sflag:s26] =	ssyncset.done $0x0  }
0x50: {  	s12 =	rddreg [dreg:$0x10];
	[sflag:s26] =	ssyncadd.s32 $0xFFFFF000  }
0x51: {  	[hbm4b:s12+s3] =	stream.linear.scatter [tilespmem:s4], [sflag:$0x2], $0x1000, $0x38;
	[tilespmem:$0x1E400] =	vst v63  }
0x52: {  	_ =	swait.ge [sflag:s28], $0x1000  }
0x53: {  	[sflag:s28] =	ssyncset.done $0x0  }
0x54: {  	s13 =	simm.s32 $0x100;
	[sflag:s28] =	ssyncadd.s32 $0xFFFFF000  }
0x55: {  	[tilespmem:s30], [sflag:$0x1] =	stream.indirect.gather [spmem:s2], $0x80, s13, s29, $0xb8;
	[tilespmem:$0x1E400] =	vst v63  }
0x56: {  	_ =	swait.ge [sflag:s26], $0x1000  }
0x57: {  	[sflag:s26] =	ssyncset.done $0x0  }
0x58: {  	s14 =	rddreg [dreg:$0x11];
	[sflag:s26] =	ssyncadd.s32 $0xFFFFF000  }
0x59: {  	[hbm4b:s14+s3] =	stream.linear.scatter [tilespmem:s5], [sflag:$0x2], $0x1000, $0x38;
	[tilespmem:$0x1E400] =	vst v63  }
0x5a: {  	_ =	swait.ge [sflag:s28], $0x1000  }
0x5b: {  	[sflag:s28] =	ssyncset.done $0x0  }
0x5c: {  	s15 =	simm.s32 $0x120;
	[sflag:s28] =	ssyncadd.s32 $0xFFFFF000  }
0x5d: {  	[tilespmem:s31], [sflag:$0x1] =	stream.indirect.gather [spmem:s2], $0x80, s15, s29, $0xb8;
	[tilespmem:$0x1E400] =	vst v63  }
0x5e: {  	_ =	swait.ge [sflag:s26], $0x1000  }
0x5f: {  	[sflag:s26] =	ssyncset.done $0x0  }
0x60: {  	s11 =	rddreg [dreg:$0x12];
	[sflag:s26] =	ssyncadd.s32 $0xFFFFF000  }
0x61: {  	[hbm4b:s11+s3] =	stream.linear.scatter [tilespmem:s6], [sflag:$0x2], $0x1000, $0x38;
	[tilespmem:$0x1E400] =	vst v63  }
0x62: {  	_ =	swait.ge [sflag:s28], $0x1000  }
0x63: {  	[sflag:s28] =	ssyncset.done $0x0  }
0x64: {  	s12 =	simm.s32 $0x140;
	[sflag:s28] =	ssyncadd.s32 $0xFFFFF000  }
0x65: {  	[tilespmem:s0], [sflag:$0x1] =	stream.indirect.gather [spmem:s2], $0x80, s12, s29, $0xb8;
	[tilespmem:$0x1E400] =	vst v63  }
0x66: {  	_ =	swait.ge [sflag:s26], $0x1000  }
0x67: {  	[sflag:s26] =	ssyncset.done $0x0  }
0x68: {  	s13 =	rddreg [dreg:$0x13];
	[sflag:s26] =	ssyncadd.s32 $0xFFFFF000  }
0x69: {  	[hbm4b:s13+s3] =	stream.linear.scatter [tilespmem:s8], [sflag:$0x2], $0x1000, $0x38;
	[tilespmem:$0x1E400] =	vst v63  }
0x6a: {  	_ =	swait.ge [sflag:s28], $0x1000  }
0x6b: {  	[sflag:s28] =	ssyncset.done $0x0  }
0x6c: {  	s14 =	simm.s32 $0x160;
	[sflag:s28] =	ssyncadd.s32 $0xFFFFF000  }
0x6d: {  	[tilespmem:s1], [sflag:$0x1] =	stream.indirect.gather [spmem:s2], $0x80, s14, s29, $0xb8;
	[tilespmem:$0x1E400] =	vst v63  }
0x6e: {  	_ =	swait.ge [sflag:s26], $0x1000  }
0x6f: {  	s15 =	rddreg [dreg:$0x5];
	[sflag:s26] =	ssyncset.done $0x0  }
0x70: {  	[sflag:s26] =	ssyncadd.s32 $0xFFFFF000;
	s10 =	sadd.s32 $0x0, s15  }
0x71: {  	[hbm4b:s10+s3] =	stream.linear.scatter [tilespmem:s30], [sflag:$0x2], $0x1000, $0x38;
	[tilespmem:$0x1E400] =	vst v63  }
0x72: {  	_ =	swait.ge [sflag:s28], $0x1000  }
0x73: {  	[sflag:s28] =	ssyncset.done $0x0  }
0x74: {  	s11 =	simm.s32 $0x180;
	[sflag:s28] =	ssyncadd.s32 $0xFFFFF000  }
0x75: {  	[tilespmem:s4], [sflag:$0x1] =	stream.indirect.gather [spmem:s2], $0x80, s11, s29, $0xb8;
	[tilespmem:$0x1E400] =	vst v63  }
0x76: {  	_ =	swait.ge [sflag:s26], $0x1000  }
0x77: {  	s12 =	rddreg [dreg:$0x6]  }
0x78: {  	[sflag:s26] =	ssyncset.done $0x0;
	s10 =	sadd.s32 $0x0, s12  }
0x79: {  	[sflag:s26] =	ssyncadd.s32 $0xFFFFF000;
	s13 =	sadd.s32 $0x1200, s10  }
0x7a: {  	[hbm4b:s13+s3] =	stream.linear.scatter [tilespmem:s31], [sflag:$0x2], $0x1000, $0x38;
	[tilespmem:$0x1E400] =	vst v63  }
0x7b: {  	_ =	swait.ge [sflag:s28], $0x1000  }
0x7c: {  	[sflag:s28] =	ssyncset.done $0x0  }
0x7d: {  	s14 =	simm.s32 $0x1A0;
	[sflag:s28] =	ssyncadd.s32 $0xFFFFF000  }
0x7e: {  	[tilespmem:s5], [sflag:$0x1] =	stream.indirect.gather [spmem:s2], $0x80, s14, s29, $0xb8;
	[tilespmem:$0x1E400] =	vst v63  }
0x7f: {  	_ =	swait.ge [sflag:s26], $0x1000  }
0x80: {  	[sflag:s26] =	ssyncset.done $0x0  }
0x81: {  	s15 =	sadd.s32 $0x1400, s10;
	[sflag:s26] =	ssyncadd.s32 $0xFFFFF000  }
0x82: {  	[hbm4b:s15+s3] =	stream.linear.scatter [tilespmem:s0], [sflag:$0x2], $0x1000, $0x38;
	[tilespmem:$0x1E400] =	vst v63  }
0x83: {  	_ =	swait.ge [sflag:s28], $0x1000  }
0x84: {  	[sflag:s28] =	ssyncset.done $0x0  }
0x85: {  	s12 =	simm.s32 $0x1C0;
	[sflag:s28] =	ssyncadd.s32 $0xFFFFF000  }
0x86: {  	[tilespmem:s6], [sflag:$0x1] =	stream.indirect.gather [spmem:s2], $0x80, s12, s29, $0xb8;
	[tilespmem:$0x1E400] =	vst v63  }
0x87: {  	_ =	swait.ge [sflag:s26], $0x1000  }
0x88: {  	[sflag:s26] =	ssyncset.done $0x0  }
0x89: {  	s10 =	sadd.s32 $0x1600, s10;
	[sflag:s26] =	ssyncadd.s32 $0xFFFFF000  }
0x8a: {  	[hbm4b:s10+s3] =	stream.linear.scatter [tilespmem:s1], [sflag:$0x2], $0x1000, $0x38;
	[tilespmem:$0x1E400] =	vst v63  }
0x8b: {  	_ =	swait.ge [sflag:s28], $0x1000  }
0x8c: {  	[sflag:s28] =	ssyncset.done $0x0  }
0x8d: {  	s13 =	simm.s32 $0x1E0;
	[sflag:s28] =	ssyncadd.s32 $0xFFFFF000  }
0x8e: {  	[tilespmem:s8], [sflag:$0x1] =	stream.indirect.gather [spmem:s2], $0x80, s13, s29, $0xb8;
	[tilespmem:$0x1E400] =	vst v63  }
0x8f: {  	_ =	swait.ge [sflag:s26], $0x1000  }
0x90: {  	[sflag:s26] =	ssyncset.done $0x0  }
0x91: {  	s14 =	sadd.s32 $0x0, s21;
	[sflag:s26] =	ssyncadd.s32 $0xFFFFF000  }
0x92: {  	[hbm4b:s14+s3] =	stream.linear.scatter [tilespmem:s4], [sflag:$0x2], $0x1000, $0x38;
	[tilespmem:$0x1E400] =	vst v63  }
0x93: {  	_ =	swait.ge [sflag:s28], $0x1000  }
0x94: {  	[sflag:s28] =	ssyncset.done $0x0  }
0x95: {  	s15 =	simm.s32 $0x200;
	[sflag:s28] =	ssyncadd.s32 $0xFFFFF000  }
0x96: {  	[tilespmem:s30], [sflag:$0x1] =	stream.indirect.gather [spmem:s2], $0x80, s15, s29, $0xb8;
	[tilespmem:$0x1E400] =	vst v63  }
0x97: {  	_ =	swait.ge [sflag:s26], $0x1000  }
0x98: {  	s11 =	rddreg [dreg:$0x9];
	[sflag:s26] =	ssyncset.done $0x0  }
0x99: {  	[sflag:s26] =	ssyncadd.s32 $0xFFFFF000;
	s10 =	sadd.s32 $0x0, s11  }
0x9a: {  	[hbm4b:s10+s3] =	stream.linear.scatter [tilespmem:s5], [sflag:$0x2], $0x1000, $0x38;
	[tilespmem:$0x1E400] =	vst v63  }
0x9b: {  	_ =	swait.ge [sflag:s28], $0x1000  }
0x9c: {  	[sflag:s28] =	ssyncset.done $0x0  }
0x9d: {  	s12 =	simm.s32 $0x220;
	[sflag:s28] =	ssyncadd.s32 $0xFFFFF000  }
0x9e: {  	[tilespmem:s31], [sflag:$0x1] =	stream.indirect.gather [spmem:s2], $0x80, s12, s29, $0xb8;
	[tilespmem:$0x1E400] =	vst v63  }
0x9f: {  	_ =	swait.ge [sflag:s26], $0x1000  }
0xa0: {  	s13 =	rddreg [dreg:$0x8];
	[sflag:s26] =	ssyncset.done $0x0  }
0xa1: {  	[sflag:s26] =	ssyncadd.s32 $0xFFFFF000;
	s10 =	sadd.s32 $0x0, s13  }
0xa2: {  	[hbm4b:s10+s3] =	stream.linear.scatter [tilespmem:s6], [sflag:$0x2], $0x1000, $0x38;
	[tilespmem:$0x1E400] =	vst v63  }
0xa3: {  	_ =	swait.ge [sflag:s28], $0x1000  }
0xa4: {  	[sflag:s28] =	ssyncset.done $0x0  }
0xa5: {  	s14 =	simm.s32 $0x240;
	[sflag:s28] =	ssyncadd.s32 $0xFFFFF000  }
0xa6: {  	[tilespmem:s0], [sflag:$0x1] =	stream.indirect.gather [spmem:s2], $0x80, s14, s29, $0xb8;
	[tilespmem:$0x1E400] =	vst v63  }
0xa7: {  	_ =	swait.ge [sflag:s26], $0x1000  }
0xa8: {  	s15 =	rddreg [dreg:$0x7];
	[sflag:s26] =	ssyncset.done $0x0  }
0xa9: {  	[sflag:s26] =	ssyncadd.s32 $0xFFFFF000;
	s10 =	sadd.s32 $0x0, s15  }
0xaa: {  	[hbm4b:s10+s3] =	stream.linear.scatter [tilespmem:s8], [sflag:$0x2], $0x1000, $0x38;
	[tilespmem:$0x1E400] =	vst v63  }
0xab: {  	_ =	swait.ge [sflag:s28], $0x1000  }
0xac: {  	s11 =	simm.s32 $0x1000;
	[sflag:s28] =	ssyncset.done $0x0  }
0xad: {  	s12 =	simm.s32 $0x360;
	s10 =	simm.s32 $0x260;
	[sflag:s28] =	ssyncadd.s32 $0xFFFFF000  }
.LBB2_2:
0xae: {  	[tilespmem:s1], [sflag:$0x1] =	stream.indirect.gather [spmem:s2], $0x80, s10, s29, $0xb8;
	[tilespmem:$0x1E400] =	vst v63  }
0xaf: {  	_ =	swait.ge [sflag:s26], $0x1000  }
0xb0: {  	s13 =	smov.u32 s11;
	s14 =	rddreg [dreg:$0x5];
	[sflag:s26] =	ssyncset.done $0x0  }
0xb1: {  	[sflag:s26] =	ssyncadd.s32 $0xFFFFF000;
	s14 =	sadd.s32 s13, s14  }
0xb2: {  	[hbm4b:s14+s3] =	stream.linear.scatter [tilespmem:s30], [sflag:$0x2], $0x1000, $0x38;
	[tilespmem:$0x1E400] =	vst v63  }
0xb3: {  	_ =	swait.ge [sflag:s28], $0x1000  }
0xb4: {  	[sflag:s28] =	ssyncset.done $0x0  }
0xb5: {  	s15 =	sadd.s32 $0xFFFFFF20, s12;
	[sflag:s28] =	ssyncadd.s32 $0xFFFFF000  }
0xb6: {  	[tilespmem:s4], [sflag:$0x1] =	stream.indirect.gather [spmem:s2], $0x80, s15, s29, $0xb8;
	[tilespmem:$0x1E400] =	vst v63  }
0xb7: {  	_ =	swait.ge [sflag:s26], $0x1000  }
0xb8: {  	s15 =	rddreg [dreg:$0x6]  }
0xb9: {  	[sflag:s26] =	ssyncset.done $0x0;
	s14 =	sadd.s32 s13, s15  }
0xba: {  	[sflag:s26] =	ssyncadd.s32 $0xFFFFF000;
	s15 =	sadd.s32 $0x1200, s14  }
0xbb: {  	[hbm4b:s15+s3] =	stream.linear.scatter [tilespmem:s31], [sflag:$0x2], $0x1000, $0x38;
	[tilespmem:$0x1E400] =	vst v63  }
0xbc: {  	_ =	swait.ge [sflag:s28], $0x1000  }
0xbd: {  	[sflag:s28] =	ssyncset.done $0x0  }
0xbe: {  	s15 =	sadd.s32 $0xFFFFFF40, s12;
	[sflag:s28] =	ssyncadd.s32 $0xFFFFF000  }
0xbf: {  	[tilespmem:s5], [sflag:$0x1] =	stream.indirect.gather [spmem:s2], $0x80, s15, s29, $0xb8;
	[tilespmem:$0x1E400] =	vst v63  }
0xc0: {  	_ =	swait.ge [sflag:s26], $0x1000  }
0xc1: {  	[sflag:s26] =	ssyncset.done $0x0  }
0xc2: {  	s15 =	sadd.s32 $0x1400, s14;
	[sflag:s26] =	ssyncadd.s32 $0xFFFFF000  }
0xc3: {  	[hbm4b:s15+s3] =	stream.linear.scatter [tilespmem:s0], [sflag:$0x2], $0x1000, $0x38;
	[tilespmem:$0x1E400] =	vst v63  }
0xc4: {  	_ =	swait.ge [sflag:s28], $0x1000  }
0xc5: {  	[sflag:s28] =	ssyncset.done $0x0  }
0xc6: {  	s15 =	sadd.s32 $0xFFFFFF60, s12;
	[sflag:s28] =	ssyncadd.s32 $0xFFFFF000  }
0xc7: {  	[tilespmem:s6], [sflag:$0x1] =	stream.indirect.gather [spmem:s2], $0x80, s15, s29, $0xb8;
	[tilespmem:$0x1E400] =	vst v63  }
0xc8: {  	_ =	swait.ge [sflag:s26], $0x1000  }
0xc9: {  	[sflag:s26] =	ssyncset.done $0x0  }
0xca: {  	s14 =	sadd.s32 $0x1600, s14;
	[sflag:s26] =	ssyncadd.s32 $0xFFFFF000  }
0xcb: {  	[hbm4b:s14+s3] =	stream.linear.scatter [tilespmem:s1], [sflag:$0x2], $0x1000, $0x38;
	[tilespmem:$0x1E400] =	vst v63  }
0xcc: {  	_ =	swait.ge [sflag:s28], $0x1000  }
0xcd: {  	[sflag:s28] =	ssyncset.done $0x0  }
0xce: {  	s15 =	sadd.s32 $0xFFFFFF80, s12;
	[sflag:s28] =	ssyncadd.s32 $0xFFFFF000  }
0xcf: {  	[tilespmem:s8], [sflag:$0x1] =	stream.indirect.gather [spmem:s2], $0x80, s15, s29, $0xb8;
	[tilespmem:$0x1E400] =	vst v63  }
0xd0: {  	_ =	swait.ge [sflag:s26], $0x1000  }
0xd1: {  	[sflag:s26] =	ssyncset.done $0x0  }
0xd2: {  	s15 =	sadd.s32 s13, s21;
	[sflag:s26] =	ssyncadd.s32 $0xFFFFF000  }
0xd3: {  	[hbm4b:s15+s3] =	stream.linear.scatter [tilespmem:s4], [sflag:$0x2], $0x1000, $0x38;
	[tilespmem:$0x1E400] =	vst v63  }
0xd4: {  	_ =	swait.ge [sflag:s28], $0x1000  }
0xd5: {  	[sflag:s28] =	ssyncset.done $0x0  }
0xd6: {  	s15 =	sadd.s32 $0xFFFFFFA0, s12;
	[sflag:s28] =	ssyncadd.s32 $0xFFFFF000  }
0xd7: {  	[tilespmem:s30], [sflag:$0x1] =	stream.indirect.gather [spmem:s2], $0x80, s15, s29, $0xb8;
	[tilespmem:$0x1E400] =	vst v63  }
0xd8: {  	_ =	swait.ge [sflag:s26], $0x1000  }
0xd9: {  	s15 =	rddreg [dreg:$0x9];
	[sflag:s26] =	ssyncset.done $0x0  }
0xda: {  	[sflag:s26] =	ssyncadd.s32 $0xFFFFF000;
	s14 =	sadd.s32 s13, s15  }
0xdb: {  	[hbm4b:s14+s3] =	stream.linear.scatter [tilespmem:s5], [sflag:$0x2], $0x1000, $0x38;
	[tilespmem:$0x1E400] =	vst v63  }
0xdc: {  	_ =	swait.ge [sflag:s28], $0x1000  }
0xdd: {  	[sflag:s28] =	ssyncset.done $0x0  }
0xde: {  	s15 =	sadd.s32 $0xFFFFFFC0, s12;
	[sflag:s28] =	ssyncadd.s32 $0xFFFFF000  }
0xdf: {  	[tilespmem:s31], [sflag:$0x1] =	stream.indirect.gather [spmem:s2], $0x80, s15, s29, $0xb8;
	[tilespmem:$0x1E400] =	vst v63  }
0xe0: {  	_ =	swait.ge [sflag:s26], $0x1000  }
0xe1: {  	s15 =	rddreg [dreg:$0x8];
	[sflag:s26] =	ssyncset.done $0x0  }
0xe2: {  	[sflag:s26] =	ssyncadd.s32 $0xFFFFF000;
	s14 =	sadd.s32 s13, s15  }
0xe3: {  	[hbm4b:s14+s3] =	stream.linear.scatter [tilespmem:s6], [sflag:$0x2], $0x1000, $0x38;
	[tilespmem:$0x1E400] =	vst v63  }
0xe4: {  	_ =	swait.ge [sflag:s28], $0x1000  }
0xe5: {  	[sflag:s28] =	ssyncset.done $0x0  }
0xe6: {  	s15 =	sadd.s32 $0xFFFFFFE0, s12;
	[sflag:s28] =	ssyncadd.s32 $0xFFFFF000  }
0xe7: {  	[tilespmem:s0], [sflag:$0x1] =	stream.indirect.gather [spmem:s2], $0x80, s15, s29, $0xb8;
	[tilespmem:$0x1E400] =	vst v63  }
0xe8: {  	_ =	swait.ge [sflag:s26], $0x1000  }
0xe9: {  	p0 =	sne.s32 s11, $0x61000;
	s15 =	rddreg [dreg:$0x7];
	[sflag:s26] =	ssyncset.done $0x0  }
.Ltmp0:
0xea: {  	[sflag:s26] =	ssyncadd.s32 $0xFFFFF000;
	s13 =	sadd.s32 s13, s15;
	(pc) =	sbr.rel @p0 .LBB2_2-.Ltmp0, $4  }
0xeb: {  	[hbm4b:s13+s3] =	stream.linear.scatter [tilespmem:s8], [sflag:$0x2], $0x1000, $0x38;
	[tilespmem:$0x1E400] =	vst v63  }
0xec: {  	_ =	swait.ge [sflag:s28], $0x1000  }
0xed: {  	s10 =	smov.u32 s12;
	[sflag:s28] =	ssyncset.done $0x0  }
0xee: {  	s11 =	sadd.s32 $0x1000, s11;
	s12 =	sadd.s32 $0x100, s12;
	[sflag:s28] =	ssyncadd.s32 $0xFFFFF000  }
0xef: {  	[tilespmem:s1], [sflag:$0x1] =	stream.indirect.gather [spmem:s2], $0x80, s10, s29, $0xb8;
	[tilespmem:$0x1E400] =	vst v63  }
0xf0: {  	_ =	swait.ge [sflag:s26], $0x1000  }
0xf1: {  	[sflag:s26] =	ssyncset.done $0x0  }
0xf2: {  	s11 =	rddreg [dreg:$0x14];
	[sflag:s26] =	ssyncadd.s32 $0xFFFFF000  }
0xf3: {  	[hbm4b:s11+s3] =	stream.linear.scatter [tilespmem:s30], [sflag:$0x2], $0x1000, $0x38;
	[tilespmem:$0x1E400] =	vst v63  }
0xf4: {  	_ =	swait.ge [sflag:s28], $0x1000  }
0xf5: {  	[sflag:s28] =	ssyncset.done $0x0  }
0xf6: {  	s12 =	simm.s32 $0x6380;
	[sflag:s28] =	ssyncadd.s32 $0xFFFFF000  }
0xf7: {  	[tilespmem:s4], [sflag:$0x1] =	stream.indirect.gather [spmem:s2], $0x80, s12, s29, $0xb8;
	[tilespmem:$0x1E400] =	vst v63  }
0xf8: {  	_ =	swait.ge [sflag:s26], $0x1000  }
0xf9: {  	[sflag:s26] =	ssyncset.done $0x0  }
0xfa: {  	[sflag:s26] =	ssyncadd.s32 $0xFFFFF000  }
0xfb: {  	[hbm4b:s16+s3] =	stream.linear.scatter [tilespmem:s31], [sflag:$0x2], $0x1000, $0x38;
	[tilespmem:$0x1E400] =	vst v63  }
0xfc: {  	_ =	swait.ge [sflag:s28], $0x1000  }
0xfd: {  	[sflag:s28] =	ssyncset.done $0x0  }
0xfe: {  	s13 =	simm.s32 $0x63A0;
	[sflag:s28] =	ssyncadd.s32 $0xFFFFF000  }
0xff: {  	[tilespmem:s5], [sflag:$0x1] =	stream.indirect.gather [spmem:s2], $0x80, s13, s29, $0xb8;
	[tilespmem:$0x1E400] =	vst v63  }
0x100: {  	_ =	swait.ge [sflag:s26], $0x1000  }
0x101: {  	[sflag:s26] =	ssyncset.done $0x0  }
0x102: {  	[sflag:s26] =	ssyncadd.s32 $0xFFFFF000  }
0x103: {  	[hbm4b:s17+s3] =	stream.linear.scatter [tilespmem:s0], [sflag:$0x2], $0x1000, $0x38;
	[tilespmem:$0x1E400] =	vst v63  }
0x104: {  	_ =	swait.ge [sflag:s28], $0x1000  }
0x105: {  	[sflag:s28] =	ssyncset.done $0x0  }
0x106: {  	s14 =	simm.s32 $0x63C0;
	[sflag:s28] =	ssyncadd.s32 $0xFFFFF000  }
0x107: {  	[tilespmem:s6], [sflag:$0x1] =	stream.indirect.gather [spmem:s2], $0x80, s14, s29, $0xb8;
	[tilespmem:$0x1E400] =	vst v63  }
0x108: {  	_ =	swait.ge [sflag:s26], $0x1000  }
0x109: {  	[sflag:s26] =	ssyncset.done $0x0  }
0x10a: {  	[sflag:s26] =	ssyncadd.s32 $0xFFFFF000  }
0x10b: {  	[hbm4b:s18+s3] =	stream.linear.scatter [tilespmem:s1], [sflag:$0x2], $0x1000, $0x38;
	[tilespmem:$0x1E400] =	vst v63  }
0x10c: {  	_ =	swait.ge [sflag:s28], $0x1000  }
0x10d: {  	[sflag:s28] =	ssyncset.done $0x0  }
0x10e: {  	s15 =	simm.s32 $0x63E0;
	[sflag:s28] =	ssyncadd.s32 $0xFFFFF000  }
0x10f: {  	[tilespmem:s8], [sflag:$0x1] =	stream.indirect.gather [spmem:s2], $0x80, s15, s29, $0xb8;
	[tilespmem:$0x1E400] =	vst v63  }
0x110: {  	_ =	swait.ge [sflag:s26], $0x1000  }
0x111: {  	[sflag:s26] =	ssyncset.done $0x0  }
0x112: {  	[sflag:s26] =	ssyncadd.s32 $0xFFFFF000  }
0x113: {  	[hbm4b:s19+s3] =	stream.linear.scatter [tilespmem:s4], [sflag:$0x2], $0x1000, $0x38;
	[tilespmem:$0x1E400] =	vst v63  }
0x114: {  	_ =	swait.ge [sflag:s28], $0x1000  }
0x115: {  	[sflag:s28] =	ssyncset.done $0x0  }
0x116: {  	[sflag:s28] =	ssyncadd.s32 $0xFFFFF000  }
0x117: {  	_ =	swait.ge [sflag:s26], $0x1000  }
0x118: {  	[sflag:s26] =	ssyncset.done $0x0  }
0x119: {  	[sflag:s26] =	ssyncadd.s32 $0xFFFFF000  }
0x11a: {  	[hbm4b:s20+s3] =	stream.linear.scatter [tilespmem:s5], [sflag:$0x2], $0x1000, $0x38;
	[tilespmem:$0x1E400] =	vst v63  }
0x11b: {  	_ =	swait.ge [sflag:s28], $0x1000  }
0x11c: {  	[sflag:s28] =	ssyncset.done $0x0  }
0x11d: {  	[sflag:s28] =	ssyncadd.s32 $0xFFFFF000  }
0x11e: {  	_ =	swait.ge [sflag:s26], $0x1000  }
0x11f: {  	[sflag:s26] =	ssyncset.done $0x0  }
0x120: {  	[sflag:s26] =	ssyncadd.s32 $0xFFFFF000  }
0x121: {  	[hbm4b:s22+s3] =	stream.linear.scatter [tilespmem:s6], [sflag:$0x2], $0x1000, $0x38;
	[tilespmem:$0x1E400] =	vst v63  }
0x122: {  	_ =	swait.ge [sflag:s28], $0x1000  }
0x123: {  	[sflag:s28] =	ssyncset.done $0x0  }
0x124: {  	[sflag:s28] =	ssyncadd.s32 $0xFFFFF000  }
0x125: {  	_ =	swait.ge [sflag:s26], $0x1000  }
0x126: {  	[sflag:s26] =	ssyncset.done $0x0  }
0x127: {  	[sflag:s26] =	ssyncadd.s32 $0xFFFFF000  }
0x128: {  	[hbm4b:s23+s3] =	stream.linear.scatter [tilespmem:s8], [sflag:$0x2], $0x1000, $0x38;
	[tilespmem:$0x1E400] =	vst v63  }
0x129: {  	_ =	swait.ge [sflag:s28], $0x1000  }
0x12a: {  	[sflag:s28] =	ssyncset.done $0x0  }
0x12b: {  	[sflag:s28] =	ssyncadd.s32 $0xFFFFF000  }
0x12c: {  	_ =	swait.ge [sflag:s28], $0x1000  }
0x12d: {  	[sflag:s28] =	ssyncset.done $0x0  }
0x12e: {  	[sflag:s28] =	ssyncadd.s32 $0xFFFFF000  }
0x12f: {  	_ =	swait.ge [sflag:s28], $0x1000  }
0x130: {  	[sflag:s28] =	ssyncset.done $0x0  }
0x131: {  	s9 =	sadd.s32 $0x1, s9;
	[sflag:s28] =	ssyncadd.s32 $0xFFFFF000  }
0x132: {  	p0 =	sne.s32 s9, s24;
	_ =	swait.ge [sflag:s28], $0x1000  }
.Ltmp1:
0x133: {  	[sflag:s28] =	ssyncset.done $0x0;
	(pc) =	sbr.rel @p0 .LBB2_1-.Ltmp1, $4  }
0x134: {  	[sflag:s28] =	ssyncadd.s32 $0xFFFFF000  }
0x135: {  	_ =	swait.ge [sflag:s28], $0x1000  }
0x136: {  	[sflag:s28] =	ssyncset.done $0x0  }
0x137: {  	[sflag:s28] =	ssyncadd.s32 $0xFFFFF000  }
0x138: {  	_ =	sfence.sel $0x180000  }
0x139: {  	[bflag:$0x0] =	sbarrier.arrive $0xFFFF  }
0x13a: {  	_ =	strace $0x90000047  }
0x13b: {  	s0 =	stileid.u32;
	[bflag:$0x2] =	sbarrier.arrive $0xFFFF  }
0x13c: {  	p0 =	sne.s32 s0, $0x0;
	s0 =	rddreg [dreg:$0x4]  }
0x13d: {  	s0 =	sadd.s32 @!p0 $0x100000, s0  }
0x13e: {  	[sflag:s0] =	ssyncadd.tile.s32 @!p0 $0x1;
	_ =	shalt  }
.Lfunc_end2:
_tile_overlayer_lowered:
.L_overlay_start_2:
0x13f: {  	(tag) =	ssettag $0x2  }
0x140: {  	s0 =	rddreg [dreg:$0x0];
	s2 =	stileid.u32  }
0x141: {  	s1 =	rddreg [dreg:$0x1];
	p0 =	sne.s32 s2, $0x0  }
0x142: {  	s3 =	rddreg [dreg:$0x2];
	[bflag:$0x3] =	sbarrier.arrive $0xFFFF;
	s2 =	simm.s32 @!p0 $0x1C03  }
0x143: {  	[timem:s3], [sflag:s2] =	dma.local @!p0 [hbm:s0], s1  }
0x144: {  	s0 =	simm.s32 @!p0 $0x3  }
0x145: {  	_ =	swait.ge @!p0 [sflag:s0], s1  }
0x146: {  	s1 =	ssub.s32 @!p0 $0x0, s1;
	[sflag:s0] =	ssyncset.done @!p0 $0x0  }
0x147: {  	[sflag:s0] =	ssyncadd.s32 @!p0 s1  }
0x148: {  	[bflag:$0x3] =	sbarrier.arrive $0xFFFF  }
0x149: {  	_ =	shalt  }

</sc_bundles>
